<compile_context>
chip_gen: v7x
topology: tpu7x:2x2x1
jax: 0.10.2.dev20260603
libtpu: 0.0.44.dev20260713+nightly
codegen_flags: <defaults>
</compile_context>

<pallas_src>
import functools

import jax
import jax.numpy as jnp
from jax import lax
from jax.experimental import pallas as pl
from jax.experimental.pallas import tpu as pltpu
from jax.experimental.pallas import tpu_sc as plsc

_L = 16
_K = 25
_NEG_INF = float("-inf")
_CHUNK = 8192
_SUBS = 16
_VPS = _CHUNK // (_SUBS * _L)
_CAND = 4096
_OUTW = 32


@functools.cache
def _sc_collect(rows, cols):
    info = plsc.get_sparse_core_info()
    nc, ns = info.num_cores, info.num_subcores
    nw = nc * ns
    slice_len = (rows * cols) // nw
    chunks = slice_len // _CHUNK
    cpr = cols // _CHUNK
    assert slice_len % _CHUNK == 0 and cols % _CHUNK == 0

    mesh = plsc.VectorSubcoreMesh(core_axis_name="c", subcore_axis_name="s")

    @functools.partial(
        pl.kernel,
        out_type=(
            jax.ShapeDtypeStruct((nw * _OUTW,), jnp.float32),
            jax.ShapeDtypeStruct((nw * _OUTW,), jnp.float32),
        ),
        mesh=mesh,
        compiler_params=pltpu.CompilerParams(needs_layout_passes=False),
        scratch_types=[
            pltpu.VMEM((_CHUNK,), jnp.float32),
            pltpu.VMEM((_CHUNK,), jnp.float32),
            pltpu.VMEM((_CHUNK,), jnp.float32),
            pltpu.VMEM((_CHUNK,), jnp.float32),
            pltpu.VMEM((_CAND,), jnp.float32),
            pltpu.VMEM((_CAND,), jnp.float32),
            pltpu.VMEM((4 * _L,), jnp.float32),
            pltpu.VMEM((2 * _L,), jnp.int32),
            pltpu.VMEM((_OUTW,), jnp.float32),
            pltpu.VMEM((_OUTW,), jnp.float32),
            pltpu.SemaphoreType.DMA,
            pltpu.SemaphoreType.DMA,
        ],
    )
    def collect(x_hbm, t_hbm, outn_hbm, outp_hbm,
                xb0, tb0, xb1, tb1, cna, cnb, trk, cnts, oa, ob, sem0, sem1):
        ninf = jnp.full((_L,), _NEG_INF, jnp.float32)
        zc = jnp.zeros((_L,), jnp.int32)
        iot = lax.iota(jnp.int32, _L)
        wid = lax.axis_index("s") * nc + lax.axis_index("c")

        def initb(j, _):
            cna[pl.ds(j * _L, _L)] = ninf
            cnb[pl.ds(j * _L, _L)] = ninf
            return 0

        lax.fori_loop(0, _CAND // _L, initb, 0)
        for j in range(4):
            trk[pl.ds(j * _L, _L)] = ninf
        cnts[pl.ds(0, _L)] = zc
        cnts[pl.ds(_L, _L)] = zc

        def merge_top32(off, gmd):
            hi = trk[pl.ds(off, _L)]
            nh = jnp.maximum(hi, gmd)
            sp = jnp.minimum(hi, gmd)
            nh, _ = plsc.sort_key_val(nh, nh, descending=False)
            spd, _ = plsc.sort_key_val(sp, sp, descending=True)
            lo_ = trk[pl.ds(off + _L, _L)]
            nl = jnp.maximum(lo_, spd)
            nl, _ = plsc.sort_key_val(nl, nl, descending=False)
            trk[pl.ds(off, _L)] = nh
            trk[pl.ds(off + _L, _L)] = nl

        def process_chunk(xb, tb):
            def sub_body(s, _):
                taua = trk[pl.ds(_L, _L)][0]
                taub = trk[pl.ds(3 * _L, _L)][0]
                ntaub = -taub

                def grp_body(g, __):
                    gbase = (s * 4 + g) * 8 * _L
                    xvs = [xb[pl.ds(gbase + j * _L, _L)] for j in range(8)]
                    mx0 = jnp.maximum(jnp.maximum(xvs[0], xvs[1]),
                                      jnp.maximum(xvs[2], xvs[3]))
                    mx1 = jnp.maximum(jnp.maximum(xvs[4], xvs[5]),
                                      jnp.maximum(xvs[6], xvs[7]))
                    mn0 = jnp.minimum(jnp.minimum(xvs[0], xvs[1]),
                                      jnp.minimum(xvs[2], xvs[3]))
                    mn1 = jnp.minimum(jnp.minimum(xvs[4], xvs[5]),
                                      jnp.minimum(xvs[6], xvs[7]))
                    mx = jnp.maximum(mx0, mx1)
                    mn = jnp.minimum(mn0, mn1)
                    hit = (mx > taua) | (mn < ntaub)
                    nhit = plsc.all_reduce_population_count(hit)[0]

                    @pl.when(nhit > 0)
                    def _():
                        cnta = cnts[pl.ds(0, _L)][0]
                        cntb = cnts[pl.ds(_L, _L)][0]
                        ga = ninf
                        gb = ninf
                        for j in range(8):
                            xv = xvs[j]
                            tv = tb[pl.ds(gbase + j * _L, _L)]
                            isneg = tv < 0.5
                            a = jnp.where(isneg, xv, ninf)
                            b = jnp.where(isneg, ninf, -xv)
                            ka = a > taua
                            kb = b > taub
                            ma = jnp.where(ka, a, ninf)
                            mb = jnp.where(kb, b, ninf)
                            sa, _ = plsc.sort_key_val(ma, ma, descending=True)
                            sb, _ = plsc.sort_key_val(mb, mb, descending=True)
                            cna[pl.ds(jnp.minimum(cnta, _CAND - _L), _L)] = sa
                            cnb[pl.ds(jnp.minimum(cntb, _CAND - _L), _L)] = sb
                            cnta = cnta + plsc.all_reduce_population_count(ka)[0]
                            cntb = cntb + plsc.all_reduce_population_count(kb)[0]
                            ga = jnp.maximum(ga, ma)
                            gb = jnp.maximum(gb, mb)
                        cnts[pl.ds(0, _L)] = zc + cnta
                        cnts[pl.ds(_L, _L)] = zc + cntb
                        gad, _ = plsc.sort_key_val(ga, ga, descending=True)
                        gbd, _ = plsc.sort_key_val(gb, gb, descending=True)
                        merge_top32(0, gad)
                        merge_top32(2 * _L, gbd)

                    return 0

                lax.fori_loop(0, 4, grp_body, 0)
                return 0

            lax.fori_loop(0, _SUBS, sub_body, 0)

        def mk(ref, c, buf, sem):
            gc = wid * chunks + c
            return pltpu.make_async_copy(
                ref.at[gc // cpr, pl.ds((gc % cpr) * _CHUNK, _CHUNK)],
                buf, sem)

        mk(x_hbm, 0, xb0, sem0).start()
        mk(t_hbm, 0, tb0, sem0).start()
        mk(x_hbm, 1, xb1, sem1).start()
        mk(t_hbm, 1, tb1, sem1).start()

        def pair_body(g, _):
            c0 = 2 * g
            c1 = 2 * g + 1
            mk(x_hbm, c0, xb0, sem0).wait()
            mk(t_hbm, c0, tb0, sem0).wait()
            process_chunk(xb0, tb0)

            @pl.when(c0 + 2 < chunks)
            def _():
                mk(x_hbm, c0 + 2, xb0, sem0).start()
                mk(t_hbm, c0 + 2, tb0, sem0).start()

            mk(x_hbm, c1, xb1, sem1).wait()
            mk(t_hbm, c1, tb1, sem1).wait()
            process_chunk(xb1, tb1)

            @pl.when(c1 + 2 < chunks)
            def _():
                mk(x_hbm, c1 + 2, xb1, sem1).start()
                mk(t_hbm, c1 + 2, tb1, sem1).start()

            return 0

        lax.fori_loop(0, chunks // 2, pair_body, 0)
        cnta = cnts[pl.ds(0, _L)][0]
        cntb = cnts[pl.ds(_L, _L)][0]

        def select25(cref, cnt):
            nv = (jnp.minimum(cnt, _CAND) + (_L - 1)) // _L

            def kbody(k, kc):
                filled, o0, o1 = kc

                def smax(j, m):
                    return jnp.maximum(m, cref[pl.ds(j * _L, _L)])

                v = jnp.max(lax.fori_loop(0, nv, smax, ninf))

                def srm(j, cacc):
                    vr = cref[pl.ds(j * _L, _L)]
                    eq = vr == v
                    cref[pl.ds(j * _L, _L)] = jnp.where(eq, ninf, vr)
                    return cacc + plsc.all_reduce_population_count(eq)

                cvec = lax.fori_loop(0, nv, srm, zc)
                take = jnp.minimum(cvec[0], _K - filled)
                lo = filled
                hi = filled + take
                o0 = jnp.where((iot >= lo) & (iot < hi), v, o0)
                o1 = jnp.where(((iot + _L) >= lo) & ((iot + _L) < hi), v, o1)
                return (filled + take, o0, o1)

            _, o0, o1 = lax.fori_loop(0, _K, kbody, (jnp.int32(0), ninf, ninf))
            return o0, o1

        o0, o1 = select25(cna, cnta)
        oa[pl.ds(0, _L)] = o0
        oa[pl.ds(_L, _L)] = o1
        p0, p1 = select25(cnb, cntb)
        ob[pl.ds(0, _L)] = p0
        ob[pl.ds(_L, _L)] = p1
        pltpu.sync_copy(oa, outn_hbm.at[pl.ds(wid * _OUTW, _OUTW)])
        pltpu.sync_copy(ob, outp_hbm.at[pl.ds(wid * _OUTW, _OUTW)])

    return collect


def _merge_body(nref, pref, oref):
    lane = lax.broadcasted_iota(jnp.int32, (1, 128), 1)

    def select25_tc(arr0):
        def kbody(k, kc):
            filled, out, arr = kc
            v = jnp.max(arr)
            eq = arr == v
            c = jnp.sum(eq.astype(jnp.int32))
            take = jnp.minimum(c, _K - filled)
            out = jnp.where((lane >= filled) & (lane < filled + take), v, out)
            arr = jnp.where(eq, _NEG_INF, arr)
            return (filled + take, out, arr)

        _, out, _ = lax.fori_loop(
            0, _K, kbody,
            (jnp.int32(0), jnp.full((1, 128), _NEG_INF, jnp.float32), arr0))
        return out

    m25 = lane < _K
    seln = select25_tc(nref[...])
    selp = select25_tc(pref[...])
    pn = jax.nn.sigmoid(seln)
    tn = jnp.maximum(jnp.log(1.0 - pn), -100.0)
    neg_loss = -0.5 * jnp.sum(jnp.where(m25, tn, 0.0)) / _K
    pp = jax.nn.sigmoid(-selp)
    tp = jnp.maximum(jnp.log(pp), -100.0)
    pos_loss = -0.5 * jnp.sum(jnp.where(m25, tp, 0.0)) / _K
    oref[...] = jnp.where(lane == 0, pos_loss,
                          jnp.where(lane == 1, neg_loss, 0.0))


def kernel(font_output, font_target, use_hard_mining):
    x = font_output
    t = font_target
    rows, cols = x.shape

    def hard(_):
        negc, posc = _sc_collect(rows, cols)(x, t)
        out = pl.pallas_call(
            _merge_body,
            out_shape=jax.ShapeDtypeStruct((1, 128), jnp.float32),
        )(negc.reshape(8, -1), posc.reshape(8, -1))
        return out[0, 0], out[0, 1]

    def soft(_):
        p = jax.nn.sigmoid(x)
        pos_mask = t == 1
        neg_mask = t == 0
        logp = jnp.clip(jnp.log(p), -100.0, None)
        log1mp = jnp.clip(jnp.log(1.0 - p), -100.0, None)
        pos_loss = 0.5 * jnp.sum(jnp.where(pos_mask, -logp, 0.0)) / jnp.sum(pos_mask)
        neg_loss = 0.5 * jnp.sum(jnp.where(neg_mask, -log1mp, 0.0)) / jnp.sum(neg_mask)
        return pos_loss, neg_loss

    pos_loss, neg_loss = lax.cond(use_hard_mining != 0, hard, soft, operand=None)
    return (pos_loss + neg_loss, pos_loss, neg_loss)

# --- scband reference (transcript-rebuilt; emitter-appended) ---
"""Pipeline reference for scband-loss-75368086110913 (READ-ONLY COPY).

The authoritative reference and input builder live on the scoring server;
editing this copy changes nothing except your own understanding.
"""

import jax, jax.numpy as jnp
import numpy as np


def setup_inputs(seed: int = 0) -> dict:
    key = jax.random.key(seed)
    k1, k2 = jax.random.split(key)
    font_output = jax.random.normal(k1, (128, 32768), dtype=jnp.float32)
    # targets are exactly 0/1 floats, as BCELoss expects
    font_target = jax.random.randint(k2, (128, 32768), 0, 2).astype(jnp.float32)
    return {"font_output": font_output, "font_target": font_target, "use_hard_mining": 1}


def _bce_mean(p, t):
    # torch.nn.BCELoss clamps log terms at -100
    logp = jnp.clip(jnp.log(p), -100.0, None)
    log1mp = jnp.clip(jnp.log(1.0 - p), -100.0, None)
    return jnp.mean(-(t * logp + (1.0 - t) * log1mp))


def reference(font_output, font_target, use_hard_mining=1):
    batch_size = font_output.shape[0]
    out = jax.nn.sigmoid(font_output).reshape(-1)
    tgt = font_target.reshape(-1)
    pos_mask = tgt == 1
    neg_mask = tgt == 0
    num_hard_pos = max(2, int(0.2 * batch_size))  # 25 for batch=128
    num_hard_neg = max(num_hard_pos, 2)

    def _hard_branch(_):
        # hard_mining(largest=False): smallest num_hard_pos positive outputs.
        # (note: the original hard_mining resets start=0, so no prefix is dropped)
        # With ~50% positives over 4.2M elements, count(pos) >> num_hard_pos, so
        # the mining branch is always taken; fixed-size top_k over masked scores
        # is exactly equivalent to boolean-select + topk here.
        pos_scores = jnp.where(pos_mask, out, jnp.inf)
        neg_of_pos, _ = jax.lax.top_k(-pos_scores, num_hard_pos)
        pos_vals = -neg_of_pos
        # selected targets are all exactly 1
        pos_loss = _bce_mean(pos_vals, jnp.ones_like(pos_vals)) * 0.5
        # hard_mining(largest=True): largest num_hard_neg negative outputs
        neg_scores = jnp.where(neg_mask, out, -jnp.inf)
        neg_vals, _ = jax.lax.top_k(neg_scores, num_hard_neg)
        neg_loss = _bce_mean(neg_vals, jnp.zeros_like(neg_vals)) * 0.5
        return pos_loss, neg_loss

    def _soft_branch(_):
        pos_cnt = jnp.sum(pos_mask)
        neg_cnt = jnp.sum(neg_mask)
        logp = jnp.clip(jnp.log(out), -100.0, None)
        log1mp = jnp.clip(jnp.log(1.0 - out), -100.0, None)
        pos_loss = 0.5 * jnp.sum(jnp.where(pos_mask, -logp, 0.0)) / pos_cnt
        neg_loss = 0.5 * jnp.sum(jnp.where(neg_mask, -log1mp, 0.0)) / neg_cnt
        return pos_loss, neg_loss

    pos_loss, neg_loss = jax.lax.cond(
        use_hard_mining != 0, _hard_branch, _soft_branch, operand=None
    )
    font_loss = pos_loss + neg_loss
    return (font_loss, pos_loss, neg_loss)

if __name__ == "__main__":
    import jax
    _d = setup_inputs()
    print(jax.jit(kernel)(*tuple(_d.values())))

</pallas_src>

<mosaic_0001>
#map = affine_map<(d0, d1) -> (0, 0)>
#map1 = affine_map<(d0, d1) -> (0)>
module attributes {stable_mosaic.version = 14 : i64} {
  func.func @collect(%arg0: i32, %arg1: i32, %arg2: memref<128x32768xf32, #tpu.memory_space<hbm>>, %arg3: memref<128x32768xf32, #tpu.memory_space<hbm>>, %arg4: memref<1024xf32, #tpu.memory_space<hbm>>, %arg5: memref<1024xf32, #tpu.memory_space<hbm>>, %arg6: memref<8192xf32, #tpu.memory_space<vmem>>, %arg7: memref<8192xf32, #tpu.memory_space<vmem>>, %arg8: memref<8192xf32, #tpu.memory_space<vmem>>, %arg9: memref<8192xf32, #tpu.memory_space<vmem>>, %arg10: memref<4096xf32, #tpu.memory_space<vmem>>, %arg11: memref<4096xf32, #tpu.memory_space<vmem>>, %arg12: memref<64xf32, #tpu.memory_space<vmem>>, %arg13: memref<32xi32, #tpu.memory_space<vmem>>, %arg14: memref<32xf32, #tpu.memory_space<vmem>>, %arg15: memref<32xf32, #tpu.memory_space<vmem>>, %arg16: memref<!tpu.dma_semaphore, #tpu.memory_space<semaphore_mem>>, %arg17: memref<!tpu.dma_semaphore, #tpu.memory_space<semaphore_mem>>) attributes {dimension_semantics = [#tpu.dimension_semantics<core_parallel>, #tpu.dimension_semantics<subcore_parallel>], iteration_bounds = array<i64: 2, 16>, scalar_prefetch = 0 : i64, scratch_operands = 12 : i64, tpu.core_type = #tpu.core_type<sc_vector_subcore>, window_params = [{transform_indices = #map}, {transform_indices = #map}, {transform_indices = #map1}, {transform_indices = #map1}]} {
    %broadcast_in_dim3A = arith.constant 0xFF800000 : f32
    %broadcast_in_dim3A_0 = vector.broadcast %broadcast_in_dim3A : f32 to vector<16xf32>
    %broadcast_in_dim3A_1 = arith.constant 0 : i32
    %broadcast_in_dim3A_2 = vector.broadcast %broadcast_in_dim3A_1 : i32 to vector<16xi32>
    %iota3A = tpu.iota {dimensions = array<i32: 0>} : vector<16xi32>
    %mul3A = arith.constant 2 : i32
    %mul3A_3 = arith.muli %arg1, %mul3A : i32
    %add3A = arith.addi %mul3A_3, %arg0 : i32
    %scan3A = arith.constant 0 : i32
    %scan3A_4 = arith.constant 0 : i32
    %scan3A_5 = arith.constant 256 : i32
    %scan3A_6 = arith.addi %scan3A_4, %scan3A_5 : i32
    %scan3A_7 = arith.constant 1 : i32
    %scan3A_8 = scf.for %scan3A_303 = %scan3A_4 to %scan3A_6 step %scan3A_7 iter_args(%scan3A_304 = %scan3A) -> (i32)  : i32 {
      %mul3A_305 = arith.constant 16 : i32
      %mul3A_306 = arith.muli %scan3A_303, %mul3A_305 : i32
      %swap3A_307 = arith.index_cast %mul3A_306 : i32 to index
      %swap3A_308 = tpu.vector_load %arg10[%swap3A_307] {strides = array<i32>} : memref<4096xf32, #tpu.memory_space<vmem>>, vector<16xf32>,
      tpu.vector_store %arg10[%swap3A_307], %broadcast_in_dim3A_0 {strides = array<i32>} : memref<4096xf32, #tpu.memory_space<vmem>>, vector<16xf32>,
      %mul3A_309 = arith.constant 16 : i32
      %mul3A_310 = arith.muli %scan3A_303, %mul3A_309 : i32
      %swap3A_311 = arith.index_cast %mul3A_310 : i32 to index
      %swap3A_312 = tpu.vector_load %arg11[%swap3A_311] {strides = array<i32>} : memref<4096xf32, #tpu.memory_space<vmem>>, vector<16xf32>,
      tpu.vector_store %arg11[%swap3A_311], %broadcast_in_dim3A_0 {strides = array<i32>} : memref<4096xf32, #tpu.memory_space<vmem>>, vector<16xf32>,
      %scan3A_313 = arith.constant 0 : i32
      scf.yield %scan3A_313 : i32
    }
    %scan3A_9 = arith.constant 256 : i32
    %swap3A = arith.constant 0 : index
    %swap3A_10 = tpu.vector_load %arg12[%swap3A] {strides = array<i32>} : memref<64xf32, #tpu.memory_space<vmem>>, vector<16xf32>,
    tpu.vector_store %arg12[%swap3A], %broadcast_in_dim3A_0 {strides = array<i32>} : memref<64xf32, #tpu.memory_space<vmem>>, vector<16xf32>,
    %swap3A_11 = arith.constant 16 : index
    %swap3A_12 = tpu.vector_load %arg12[%swap3A_11] {strides = array<i32>} : memref<64xf32, #tpu.memory_space<vmem>>, vector<16xf32>,
    tpu.vector_store %arg12[%swap3A_11], %broadcast_in_dim3A_0 {strides = array<i32>} : memref<64xf32, #tpu.memory_space<vmem>>, vector<16xf32>,
    %swap3A_13 = arith.constant 32 : index
    %swap3A_14 = tpu.vector_load %arg12[%swap3A_13] {strides = array<i32>} : memref<64xf32, #tpu.memory_space<vmem>>, vector<16xf32>,
    tpu.vector_store %arg12[%swap3A_13], %broadcast_in_dim3A_0 {strides = array<i32>} : memref<64xf32, #tpu.memory_space<vmem>>, vector<16xf32>,
    %swap3A_15 = arith.constant 48 : index
    %swap3A_16 = tpu.vector_load %arg12[%swap3A_15] {strides = array<i32>} : memref<64xf32, #tpu.memory_space<vmem>>, vector<16xf32>,
    tpu.vector_store %arg12[%swap3A_15], %broadcast_in_dim3A_0 {strides = array<i32>} : memref<64xf32, #tpu.memory_space<vmem>>, vector<16xf32>,
    %swap3A_17 = arith.constant 0 : index
    %swap3A_18 = tpu.vector_load %arg13[%swap3A_17] {strides = array<i32>} : memref<32xi32, #tpu.memory_space<vmem>>, vector<16xi32>,
    tpu.vector_store %arg13[%swap3A_17], %broadcast_in_dim3A_2 {strides = array<i32>} : memref<32xi32, #tpu.memory_space<vmem>>, vector<16xi32>,
    %swap3A_19 = arith.constant 16 : index
    %swap3A_20 = tpu.vector_load %arg13[%swap3A_19] {strides = array<i32>} : memref<32xi32, #tpu.memory_space<vmem>>, vector<16xi32>,
    tpu.vector_store %arg13[%swap3A_19], %broadcast_in_dim3A_2 {strides = array<i32>} : memref<32xi32, #tpu.memory_space<vmem>>, vector<16xi32>,
    %mul3A_21 = arith.constant 16 : i32
    %mul3A_22 = arith.muli %add3A, %mul3A_21 : i32
    %add3A_23 = arith.constant 0 : i32
    %add3A_24 = arith.addi %mul3A_22, %add3A_23 : i32
    %jit3A = arith.constant 4 : i32
    %div3A = arith.divsi %add3A_24, %jit3A : i32
    %sign3A = arith.constant 0 : i32
    %sign3A_25 = arith.cmpi sgt, %add3A_24, %sign3A : i32
    %sign3A_26 = arith.extui %sign3A_25 : i1 to i32
    %sign3A_27 = arith.constant 0 : i32
    %sign3A_28 = arith.cmpi slt, %add3A_24, %sign3A_27 : i32
    %sign3A_29 = arith.extui %sign3A_28 : i1 to i32
    %sign3A_30 = arith.subi %sign3A_26, %sign3A_29 : i32
    %sign3A_31 = arith.constant 0 : i32
    %sign3A_32 = arith.cmpi sgt, %jit3A, %sign3A_31 : i32
    %sign3A_33 = arith.extui %sign3A_32 : i1 to i32
    %sign3A_34 = arith.constant 0 : i32
    %sign3A_35 = arith.cmpi slt, %jit3A, %sign3A_34 : i32
    %sign3A_36 = arith.extui %sign3A_35 : i1 to i32
    %sign3A_37 = arith.subi %sign3A_33, %sign3A_36 : i32
    %ne3A = arith.cmpi ne, %sign3A_30, %sign3A_37 : i32
    %rem3A = arith.remsi %add3A_24, %jit3A : i32
    %ne3A_38 = arith.constant 0 : i32
    %ne3A_39 = arith.cmpi ne, %rem3A, %ne3A_38 : i32
    %and3A = arith.andi %ne3A, %ne3A_39 : i1
    %sub3A = arith.constant 1 : i32
    %sub3A_40 = arith.subi %div3A, %sub3A : i32
    %select_n3A = arith.select %and3A, %sub3A_40, %div3A : i32
    %jit3A_41 = arith.constant 4 : i32
    %eq3A = arith.constant 0 : i32
    %eq3A_42 = arith.cmpi eq, %jit3A_41, %eq3A : i32
    %jit3A_43 = arith.constant 1 : i32
    %select_n3A_44 = arith.select %eq3A_42, %jit3A_43, %jit3A_41 : i32
    %rem3A_45 = arith.remsi %add3A_24, %select_n3A_44 : i32
    %ne3A_46 = arith.constant 0 : i32
    %ne3A_47 = arith.cmpi ne, %rem3A_45, %ne3A_46 : i32
    %lt3A = arith.constant 0 : i32
    %lt3A_48 = arith.cmpi slt, %rem3A_45, %lt3A : i32
    %lt3A_49 = arith.constant 0 : i32
    %lt3A_50 = arith.cmpi slt, %select_n3A_44, %lt3A_49 : i32
    %ne3A_51 = arith.xori %lt3A_48, %lt3A_50 : i1
    %and3A_52 = arith.andi %ne3A_51, %ne3A_47 : i1
    %add3A_53 = arith.addi %rem3A_45, %select_n3A_44 : i32
    %select_n3A_54 = arith.select %and3A_52, %add3A_53, %rem3A_45 : i32
    %mul3A_55 = arith.constant 8192 : i32
    %mul3A_56 = arith.muli %select_n3A_54, %mul3A_55 : i32
    %dma_start3A = tpu.memref_slice %arg2[%select_n3A, %mul3A_56] : memref<128x32768xf32, #tpu.memory_space<hbm>> -> memref<1x8192xf32, #tpu.memory_space<hbm>>
    %dma_start3A_57 = tpu.memref_squeeze %dma_start3A : memref<1x8192xf32, #tpu.memory_space<hbm>> -> memref<8192xf32, #tpu.memory_space<hbm>>
    %dma_start3A_58 = tpu.memref_slice %arg2[%select_n3A, %mul3A_56] : memref<128x32768xf32, #tpu.memory_space<hbm>> -> memref<1x8192xf32, #tpu.memory_space<hbm>>
    %dma_start3A_59 = tpu.memref_squeeze %dma_start3A_58 : memref<1x8192xf32, #tpu.memory_space<hbm>> -> memref<8192xf32, #tpu.memory_space<hbm>>
    tpu.enqueue_dma source(%dma_start3A_59 : memref<8192xf32, #tpu.memory_space<hbm>>) target(%arg6 : memref<8192xf32, #tpu.memory_space<vmem>>) target_semaphore(%arg16 : memref<!tpu.dma_semaphore, #tpu.memory_space<semaphore_mem>>)
    %mul3A_60 = arith.constant 16 : i32
    %mul3A_61 = arith.muli %add3A, %mul3A_60 : i32
    %add3A_62 = arith.constant 0 : i32
    %add3A_63 = arith.addi %mul3A_61, %add3A_62 : i32
    %jit3A_64 = arith.constant 4 : i32
    %div3A_65 = arith.divsi %add3A_63, %jit3A_64 : i32
    %sign3A_66 = arith.constant 0 : i32
    %sign3A_67 = arith.cmpi sgt, %add3A_63, %sign3A_66 : i32
    %sign3A_68 = arith.extui %sign3A_67 : i1 to i32
    %sign3A_69 = arith.constant 0 : i32
    %sign3A_70 = arith.cmpi slt, %add3A_63, %sign3A_69 : i32
    %sign3A_71 = arith.extui %sign3A_70 : i1 to i32
    %sign3A_72 = arith.subi %sign3A_68, %sign3A_71 : i32
    %sign3A_73 = arith.constant 0 : i32
    %sign3A_74 = arith.cmpi sgt, %jit3A_64, %sign3A_73 : i32
    %sign3A_75 = arith.extui %sign3A_74 : i1 to i32
    %sign3A_76 = arith.constant 0 : i32
    %sign3A_77 = arith.cmpi slt, %jit3A_64, %sign3A_76 : i32
    %sign3A_78 = arith.extui %sign3A_77 : i1 to i32
    %sign3A_79 = arith.subi %sign3A_75, %sign3A_78 : i32
    %ne3A_80 = arith.cmpi ne, %sign3A_72, %sign3A_79 : i32
    %rem3A_81 = arith.remsi %add3A_63, %jit3A_64 : i32
    %ne3A_82 = arith.constant 0 : i32
    %ne3A_83 = arith.cmpi ne, %rem3A_81, %ne3A_82 : i32
    %and3A_84 = arith.andi %ne3A_80, %ne3A_83 : i1
    %sub3A_85 = arith.constant 1 : i32
    %sub3A_86 = arith.subi %div3A_65, %sub3A_85 : i32
    %select_n3A_87 = arith.select %and3A_84, %sub3A_86, %div3A_65 : i32
    %jit3A_88 = arith.constant 4 : i32
    %eq3A_89 = arith.constant 0 : i32
    %eq3A_90 = arith.cmpi eq, %jit3A_88, %eq3A_89 : i32
    %jit3A_91 = arith.constant 1 : i32
    %select_n3A_92 = arith.select %eq3A_90, %jit3A_91, %jit3A_88 : i32
    %rem3A_93 = arith.remsi %add3A_63, %select_n3A_92 : i32
    %ne3A_94 = arith.constant 0 : i32
    %ne3A_95 = arith.cmpi ne, %rem3A_93, %ne3A_94 : i32
    %lt3A_96 = arith.constant 0 : i32
    %lt3A_97 = arith.cmpi slt, %rem3A_93, %lt3A_96 : i32
    %lt3A_98 = arith.constant 0 : i32
    %lt3A_99 = arith.cmpi slt, %select_n3A_92, %lt3A_98 : i32
    %ne3A_100 = arith.xori %lt3A_97, %lt3A_99 : i1
    %and3A_101 = arith.andi %ne3A_100, %ne3A_95 : i1
    %add3A_102 = arith.addi %rem3A_93, %select_n3A_92 : i32
    %select_n3A_103 = arith.select %and3A_101, %add3A_102, %rem3A_93 : i32
    %mul3A_104 = arith.constant 8192 : i32
    %mul3A_105 = arith.muli %select_n3A_103, %mul3A_104 : i32
    %dma_start3A_106 = tpu.memref_slice %arg3[%select_n3A_87, %mul3A_105] : memref<128x32768xf32, #tpu.memory_space<hbm>> -> memref<1x8192xf32, #tpu.memory_space<hbm>>
    %dma_start3A_107 = tpu.memref_squeeze %dma_start3A_106 : memref<1x8192xf32, #tpu.memory_space<hbm>> -> memref<8192xf32, #tpu.memory_space<hbm>>
    %dma_start3A_108 = tpu.memref_slice %arg3[%select_n3A_87, %mul3A_105] : memref<128x32768xf32, #tpu.memory_space<hbm>> -> memref<1x8192xf32, #tpu.memory_space<hbm>>
    %dma_start3A_109 = tpu.memref_squeeze %dma_start3A_108 : memref<1x8192xf32, #tpu.memory_space<hbm>> -> memref<8192xf32, #tpu.memory_space<hbm>>
    tpu.enqueue_dma source(%dma_start3A_109 : memref<8192xf32, #tpu.memory_space<hbm>>) target(%arg7 : memref<8192xf32, #tpu.memory_space<vmem>>) target_semaphore(%arg16 : memref<!tpu.dma_semaphore, #tpu.memory_space<semaphore_mem>>)
    %mul3A_110 = arith.constant 16 : i32
    %mul3A_111 = arith.muli %add3A, %mul3A_110 : i32
    %add3A_112 = arith.constant 1 : i32
    %add3A_113 = arith.addi %mul3A_111, %add3A_112 : i32
    %jit3A_114 = arith.constant 4 : i32
    %div3A_115 = arith.divsi %add3A_113, %jit3A_114 : i32
    %sign3A_116 = arith.constant 0 : i32
    %sign3A_117 = arith.cmpi sgt, %add3A_113, %sign3A_116 : i32
    %sign3A_118 = arith.extui %sign3A_117 : i1 to i32
    %sign3A_119 = arith.constant 0 : i32
    %sign3A_120 = arith.cmpi slt, %add3A_113, %sign3A_119 : i32
    %sign3A_121 = arith.extui %sign3A_120 : i1 to i32
    %sign3A_122 = arith.subi %sign3A_118, %sign3A_121 : i32
    %sign3A_123 = arith.constant 0 : i32
    %sign3A_124 = arith.cmpi sgt, %jit3A_114, %sign3A_123 : i32
    %sign3A_125 = arith.extui %sign3A_124 : i1 to i32
    %sign3A_126 = arith.constant 0 : i32
    %sign3A_127 = arith.cmpi slt, %jit3A_114, %sign3A_126 : i32
    %sign3A_128 = arith.extui %sign3A_127 : i1 to i32
    %sign3A_129 = arith.subi %sign3A_125, %sign3A_128 : i32
    %ne3A_130 = arith.cmpi ne, %sign3A_122, %sign3A_129 : i32
    %rem3A_131 = arith.remsi %add3A_113, %jit3A_114 : i32
    %ne3A_132 = arith.constant 0 : i32
    %ne3A_133 = arith.cmpi ne, %rem3A_131, %ne3A_132 : i32
    %and3A_134 = arith.andi %ne3A_130, %ne3A_133 : i1
    %sub3A_135 = arith.constant 1 : i32
    %sub3A_136 = arith.subi %div3A_115, %sub3A_135 : i32
    %select_n3A_137 = arith.select %and3A_134, %sub3A_136, %div3A_115 : i32
    %jit3A_138 = arith.constant 4 : i32
    %eq3A_139 = arith.constant 0 : i32
    %eq3A_140 = arith.cmpi eq, %jit3A_138, %eq3A_139 : i32
    %jit3A_141 = arith.constant 1 : i32
    %select_n3A_142 = arith.select %eq3A_140, %jit3A_141, %jit3A_138 : i32
    %rem3A_143 = arith.remsi %add3A_113, %select_n3A_142 : i32
    %ne3A_144 = arith.constant 0 : i32
    %ne3A_145 = arith.cmpi ne, %rem3A_143, %ne3A_144 : i32
    %lt3A_146 = arith.constant 0 : i32
    %lt3A_147 = arith.cmpi slt, %rem3A_143, %lt3A_146 : i32
    %lt3A_148 = arith.constant 0 : i32
    %lt3A_149 = arith.cmpi slt, %select_n3A_142, %lt3A_148 : i32
    %ne3A_150 = arith.xori %lt3A_147, %lt3A_149 : i1
    %and3A_151 = arith.andi %ne3A_150, %ne3A_145 : i1
    %add3A_152 = arith.addi %rem3A_143, %select_n3A_142 : i32
    %select_n3A_153 = arith.select %and3A_151, %add3A_152, %rem3A_143 : i32
    %mul3A_154 = arith.constant 8192 : i32
    %mul3A_155 = arith.muli %select_n3A_153, %mul3A_154 : i32
    %dma_start3A_156 = tpu.memref_slice %arg2[%select_n3A_137, %mul3A_155] : memref<128x32768xf32, #tpu.memory_space<hbm>> -> memref<1x8192xf32, #tpu.memory_space<hbm>>
    %dma_start3A_157 = tpu.memref_squeeze %dma_start3A_156 : memref<1x8192xf32, #tpu.memory_space<hbm>> -> memref<8192xf32, #tpu.memory_space<hbm>>
    %dma_start3A_158 = tpu.memref_slice %arg2[%select_n3A_137, %mul3A_155] : memref<128x32768xf32, #tpu.memory_space<hbm>> -> memref<1x8192xf32, #tpu.memory_space<hbm>>
    %dma_start3A_159 = tpu.memref_squeeze %dma_start3A_158 : memref<1x8192xf32, #tpu.memory_space<hbm>> -> memref<8192xf32, #tpu.memory_space<hbm>>
    tpu.enqueue_dma source(%dma_start3A_159 : memref<8192xf32, #tpu.memory_space<hbm>>) target(%arg8 : memref<8192xf32, #tpu.memory_space<vmem>>) target_semaphore(%arg17 : memref<!tpu.dma_semaphore, #tpu.memory_space<semaphore_mem>>)
    %mul3A_160 = arith.constant 16 : i32
    %mul3A_161 = arith.muli %add3A, %mul3A_160 : i32
    %add3A_162 = arith.constant 1 : i32
    %add3A_163 = arith.addi %mul3A_161, %add3A_162 : i32
    %jit3A_164 = arith.constant 4 : i32
    %div3A_165 = arith.divsi %add3A_163, %jit3A_164 : i32
    %sign3A_166 = arith.constant 0 : i32
    %sign3A_167 = arith.cmpi sgt, %add3A_163, %sign3A_166 : i32
    %sign3A_168 = arith.extui %sign3A_167 : i1 to i32
    %sign3A_169 = arith.constant 0 : i32
    %sign3A_170 = arith.cmpi slt, %add3A_163, %sign3A_169 : i32
    %sign3A_171 = arith.extui %sign3A_170 : i1 to i32
    %sign3A_172 = arith.subi %sign3A_168, %sign3A_171 : i32
    %sign3A_173 = arith.constant 0 : i32
    %sign3A_174 = arith.cmpi sgt, %jit3A_164, %sign3A_173 : i32
    %sign3A_175 = arith.extui %sign3A_174 : i1 to i32
    %sign3A_176 = arith.constant 0 : i32
    %sign3A_177 = arith.cmpi slt, %jit3A_164, %sign3A_176 : i32
    %sign3A_178 = arith.extui %sign3A_177 : i1 to i32
    %sign3A_179 = arith.subi %sign3A_175, %sign3A_178 : i32
    %ne3A_180 = arith.cmpi ne, %sign3A_172, %sign3A_179 : i32
    %rem3A_181 = arith.remsi %add3A_163, %jit3A_164 : i32
    %ne3A_182 = arith.constant 0 : i32
    %ne3A_183 = arith.cmpi ne, %rem3A_181, %ne3A_182 : i32
    %and3A_184 = arith.andi %ne3A_180, %ne3A_183 : i1
    %sub3A_185 = arith.constant 1 : i32
    %sub3A_186 = arith.subi %div3A_165, %sub3A_185 : i32
    %select_n3A_187 = arith.select %and3A_184, %sub3A_186, %div3A_165 : i32
    %jit3A_188 = arith.constant 4 : i32
    %eq3A_189 = arith.constant 0 : i32
    %eq3A_190 = arith.cmpi eq, %jit3A_188, %eq3A_189 : i32
    %jit3A_191 = arith.constant 1 : i32
    %select_n3A_192 = arith.select %eq3A_190, %jit3A_191, %jit3A_188 : i32
    %rem3A_193 = arith.remsi %add3A_163, %select_n3A_192 : i32
    %ne3A_194 = arith.constant 0 : i32
    %ne3A_195 = arith.cmpi ne, %rem3A_193, %ne3A_194 : i32
    %lt3A_196 = arith.constant 0 : i32
    %lt3A_197 = arith.cmpi slt, %rem3A_193, %lt3A_196 : i32
    %lt3A_198 = arith.constant 0 : i32
    %lt3A_199 = arith.cmpi slt, %select_n3A_192, %lt3A_198 : i32
    %ne3A_200 = arith.xori %lt3A_197, %lt3A_199 : i1
    %and3A_201 = arith.andi %ne3A_200, %ne3A_195 : i1
    %add3A_202 = arith.addi %rem3A_193, %select_n3A_192 : i32
    %select_n3A_203 = arith.select %and3A_201, %add3A_202, %rem3A_193 : i32
    %mul3A_204 = arith.constant 8192 : i32
    %mul3A_205 = arith.muli %select_n3A_203, %mul3A_204 : i32
    %dma_start3A_206 = tpu.memref_slice %arg3[%select_n3A_187, %mul3A_205] : memref<128x32768xf32, #tpu.memory_space<hbm>> -> memref<1x8192xf32, #tpu.memory_space<hbm>>
    %dma_start3A_207 = tpu.memref_squeeze %dma_start3A_206 : memref<1x8192xf32, #tpu.memory_space<hbm>> -> memref<8192xf32, #tpu.memory_space<hbm>>
    %dma_start3A_208 = tpu.memref_slice %arg3[%select_n3A_187, %mul3A_205] : memref<128x32768xf32, #tpu.memory_space<hbm>> -> memref<1x8192xf32, #tpu.memory_space<hbm>>
    %dma_start3A_209 = tpu.memref_squeeze %dma_start3A_208 : memref<1x8192xf32, #tpu.memory_space<hbm>> -> memref<8192xf32, #tpu.memory_space<hbm>>
    tpu.enqueue_dma source(%dma_start3A_209 : memref<8192xf32, #tpu.memory_space<hbm>>) target(%arg9 : memref<8192xf32, #tpu.memory_space<vmem>>) target_semaphore(%arg17 : memref<!tpu.dma_semaphore, #tpu.memory_space<semaphore_mem>>)
    %scan3A_210 = arith.constant 0 : i32
    %scan3A_211 = arith.constant 0 : i32
    %scan3A_212 = arith.constant 8 : i32
    %scan3A_213 = arith.addi %scan3A_211, %scan3A_212 : i32
    %scan3A_214 = arith.constant 1 : i32
    %scan3A_215 = scf.for %scan3A_303 = %scan3A_211 to %scan3A_213 step %scan3A_214 iter_args(%scan3A_304 = %scan3A_210) -> (i32)  : i32 {
      %mul3A_305 = arith.constant 2 : i32
      %mul3A_306 = arith.muli %mul3A_305, %scan3A_303 : i32
      %mul3A_307 = arith.constant 2 : i32
      %mul3A_308 = arith.muli %mul3A_307, %scan3A_303 : i32
      %add3A_309 = arith.constant 1 : i32
      %add3A_310 = arith.addi %mul3A_308, %add3A_309 : i32
      %mul3A_311 = arith.constant 16 : i32
      %mul3A_312 = arith.muli %add3A, %mul3A_311 : i32
      %add3A_313 = arith.addi %mul3A_312, %mul3A_306 : i32
      %jit3A_314 = arith.constant 4 : i32
      %div3A_315 = arith.divsi %add3A_313, %jit3A_314 : i32
      %sign3A_316 = arith.constant 0 : i32
      %sign3A_317 = arith.cmpi sgt, %add3A_313, %sign3A_316 : i32
      %sign3A_318 = arith.extui %sign3A_317 : i1 to i32
      %sign3A_319 = arith.constant 0 : i32
      %sign3A_320 = arith.cmpi slt, %add3A_313, %sign3A_319 : i32
      %sign3A_321 = arith.extui %sign3A_320 : i1 to i32
      %sign3A_322 = arith.subi %sign3A_318, %sign3A_321 : i32
      %sign3A_323 = arith.constant 0 : i32
      %sign3A_324 = arith.cmpi sgt, %jit3A_314, %sign3A_323 : i32
      %sign3A_325 = arith.extui %sign3A_324 : i1 to i32
      %sign3A_326 = arith.constant 0 : i32
      %sign3A_327 = arith.cmpi slt, %jit3A_314, %sign3A_326 : i32
      %sign3A_328 = arith.extui %sign3A_327 : i1 to i32
      %sign3A_329 = arith.subi %sign3A_325, %sign3A_328 : i32
      %ne3A_330 = arith.cmpi ne, %sign3A_322, %sign3A_329 : i32
      %rem3A_331 = arith.remsi %add3A_313, %jit3A_314 : i32
      %ne3A_332 = arith.constant 0 : i32
      %ne3A_333 = arith.cmpi ne, %rem3A_331, %ne3A_332 : i32
      %and3A_334 = arith.andi %ne3A_330, %ne3A_333 : i1
      %sub3A_335 = arith.constant 1 : i32
      %sub3A_336 = arith.subi %div3A_315, %sub3A_335 : i32
      %select_n3A_337 = arith.select %and3A_334, %sub3A_336, %div3A_315 : i32
      %jit3A_338 = arith.constant 4 : i32
      %eq3A_339 = arith.constant 0 : i32
      %eq3A_340 = arith.cmpi eq, %jit3A_338, %eq3A_339 : i32
      %jit3A_341 = arith.constant 1 : i32
      %select_n3A_342 = arith.select %eq3A_340, %jit3A_341, %jit3A_338 : i32
      %rem3A_343 = arith.remsi %add3A_313, %select_n3A_342 : i32
      %ne3A_344 = arith.constant 0 : i32
      %ne3A_345 = arith.cmpi ne, %rem3A_343, %ne3A_344 : i32
      %lt3A_346 = arith.constant 0 : i32
      %lt3A_347 = arith.cmpi slt, %rem3A_343, %lt3A_346 : i32
      %lt3A_348 = arith.constant 0 : i32
      %lt3A_349 = arith.cmpi slt, %select_n3A_342, %lt3A_348 : i32
      %ne3A_350 = arith.xori %lt3A_347, %lt3A_349 : i1
      %and3A_351 = arith.andi %ne3A_350, %ne3A_345 : i1
      %add3A_352 = arith.addi %rem3A_343, %select_n3A_342 : i32
      %select_n3A_353 = arith.select %and3A_351, %add3A_352, %rem3A_343 : i32
      %mul3A_354 = arith.constant 8192 : i32
      %mul3A_355 = arith.muli %select_n3A_353, %mul3A_354 : i32
      %dma_wait3A = tpu.memref_slice %arg2[%select_n3A_337, %mul3A_355] : memref<128x32768xf32, #tpu.memory_space<hbm>> -> memref<1x8192xf32, #tpu.memory_space<hbm>>
      %dma_wait3A_356 = tpu.memref_squeeze %dma_wait3A : memref<1x8192xf32, #tpu.memory_space<hbm>> -> memref<8192xf32, #tpu.memory_space<hbm>>
      %dma_wait3A_357 = tpu.memref_slice %arg2[%select_n3A_337, %mul3A_355] : memref<128x32768xf32, #tpu.memory_space<hbm>> -> memref<1x8192xf32, #tpu.memory_space<hbm>>
      %dma_wait3A_358 = tpu.memref_squeeze %dma_wait3A_357 : memref<1x8192xf32, #tpu.memory_space<hbm>> -> memref<8192xf32, #tpu.memory_space<hbm>>
      tpu.wait_dma2 semaphore(%arg16 : memref<!tpu.dma_semaphore, #tpu.memory_space<semaphore_mem>>) src(%dma_wait3A_358 : memref<8192xf32, #tpu.memory_space<hbm>>) dst(%arg6 : memref<8192xf32, #tpu.memory_space<vmem>>)
      %mul3A_359 = arith.constant 16 : i32
      %mul3A_360 = arith.muli %add3A, %mul3A_359 : i32
      %add3A_361 = arith.addi %mul3A_360, %mul3A_306 : i32
      %jit3A_362 = arith.constant 4 : i32
      %div3A_363 = arith.divsi %add3A_361, %jit3A_362 : i32
      %sign3A_364 = arith.constant 0 : i32
      %sign3A_365 = arith.cmpi sgt, %add3A_361, %sign3A_364 : i32
      %sign3A_366 = arith.extui %sign3A_365 : i1 to i32
      %sign3A_367 = arith.constant 0 : i32
      %sign3A_368 = arith.cmpi slt, %add3A_361, %sign3A_367 : i32
      %sign3A_369 = arith.extui %sign3A_368 : i1 to i32
      %sign3A_370 = arith.subi %sign3A_366, %sign3A_369 : i32
      %sign3A_371 = arith.constant 0 : i32
      %sign3A_372 = arith.cmpi sgt, %jit3A_362, %sign3A_371 : i32
      %sign3A_373 = arith.extui %sign3A_372 : i1 to i32
      %sign3A_374 = arith.constant 0 : i32
      %sign3A_375 = arith.cmpi slt, %jit3A_362, %sign3A_374 : i32
      %sign3A_376 = arith.extui %sign3A_375 : i1 to i32
      %sign3A_377 = arith.subi %sign3A_373, %sign3A_376 : i32
      %ne3A_378 = arith.cmpi ne, %sign3A_370, %sign3A_377 : i32
      %rem3A_379 = arith.remsi %add3A_361, %jit3A_362 : i32
      %ne3A_380 = arith.constant 0 : i32
      %ne3A_381 = arith.cmpi ne, %rem3A_379, %ne3A_380 : i32
      %and3A_382 = arith.andi %ne3A_378, %ne3A_381 : i1
      %sub3A_383 = arith.constant 1 : i32
      %sub3A_384 = arith.subi %div3A_363, %sub3A_383 : i32
      %select_n3A_385 = arith.select %and3A_382, %sub3A_384, %div3A_363 : i32
      %jit3A_386 = arith.constant 4 : i32
      %eq3A_387 = arith.constant 0 : i32
      %eq3A_388 = arith.cmpi eq, %jit3A_386, %eq3A_387 : i32
      %jit3A_389 = arith.constant 1 : i32
      %select_n3A_390 = arith.select %eq3A_388, %jit3A_389, %jit3A_386 : i32
      %rem3A_391 = arith.remsi %add3A_361, %select_n3A_390 : i32
      %ne3A_392 = arith.constant 0 : i32
      %ne3A_393 = arith.cmpi ne, %rem3A_391, %ne3A_392 : i32
      %lt3A_394 = arith.constant 0 : i32
      %lt3A_395 = arith.cmpi slt, %rem3A_391, %lt3A_394 : i32
      %lt3A_396 = arith.constant 0 : i32
      %lt3A_397 = arith.cmpi slt, %select_n3A_390, %lt3A_396 : i32
      %ne3A_398 = arith.xori %lt3A_395, %lt3A_397 : i1
      %and3A_399 = arith.andi %ne3A_398, %ne3A_393 : i1
      %add3A_400 = arith.addi %rem3A_391, %select_n3A_390 : i32
      %select_n3A_401 = arith.select %and3A_399, %add3A_400, %rem3A_391 : i32
      %mul3A_402 = arith.constant 8192 : i32
      %mul3A_403 = arith.muli %select_n3A_401, %mul3A_402 : i32
      %dma_wait3A_404 = tpu.memref_slice %arg3[%select_n3A_385, %mul3A_403] : memref<128x32768xf32, #tpu.memory_space<hbm>> -> memref<1x8192xf32, #tpu.memory_space<hbm>>
      %dma_wait3A_405 = tpu.memref_squeeze %dma_wait3A_404 : memref<1x8192xf32, #tpu.memory_space<hbm>> -> memref<8192xf32, #tpu.memory_space<hbm>>
      %dma_wait3A_406 = tpu.memref_slice %arg3[%select_n3A_385, %mul3A_403] : memref<128x32768xf32, #tpu.memory_space<hbm>> -> memref<1x8192xf32, #tpu.memory_space<hbm>>
      %dma_wait3A_407 = tpu.memref_squeeze %dma_wait3A_406 : memref<1x8192xf32, #tpu.memory_space<hbm>> -> memref<8192xf32, #tpu.memory_space<hbm>>
      tpu.wait_dma2 semaphore(%arg16 : memref<!tpu.dma_semaphore, #tpu.memory_space<semaphore_mem>>) src(%dma_wait3A_407 : memref<8192xf32, #tpu.memory_space<hbm>>) dst(%arg7 : memref<8192xf32, #tpu.memory_space<vmem>>)
      %scan3A_408 = arith.constant 0 : i32
      %scan3A_409 = arith.constant 0 : i32
      %scan3A_410 = arith.constant 16 : i32
      %scan3A_411 = arith.addi %scan3A_409, %scan3A_410 : i32
      %scan3A_412 = arith.constant 1 : i32
      %scan3A_413 = scf.for %scan3A_533 = %scan3A_409 to %scan3A_411 step %scan3A_412 iter_args(%scan3A_534 = %scan3A_408) -> (i32)  : i32 {
        %get3A_535 = arith.constant 16 : index
        %get3A_536 = tpu.vector_load %arg12[%get3A_535] {strides = array<i32>} : memref<64xf32, #tpu.memory_space<vmem>>, vector<16xf32>,
        %slice3A_537 = vector.extract_strided_slice %get3A_536 {offsets = [0], sizes = [1], strides = [1]} : vector<16xf32> to vector<1xf32>
        %squeeze3A_538 = vector.extract %slice3A_537[0] : f32 from vector<1xf32>
        %get3A_539 = arith.constant 48 : index
        %get3A_540 = tpu.vector_load %arg12[%get3A_539] {strides = array<i32>} : memref<64xf32, #tpu.memory_space<vmem>>, vector<16xf32>,
        %slice3A_541 = vector.extract_strided_slice %get3A_540 {offsets = [0], sizes = [1], strides = [1]} : vector<16xf32> to vector<1xf32>
        %squeeze3A_542 = vector.extract %slice3A_541[0] : f32 from vector<1xf32>
        %neg3A = arith.constant 0.000000e+00 : f32
        %neg3A_543 = arith.subf %neg3A, %squeeze3A_542 : f32
        %scan3A_544 = arith.constant 0 : i32
        %scan3A_545 = arith.constant 0 : i32
        %scan3A_546 = arith.constant 4 : i32
        %scan3A_547 = arith.addi %scan3A_545, %scan3A_546 : i32
        %scan3A_548 = arith.constant 1 : i32
        %scan3A_549 = scf.for %scan3A_552 = %scan3A_545 to %scan3A_547 step %scan3A_548 iter_args(%scan3A_553 = %scan3A_544) -> (i32)  : i32 {
          %mul3A_554 = arith.constant 4 : i32
          %mul3A_555 = arith.muli %scan3A_533, %mul3A_554 : i32
          %add3A_556 = arith.addi %mul3A_555, %scan3A_552 : i32
          %mul3A_557 = arith.constant 8 : i32
          %mul3A_558 = arith.muli %add3A_556, %mul3A_557 : i32
          %mul3A_559 = arith.constant 16 : i32
          %mul3A_560 = arith.muli %mul3A_558, %mul3A_559 : i32
          %add3A_561 = arith.constant 0 : i32
          %add3A_562 = arith.addi %mul3A_560, %add3A_561 : i32
          %get3A_563 = arith.index_cast %add3A_562 : i32 to index
          %get3A_564 = tpu.vector_load %arg6[%get3A_563] {strides = array<i32>} : memref<8192xf32, #tpu.memory_space<vmem>>, vector<16xf32>,
          %add3A_565 = arith.constant 16 : i32
          %add3A_566 = arith.addi %mul3A_560, %add3A_565 : i32
          %get3A_567 = arith.index_cast %add3A_566 : i32 to index
          %get3A_568 = tpu.vector_load %arg6[%get3A_567] {strides = array<i32>} : memref<8192xf32, #tpu.memory_space<vmem>>, vector<16xf32>,
          %add3A_569 = arith.constant 32 : i32
          %add3A_570 = arith.addi %mul3A_560, %add3A_569 : i32
          %get3A_571 = arith.index_cast %add3A_570 : i32 to index
          %get3A_572 = tpu.vector_load %arg6[%get3A_571] {strides = array<i32>} : memref<8192xf32, #tpu.memory_space<vmem>>, vector<16xf32>,
          %add3A_573 = arith.constant 48 : i32
          %add3A_574 = arith.addi %mul3A_560, %add3A_573 : i32
          %get3A_575 = arith.index_cast %add3A_574 : i32 to index
          %get3A_576 = tpu.vector_load %arg6[%get3A_575] {strides = array<i32>} : memref<8192xf32, #tpu.memory_space<vmem>>, vector<16xf32>,
          %add3A_577 = arith.constant 64 : i32
          %add3A_578 = arith.addi %mul3A_560, %add3A_577 : i32
          %get3A_579 = arith.index_cast %add3A_578 : i32 to index
          %get3A_580 = tpu.vector_load %arg6[%get3A_579] {strides = array<i32>} : memref<8192xf32, #tpu.memory_space<vmem>>, vector<16xf32>,
          %add3A_581 = arith.constant 80 : i32
          %add3A_582 = arith.addi %mul3A_560, %add3A_581 : i32
          %get3A_583 = arith.index_cast %add3A_582 : i32 to index
          %get3A_584 = tpu.vector_load %arg6[%get3A_583] {strides = array<i32>} : memref<8192xf32, #tpu.memory_space<vmem>>, vector<16xf32>,
          %add3A_585 = arith.constant 96 : i32
          %add3A_586 = arith.addi %mul3A_560, %add3A_585 : i32
          %get3A_587 = arith.index_cast %add3A_586 : i32 to index
          %get3A_588 = tpu.vector_load %arg6[%get3A_587] {strides = array<i32>} : memref<8192xf32, #tpu.memory_space<vmem>>, vector<16xf32>,
          %add3A_589 = arith.constant 112 : i32
          %add3A_590 = arith.addi %mul3A_560, %add3A_589 : i32
          %get3A_591 = arith.index_cast %add3A_590 : i32 to index
          %get3A_592 = tpu.vector_load %arg6[%get3A_591] {strides = array<i32>} : memref<8192xf32, #tpu.memory_space<vmem>>, vector<16xf32>,
          %max3A = arith.maximumf %get3A_564, %get3A_568 : vector<16xf32>
          %max3A_593 = arith.maximumf %get3A_572, %get3A_576 : vector<16xf32>
          %max3A_594 = arith.maximumf %max3A, %max3A_593 : vector<16xf32>
          %max3A_595 = arith.maximumf %get3A_580, %get3A_584 : vector<16xf32>
          %max3A_596 = arith.maximumf %get3A_588, %get3A_592 : vector<16xf32>
          %max3A_597 = arith.maximumf %max3A_595, %max3A_596 : vector<16xf32>
          %min3A_598 = arith.minimumf %get3A_564, %get3A_568 : vector<16xf32>
          %min3A_599 = arith.minimumf %get3A_572, %get3A_576 : vector<16xf32>
          %min3A_600 = arith.minimumf %min3A_598, %min3A_599 : vector<16xf32>
          %min3A_601 = arith.minimumf %get3A_580, %get3A_584 : vector<16xf32>
          %min3A_602 = arith.minimumf %get3A_588, %get3A_592 : vector<16xf32>
          %min3A_603 = arith.minimumf %min3A_601, %min3A_602 : vector<16xf32>
          %max3A_604 = arith.maximumf %max3A_594, %max3A_597 : vector<16xf32>
          %min3A_605 = arith.minimumf %min3A_600, %min3A_603 : vector<16xf32>
          %gt3A = vector.broadcast %squeeze3A_538 : f32 to vector<16xf32>
          %gt3A_606 = arith.cmpf ogt, %max3A_604, %gt3A : vector<16xf32>
          %lt3A_607 = vector.broadcast %neg3A_543 : f32 to vector<16xf32>
          %lt3A_608 = arith.cmpf olt, %min3A_605, %lt3A_607 : vector<16xf32>
          %or3A = arith.ori %gt3A_606, %lt3A_608 : vector<16xi1>
          %all_reduce_population_count3A = tpu.all_reduce %or3A {dim = 0 : i64, kind = #tpu.reduction_kind<sum>} : vector<16xi1> -> vector<16xi32>
          %slice3A_609 = vector.extract_strided_slice %all_reduce_population_count3A {offsets = [0], sizes = [1], strides = [1]} : vector<16xi32> to vector<1xi32>
          %squeeze3A_610 = vector.extract %slice3A_609[0] : i32 from vector<1xi32>
          %gt3A_611 = arith.constant 0 : i32
          %gt3A_612 = arith.cmpi sgt, %squeeze3A_610, %gt3A_611 : i32
          %convert_element_type3A_613 = arith.extui %gt3A_612 : i1 to i32
          %cond3A_614 = arith.constant 0 : i32
          %cond3A_615 = arith.cmpi ne, %convert_element_type3A_613, %cond3A_614 : i32
          scf.if %cond3A_615 {
            %get3A_617 = arith.constant 0 : index
            %get3A_618 = tpu.vector_load %arg13[%get3A_617] {strides = array<i32>} : memref<32xi32, #tpu.memory_space<vmem>>, vector<16xi32>,
            %slice3A_619 = vector.extract_strided_slice %get3A_618 {offsets = [0], sizes = [1], strides = [1]} : vector<16xi32> to vector<1xi32>
            %squeeze3A_620 = vector.extract %slice3A_619[0] : i32 from vector<1xi32>
            %get3A_621 = arith.constant 16 : index
            %get3A_622 = tpu.vector_load %arg13[%get3A_621] {strides = array<i32>} : memref<32xi32, #tpu.memory_space<vmem>>, vector<16xi32>,
            %slice3A_623 = vector.extract_strided_slice %get3A_622 {offsets = [0], sizes = [1], strides = [1]} : vector<16xi32> to vector<1xi32>
            %squeeze3A_624 = vector.extract %slice3A_623[0] : i32 from vector<1xi32>
            %add3A_625 = arith.constant 0 : i32
            %add3A_626 = arith.addi %mul3A_560, %add3A_625 : i32
            %get3A_627 = arith.index_cast %add3A_626 : i32 to index
            %get3A_628 = tpu.vector_load %arg7[%get3A_627] {strides = array<i32>} : memref<8192xf32, #tpu.memory_space<vmem>>, vector<16xf32>,
            %lt3A_629 = arith.constant 5.000000e-01 : f32
            %lt3A_630 = vector.broadcast %lt3A_629 : f32 to vector<16xf32>
            %lt3A_631 = arith.cmpf olt, %get3A_628, %lt3A_630 : vector<16xf32>
            %select_n3A_632 = arith.select %lt3A_631, %get3A_564, %broadcast_in_dim3A_0 : vector<16xi1>, vector<16xf32>
            %neg3A_633 = arith.constant 0.000000e+00 : f32
            %neg3A_634 = vector.broadcast %neg3A_633 : f32 to vector<16xf32>
            %neg3A_635 = arith.subf %neg3A_634, %get3A_564 : vector<16xf32>
            %select_n3A_636 = arith.select %lt3A_631, %broadcast_in_dim3A_0, %neg3A_635 : vector<16xi1>, vector<16xf32>
            %gt3A_637 = vector.broadcast %squeeze3A_538 : f32 to vector<16xf32>
            %gt3A_638 = arith.cmpf ogt, %select_n3A_632, %gt3A_637 : vector<16xf32>
            %gt3A_639 = vector.broadcast %squeeze3A_542 : f32 to vector<16xf32>
            %gt3A_640 = arith.cmpf ogt, %select_n3A_636, %gt3A_639 : vector<16xf32>
            %select_n3A_641 = arith.select %gt3A_638, %select_n3A_632, %broadcast_in_dim3A_0 : vector<16xi1>, vector<16xf32>
            %select_n3A_642 = arith.select %gt3A_640, %select_n3A_636, %broadcast_in_dim3A_0 : vector<16xi1>, vector<16xf32>
            %masked_sort3A = arith.constant dense<true> : vector<16xi1>
            %masked_sort3A_643, %masked_sort3A_644, %masked_sort3A_645 = tpu.sort %select_n3A_641, %select_n3A_641 masked %masked_sort3A {descending = true} : (vector<16xf32>, vector<16xf32>, vector<16xi1>) -> (vector<16xi1>, vector<16xf32>, vector<16xf32>)
            %masked_sort3A_646 = arith.constant dense<true> : vector<16xi1>
            %masked_sort3A_647, %masked_sort3A_648, %masked_sort3A_649 = tpu.sort %select_n3A_642, %select_n3A_642 masked %masked_sort3A_646 {descending = true} : (vector<16xf32>, vector<16xf32>, vector<16xi1>) -> (vector<16xi1>, vector<16xf32>, vector<16xf32>)
            %min3A_650 = arith.constant 4080 : i32
            %min3A_651 = arith.minsi %squeeze3A_620, %min3A_650 : i32
            %swap3A_652 = arith.index_cast %min3A_651 : i32 to index
            %swap3A_653 = tpu.vector_load %arg10[%swap3A_652] {strides = array<i32>} : memref<4096xf32, #tpu.memory_space<vmem>>, vector<16xf32>,
            tpu.vector_store %arg10[%swap3A_652], %masked_sort3A_644 {strides = array<i32>} : memref<4096xf32, #tpu.memory_space<vmem>>, vector<16xf32>,
            %min3A_654 = arith.constant 4080 : i32
            %min3A_655 = arith.minsi %squeeze3A_624, %min3A_654 : i32
            %swap3A_656 = arith.index_cast %min3A_655 : i32 to index
            %swap3A_657 = tpu.vector_load %arg11[%swap3A_656] {strides = array<i32>} : memref<4096xf32, #tpu.memory_space<vmem>>, vector<16xf32>,
            tpu.vector_store %arg11[%swap3A_656], %masked_sort3A_648 {strides = array<i32>} : memref<4096xf32, #tpu.memory_space<vmem>>, vector<16xf32>,
            %all_reduce_population_count3A_658 = tpu.all_reduce %gt3A_638 {dim = 0 : i64, kind = #tpu.reduction_kind<sum>} : vector<16xi1> -> vector<16xi32>
            %slice3A_659 = vector.extract_strided_slice %all_reduce_population_count3A_658 {offsets = [0], sizes = [1], strides = [1]} : vector<16xi32> to vector<1xi32>
            %squeeze3A_660 = vector.extract %slice3A_659[0] : i32 from vector<1xi32>
            %add3A_661 = arith.addi %squeeze3A_620, %squeeze3A_660 : i32
            %all_reduce_population_count3A_662 = tpu.all_reduce %gt3A_640 {dim = 0 : i64, kind = #tpu.reduction_kind<sum>} : vector<16xi1> -> vector<16xi32>
            %slice3A_663 = vector.extract_strided_slice %all_reduce_population_count3A_662 {offsets = [0], sizes = [1], strides = [1]} : vector<16xi32> to vector<1xi32>
            %squeeze3A_664 = vector.extract %slice3A_663[0] : i32 from vector<1xi32>
            %add3A_665 = arith.addi %squeeze3A_624, %squeeze3A_664 : i32
            %max3A_666 = arith.maximumf %broadcast_in_dim3A_0, %select_n3A_641 : vector<16xf32>
            %max3A_667 = arith.maximumf %broadcast_in_dim3A_0, %select_n3A_642 : vector<16xf32>
            %add3A_668 = arith.constant 16 : i32
            %add3A_669 = arith.addi %mul3A_560, %add3A_668 : i32
            %get3A_670 = arith.index_cast %add3A_669 : i32 to index
            %get3A_671 = tpu.vector_load %arg7[%get3A_670] {strides = array<i32>} : memref<8192xf32, #tpu.memory_space<vmem>>, vector<16xf32>,
            %lt3A_672 = arith.constant 5.000000e-01 : f32
            %lt3A_673 = vector.broadcast %lt3A_672 : f32 to vector<16xf32>
            %lt3A_674 = arith.cmpf olt, %get3A_671, %lt3A_673 : vector<16xf32>
            %select_n3A_675 = arith.select %lt3A_674, %get3A_568, %broadcast_in_dim3A_0 : vector<16xi1>, vector<16xf32>
            %neg3A_676 = arith.constant 0.000000e+00 : f32
            %neg3A_677 = vector.broadcast %neg3A_676 : f32 to vector<16xf32>
            %neg3A_678 = arith.subf %neg3A_677, %get3A_568 : vector<16xf32>
            %select_n3A_679 = arith.select %lt3A_674, %broadcast_in_dim3A_0, %neg3A_678 : vector<16xi1>, vector<16xf32>
            %gt3A_680 = vector.broadcast %squeeze3A_538 : f32 to vector<16xf32>
            %gt3A_681 = arith.cmpf ogt, %select_n3A_675, %gt3A_680 : vector<16xf32>
            %gt3A_682 = vector.broadcast %squeeze3A_542 : f32 to vector<16xf32>
            %gt3A_683 = arith.cmpf ogt, %select_n3A_679, %gt3A_682 : vector<16xf32>
            %select_n3A_684 = arith.select %gt3A_681, %select_n3A_675, %broadcast_in_dim3A_0 : vector<16xi1>, vector<16xf32>
            %select_n3A_685 = arith.select %gt3A_683, %select_n3A_679, %broadcast_in_dim3A_0 : vector<16xi1>, vector<16xf32>
            %masked_sort3A_686 = arith.constant dense<true> : vector<16xi1>
            %masked_sort3A_687, %masked_sort3A_688, %masked_sort3A_689 = tpu.sort %select_n3A_684, %select_n3A_684 masked %masked_sort3A_686 {descending = true} : (vector<16xf32>, vector<16xf32>, vector<16xi1>) -> (vector<16xi1>, vector<16xf32>, vector<16xf32>)
            %masked_sort3A_690 = arith.constant dense<true> : vector<16xi1>
            %masked_sort3A_691, %masked_sort3A_692, %masked_sort3A_693 = tpu.sort %select_n3A_685, %select_n3A_685 masked %masked_sort3A_690 {descending = true} : (vector<16xf32>, vector<16xf32>, vector<16xi1>) -> (vector<16xi1>, vector<16xf32>, vector<16xf32>)
            %min3A_694 = arith.constant 4080 : i32
            %min3A_695 = arith.minsi %add3A_661, %min3A_694 : i32
            %swap3A_696 = arith.index_cast %min3A_695 : i32 to index
            %swap3A_697 = tpu.vector_load %arg10[%swap3A_696] {strides = array<i32>} : memref<4096xf32, #tpu.memory_space<vmem>>, vector<16xf32>,
            tpu.vector_store %arg10[%swap3A_696], %masked_sort3A_688 {strides = array<i32>} : memref<4096xf32, #tpu.memory_space<vmem>>, vector<16xf32>,
            %min3A_698 = arith.constant 4080 : i32
            %min3A_699 = arith.minsi %add3A_665, %min3A_698 : i32
            %swap3A_700 = arith.index_cast %min3A_699 : i32 to index
            %swap3A_701 = tpu.vector_load %arg11[%swap3A_700] {strides = array<i32>} : memref<4096xf32, #tpu.memory_space<vmem>>, vector<16xf32>,
            tpu.vector_store %arg11[%swap3A_700], %masked_sort3A_692 {strides = array<i32>} : memref<4096xf32, #tpu.memory_space<vmem>>, vector<16xf32>,
            %all_reduce_population_count3A_702 = tpu.all_reduce %gt3A_681 {dim = 0 : i64, kind = #tpu.reduction_kind<sum>} : vector<16xi1> -> vector<16xi32>
            %slice3A_703 = vector.extract_strided_slice %all_reduce_population_count3A_702 {offsets = [0], sizes = [1], strides = [1]} : vector<16xi32> to vector<1xi32>
            %squeeze3A_704 = vector.extract %slice3A_703[0] : i32 from vector<1xi32>
            %add3A_705 = arith.addi %add3A_661, %squeeze3A_704 : i32
            %all_reduce_population_count3A_706 = tpu.all_reduce %gt3A_683 {dim = 0 : i64, kind = #tpu.reduction_kind<sum>} : vector<16xi1> -> vector<16xi32>
            %slice3A_707 = vector.extract_strided_slice %all_reduce_population_count3A_706 {offsets = [0], sizes = [1], strides = [1]} : vector<16xi32> to vector<1xi32>
            %squeeze3A_708 = vector.extract %slice3A_707[0] : i32 from vector<1xi32>
            %add3A_709 = arith.addi %add3A_665, %squeeze3A_708 : i32
            %max3A_710 = arith.maximumf %max3A_666, %select_n3A_684 : vector<16xf32>
            %max3A_711 = arith.maximumf %max3A_667, %select_n3A_685 : vector<16xf32>
            %add3A_712 = arith.constant 32 : i32
            %add3A_713 = arith.addi %mul3A_560, %add3A_712 : i32
            %get3A_714 = arith.index_cast %add3A_713 : i32 to index
            %get3A_715 = tpu.vector_load %arg7[%get3A_714] {strides = array<i32>} : memref<8192xf32, #tpu.memory_space<vmem>>, vector<16xf32>,
            %lt3A_716 = arith.constant 5.000000e-01 : f32
            %lt3A_717 = vector.broadcast %lt3A_716 : f32 to vector<16xf32>
            %lt3A_718 = arith.cmpf olt, %get3A_715, %lt3A_717 : vector<16xf32>
            %select_n3A_719 = arith.select %lt3A_718, %get3A_572, %broadcast_in_dim3A_0 : vector<16xi1>, vector<16xf32>
            %neg3A_720 = arith.constant 0.000000e+00 : f32
            %neg3A_721 = vector.broadcast %neg3A_720 : f32 to vector<16xf32>
            %neg3A_722 = arith.subf %neg3A_721, %get3A_572 : vector<16xf32>
            %select_n3A_723 = arith.select %lt3A_718, %broadcast_in_dim3A_0, %neg3A_722 : vector<16xi1>, vector<16xf32>
            %gt3A_724 = vector.broadcast %squeeze3A_538 : f32 to vector<16xf32>
            %gt3A_725 = arith.cmpf ogt, %select_n3A_719, %gt3A_724 : vector<16xf32>
            %gt3A_726 = vector.broadcast %squeeze3A_542 : f32 to vector<16xf32>
            %gt3A_727 = arith.cmpf ogt, %select_n3A_723, %gt3A_726 : vector<16xf32>
            %select_n3A_728 = arith.select %gt3A_725, %select_n3A_719, %broadcast_in_dim3A_0 : vector<16xi1>, vector<16xf32>
            %select_n3A_729 = arith.select %gt3A_727, %select_n3A_723, %broadcast_in_dim3A_0 : vector<16xi1>, vector<16xf32>
            %masked_sort3A_730 = arith.constant dense<true> : vector<16xi1>
            %masked_sort3A_731, %masked_sort3A_732, %masked_sort3A_733 = tpu.sort %select_n3A_728, %select_n3A_728 masked %masked_sort3A_730 {descending = true} : (vector<16xf32>, vector<16xf32>, vector<16xi1>) -> (vector<16xi1>, vector<16xf32>, vector<16xf32>)
            %masked_sort3A_734 = arith.constant dense<true> : vector<16xi1>
            %masked_sort3A_735, %masked_sort3A_736, %masked_sort3A_737 = tpu.sort %select_n3A_729, %select_n3A_729 masked %masked_sort3A_734 {descending = true} : (vector<16xf32>, vector<16xf32>, vector<16xi1>) -> (vector<16xi1>, vector<16xf32>, vector<16xf32>)
            %min3A_738 = arith.constant 4080 : i32
            %min3A_739 = arith.minsi %add3A_705, %min3A_738 : i32
            %swap3A_740 = arith.index_cast %min3A_739 : i32 to index
            %swap3A_741 = tpu.vector_load %arg10[%swap3A_740] {strides = array<i32>} : memref<4096xf32, #tpu.memory_space<vmem>>, vector<16xf32>,
            tpu.vector_store %arg10[%swap3A_740], %masked_sort3A_732 {strides = array<i32>} : memref<4096xf32, #tpu.memory_space<vmem>>, vector<16xf32>,
            %min3A_742 = arith.constant 4080 : i32
            %min3A_743 = arith.minsi %add3A_709, %min3A_742 : i32
            %swap3A_744 = arith.index_cast %min3A_743 : i32 to index
            %swap3A_745 = tpu.vector_load %arg11[%swap3A_744] {strides = array<i32>} : memref<4096xf32, #tpu.memory_space<vmem>>, vector<16xf32>,
            tpu.vector_store %arg11[%swap3A_744], %masked_sort3A_736 {strides = array<i32>} : memref<4096xf32, #tpu.memory_space<vmem>>, vector<16xf32>,
            %all_reduce_population_count3A_746 = tpu.all_reduce %gt3A_725 {dim = 0 : i64, kind = #tpu.reduction_kind<sum>} : vector<16xi1> -> vector<16xi32>
            %slice3A_747 = vector.extract_strided_slice %all_reduce_population_count3A_746 {offsets = [0], sizes = [1], strides = [1]} : vector<16xi32> to vector<1xi32>
            %squeeze3A_748 = vector.extract %slice3A_747[0] : i32 from vector<1xi32>
            %add3A_749 = arith.addi %add3A_705, %squeeze3A_748 : i32
            %all_reduce_population_count3A_750 = tpu.all_reduce %gt3A_727 {dim = 0 : i64, kind = #tpu.reduction_kind<sum>} : vector<16xi1> -> vector<16xi32>
            %slice3A_751 = vector.extract_strided_slice %all_reduce_population_count3A_750 {offsets = [0], sizes = [1], strides = [1]} : vector<16xi32> to vector<1xi32>
            %squeeze3A_752 = vector.extract %slice3A_751[0] : i32 from vector<1xi32>
            %add3A_753 = arith.addi %add3A_709, %squeeze3A_752 : i32
            %max3A_754 = arith.maximumf %max3A_710, %select_n3A_728 : vector<16xf32>
            %max3A_755 = arith.maximumf %max3A_711, %select_n3A_729 : vector<16xf32>
            %add3A_756 = arith.constant 48 : i32
            %add3A_757 = arith.addi %mul3A_560, %add3A_756 : i32
            %get3A_758 = arith.index_cast %add3A_757 : i32 to index
            %get3A_759 = tpu.vector_load %arg7[%get3A_758] {strides = array<i32>} : memref<8192xf32, #tpu.memory_space<vmem>>, vector<16xf32>,
            %lt3A_760 = arith.constant 5.000000e-01 : f32
            %lt3A_761 = vector.broadcast %lt3A_760 : f32 to vector<16xf32>
            %lt3A_762 = arith.cmpf olt, %get3A_759, %lt3A_761 : vector<16xf32>
            %select_n3A_763 = arith.select %lt3A_762, %get3A_576, %broadcast_in_dim3A_0 : vector<16xi1>, vector<16xf32>
            %neg3A_764 = arith.constant 0.000000e+00 : f32
            %neg3A_765 = vector.broadcast %neg3A_764 : f32 to vector<16xf32>
            %neg3A_766 = arith.subf %neg3A_765, %get3A_576 : vector<16xf32>
            %select_n3A_767 = arith.select %lt3A_762, %broadcast_in_dim3A_0, %neg3A_766 : vector<16xi1>, vector<16xf32>
            %gt3A_768 = vector.broadcast %squeeze3A_538 : f32 to vector<16xf32>
            %gt3A_769 = arith.cmpf ogt, %select_n3A_763, %gt3A_768 : vector<16xf32>
            %gt3A_770 = vector.broadcast %squeeze3A_542 : f32 to vector<16xf32>
            %gt3A_771 = arith.cmpf ogt, %select_n3A_767, %gt3A_770 : vector<16xf32>
            %select_n3A_772 = arith.select %gt3A_769, %select_n3A_763, %broadcast_in_dim3A_0 : vector<16xi1>, vector<16xf32>
            %select_n3A_773 = arith.select %gt3A_771, %select_n3A_767, %broadcast_in_dim3A_0 : vector<16xi1>, vector<16xf32>
            %masked_sort3A_774 = arith.constant dense<true> : vector<16xi1>
            %masked_sort3A_775, %masked_sort3A_776, %masked_sort3A_777 = tpu.sort %select_n3A_772, %select_n3A_772 masked %masked_sort3A_774 {descending = true} : (vector<16xf32>, vector<16xf32>, vector<16xi1>) -> (vector<16xi1>, vector<16xf32>, vector<16xf32>)
            %masked_sort3A_778 = arith.constant dense<true> : vector<16xi1>
            %masked_sort3A_779, %masked_sort3A_780, %masked_sort3A_781 = tpu.sort %select_n3A_773, %select_n3A_773 masked %masked_sort3A_778 {descending = true} : (vector<16xf32>, vector<16xf32>, vector<16xi1>) -> (vector<16xi1>, vector<16xf32>, vector<16xf32>)
            %min3A_782 = arith.constant 4080 : i32
            %min3A_783 = arith.minsi %add3A_749, %min3A_782 : i32
            %swap3A_784 = arith.index_cast %min3A_783 : i32 to index
            %swap3A_785 = tpu.vector_load %arg10[%swap3A_784] {strides = array<i32>} : memref<4096xf32, #tpu.memory_space<vmem>>, vector<16xf32>,
            tpu.vector_store %arg10[%swap3A_784], %masked_sort3A_776 {strides = array<i32>} : memref<4096xf32, #tpu.memory_space<vmem>>, vector<16xf32>,
            %min3A_786 = arith.constant 4080 : i32
            %min3A_787 = arith.minsi %add3A_753, %min3A_786 : i32
            %swap3A_788 = arith.index_cast %min3A_787 : i32 to index
            %swap3A_789 = tpu.vector_load %arg11[%swap3A_788] {strides = array<i32>} : memref<4096xf32, #tpu.memory_space<vmem>>, vector<16xf32>,
            tpu.vector_store %arg11[%swap3A_788], %masked_sort3A_780 {strides = array<i32>} : memref<4096xf32, #tpu.memory_space<vmem>>, vector<16xf32>,
            %all_reduce_population_count3A_790 = tpu.all_reduce %gt3A_769 {dim = 0 : i64, kind = #tpu.reduction_kind<sum>} : vector<16xi1> -> vector<16xi32>
            %slice3A_791 = vector.extract_strided_slice %all_reduce_population_count3A_790 {offsets = [0], sizes = [1], strides = [1]} : vector<16xi32> to vector<1xi32>
            %squeeze3A_792 = vector.extract %slice3A_791[0] : i32 from vector<1xi32>
            %add3A_793 = arith.addi %add3A_749, %squeeze3A_792 : i32
            %all_reduce_population_count3A_794 = tpu.all_reduce %gt3A_771 {dim = 0 : i64, kind = #tpu.reduction_kind<sum>} : vector<16xi1> -> vector<16xi32>
            %slice3A_795 = vector.extract_strided_slice %all_reduce_population_count3A_794 {offsets = [0], sizes = [1], strides = [1]} : vector<16xi32> to vector<1xi32>
            %squeeze3A_796 = vector.extract %slice3A_795[0] : i32 from vector<1xi32>
            %add3A_797 = arith.addi %add3A_753, %squeeze3A_796 : i32
            %max3A_798 = arith.maximumf %max3A_754, %select_n3A_772 : vector<16xf32>
            %max3A_799 = arith.maximumf %max3A_755, %select_n3A_773 : vector<16xf32>
            %add3A_800 = arith.constant 64 : i32
            %add3A_801 = arith.addi %mul3A_560, %add3A_800 : i32
            %get3A_802 = arith.index_cast %add3A_801 : i32 to index
            %get3A_803 = tpu.vector_load %arg7[%get3A_802] {strides = array<i32>} : memref<8192xf32, #tpu.memory_space<vmem>>, vector<16xf32>,
            %lt3A_804 = arith.constant 5.000000e-01 : f32
            %lt3A_805 = vector.broadcast %lt3A_804 : f32 to vector<16xf32>
            %lt3A_806 = arith.cmpf olt, %get3A_803, %lt3A_805 : vector<16xf32>
            %select_n3A_807 = arith.select %lt3A_806, %get3A_580, %broadcast_in_dim3A_0 : vector<16xi1>, vector<16xf32>
            %neg3A_808 = arith.constant 0.000000e+00 : f32
            %neg3A_809 = vector.broadcast %neg3A_808 : f32 to vector<16xf32>
            %neg3A_810 = arith.subf %neg3A_809, %get3A_580 : vector<16xf32>
            %select_n3A_811 = arith.select %lt3A_806, %broadcast_in_dim3A_0, %neg3A_810 : vector<16xi1>, vector<16xf32>
            %gt3A_812 = vector.broadcast %squeeze3A_538 : f32 to vector<16xf32>
            %gt3A_813 = arith.cmpf ogt, %select_n3A_807, %gt3A_812 : vector<16xf32>
            %gt3A_814 = vector.broadcast %squeeze3A_542 : f32 to vector<16xf32>
            %gt3A_815 = arith.cmpf ogt, %select_n3A_811, %gt3A_814 : vector<16xf32>
            %select_n3A_816 = arith.select %gt3A_813, %select_n3A_807, %broadcast_in_dim3A_0 : vector<16xi1>, vector<16xf32>
            %select_n3A_817 = arith.select %gt3A_815, %select_n3A_811, %broadcast_in_dim3A_0 : vector<16xi1>, vector<16xf32>
            %masked_sort3A_818 = arith.constant dense<true> : vector<16xi1>
            %masked_sort3A_819, %masked_sort3A_820, %masked_sort3A_821 = tpu.sort %select_n3A_816, %select_n3A_816 masked %masked_sort3A_818 {descending = true} : (vector<16xf32>, vector<16xf32>, vector<16xi1>) -> (vector<16xi1>, vector<16xf32>, vector<16xf32>)
            %masked_sort3A_822 = arith.constant dense<true> : vector<16xi1>
            %masked_sort3A_823, %masked_sort3A_824, %masked_sort3A_825 = tpu.sort %select_n3A_817, %select_n3A_817 masked %masked_sort3A_822 {descending = true} : (vector<16xf32>, vector<16xf32>, vector<16xi1>) -> (vector<16xi1>, vector<16xf32>, vector<16xf32>)
            %min3A_826 = arith.constant 4080 : i32
            %min3A_827 = arith.minsi %add3A_793, %min3A_826 : i32
            %swap3A_828 = arith.index_cast %min3A_827 : i32 to index
            %swap3A_829 = tpu.vector_load %arg10[%swap3A_828] {strides = array<i32>} : memref<4096xf32, #tpu.memory_space<vmem>>, vector<16xf32>,
            tpu.vector_store %arg10[%swap3A_828], %masked_sort3A_820 {strides = array<i32>} : memref<4096xf32, #tpu.memory_space<vmem>>, vector<16xf32>,
            %min3A_830 = arith.constant 4080 : i32
            %min3A_831 = arith.minsi %add3A_797, %min3A_830 : i32
            %swap3A_832 = arith.index_cast %min3A_831 : i32 to index
            %swap3A_833 = tpu.vector_load %arg11[%swap3A_832] {strides = array<i32>} : memref<4096xf32, #tpu.memory_space<vmem>>, vector<16xf32>,
            tpu.vector_store %arg11[%swap3A_832], %masked_sort3A_824 {strides = array<i32>} : memref<4096xf32, #tpu.memory_space<vmem>>, vector<16xf32>,
            %all_reduce_population_count3A_834 = tpu.all_reduce %gt3A_813 {dim = 0 : i64, kind = #tpu.reduction_kind<sum>} : vector<16xi1> -> vector<16xi32>
            %slice3A_835 = vector.extract_strided_slice %all_reduce_population_count3A_834 {offsets = [0], sizes = [1], strides = [1]} : vector<16xi32> to vector<1xi32>
            %squeeze3A_836 = vector.extract %slice3A_835[0] : i32 from vector<1xi32>
            %add3A_837 = arith.addi %add3A_793, %squeeze3A_836 : i32
            %all_reduce_population_count3A_838 = tpu.all_reduce %gt3A_815 {dim = 0 : i64, kind = #tpu.reduction_kind<sum>} : vector<16xi1> -> vector<16xi32>
            %slice3A_839 = vector.extract_strided_slice %all_reduce_population_count3A_838 {offsets = [0], sizes = [1], strides = [1]} : vector<16xi32> to vector<1xi32>
            %squeeze3A_840 = vector.extract %slice3A_839[0] : i32 from vector<1xi32>
            %add3A_841 = arith.addi %add3A_797, %squeeze3A_840 : i32
            %max3A_842 = arith.maximumf %max3A_798, %select_n3A_816 : vector<16xf32>
            %max3A_843 = arith.maximumf %max3A_799, %select_n3A_817 : vector<16xf32>
            %add3A_844 = arith.constant 80 : i32
            %add3A_845 = arith.addi %mul3A_560, %add3A_844 : i32
            %get3A_846 = arith.index_cast %add3A_845 : i32 to index
            %get3A_847 = tpu.vector_load %arg7[%get3A_846] {strides = array<i32>} : memref<8192xf32, #tpu.memory_space<vmem>>, vector<16xf32>,
            %lt3A_848 = arith.constant 5.000000e-01 : f32
            %lt3A_849 = vector.broadcast %lt3A_848 : f32 to vector<16xf32>
            %lt3A_850 = arith.cmpf olt, %get3A_847, %lt3A_849 : vector<16xf32>
            %select_n3A_851 = arith.select %lt3A_850, %get3A_584, %broadcast_in_dim3A_0 : vector<16xi1>, vector<16xf32>
            %neg3A_852 = arith.constant 0.000000e+00 : f32
            %neg3A_853 = vector.broadcast %neg3A_852 : f32 to vector<16xf32>
            %neg3A_854 = arith.subf %neg3A_853, %get3A_584 : vector<16xf32>
            %select_n3A_855 = arith.select %lt3A_850, %broadcast_in_dim3A_0, %neg3A_854 : vector<16xi1>, vector<16xf32>
            %gt3A_856 = vector.broadcast %squeeze3A_538 : f32 to vector<16xf32>
            %gt3A_857 = arith.cmpf ogt, %select_n3A_851, %gt3A_856 : vector<16xf32>
            %gt3A_858 = vector.broadcast %squeeze3A_542 : f32 to vector<16xf32>
            %gt3A_859 = arith.cmpf ogt, %select_n3A_855, %gt3A_858 : vector<16xf32>
            %select_n3A_860 = arith.select %gt3A_857, %select_n3A_851, %broadcast_in_dim3A_0 : vector<16xi1>, vector<16xf32>
            %select_n3A_861 = arith.select %gt3A_859, %select_n3A_855, %broadcast_in_dim3A_0 : vector<16xi1>, vector<16xf32>
            %masked_sort3A_862 = arith.constant dense<true> : vector<16xi1>
            %masked_sort3A_863, %masked_sort3A_864, %masked_sort3A_865 = tpu.sort %select_n3A_860, %select_n3A_860 masked %masked_sort3A_862 {descending = true} : (vector<16xf32>, vector<16xf32>, vector<16xi1>) -> (vector<16xi1>, vector<16xf32>, vector<16xf32>)
            %masked_sort3A_866 = arith.constant dense<true> : vector<16xi1>
            %masked_sort3A_867, %masked_sort3A_868, %masked_sort3A_869 = tpu.sort %select_n3A_861, %select_n3A_861 masked %masked_sort3A_866 {descending = true} : (vector<16xf32>, vector<16xf32>, vector<16xi1>) -> (vector<16xi1>, vector<16xf32>, vector<16xf32>)
            %min3A_870 = arith.constant 4080 : i32
            %min3A_871 = arith.minsi %add3A_837, %min3A_870 : i32
            %swap3A_872 = arith.index_cast %min3A_871 : i32 to index
            %swap3A_873 = tpu.vector_load %arg10[%swap3A_872] {strides = array<i32>} : memref<4096xf32, #tpu.memory_space<vmem>>, vector<16xf32>,
            tpu.vector_store %arg10[%swap3A_872], %masked_sort3A_864 {strides = array<i32>} : memref<4096xf32, #tpu.memory_space<vmem>>, vector<16xf32>,
            %min3A_874 = arith.constant 4080 : i32
            %min3A_875 = arith.minsi %add3A_841, %min3A_874 : i32
            %swap3A_876 = arith.index_cast %min3A_875 : i32 to index
            %swap3A_877 = tpu.vector_load %arg11[%swap3A_876] {strides = array<i32>} : memref<4096xf32, #tpu.memory_space<vmem>>, vector<16xf32>,
            tpu.vector_store %arg11[%swap3A_876], %masked_sort3A_868 {strides = array<i32>} : memref<4096xf32, #tpu.memory_space<vmem>>, vector<16xf32>,
            %all_reduce_population_count3A_878 = tpu.all_reduce %gt3A_857 {dim = 0 : i64, kind = #tpu.reduction_kind<sum>} : vector<16xi1> -> vector<16xi32>
            %slice3A_879 = vector.extract_strided_slice %all_reduce_population_count3A_878 {offsets = [0], sizes = [1], strides = [1]} : vector<16xi32> to vector<1xi32>
            %squeeze3A_880 = vector.extract %slice3A_879[0] : i32 from vector<1xi32>
            %add3A_881 = arith.addi %add3A_837, %squeeze3A_880 : i32
            %all_reduce_population_count3A_882 = tpu.all_reduce %gt3A_859 {dim = 0 : i64, kind = #tpu.reduction_kind<sum>} : vector<16xi1> -> vector<16xi32>
            %slice3A_883 = vector.extract_strided_slice %all_reduce_population_count3A_882 {offsets = [0], sizes = [1], strides = [1]} : vector<16xi32> to vector<1xi32>
            %squeeze3A_884 = vector.extract %slice3A_883[0] : i32 from vector<1xi32>
            %add3A_885 = arith.addi %add3A_841, %squeeze3A_884 : i32
            %max3A_886 = arith.maximumf %max3A_842, %select_n3A_860 : vector<16xf32>
            %max3A_887 = arith.maximumf %max3A_843, %select_n3A_861 : vector<16xf32>
            %add3A_888 = arith.constant 96 : i32
            %add3A_889 = arith.addi %mul3A_560, %add3A_888 : i32
            %get3A_890 = arith.index_cast %add3A_889 : i32 to index
            %get3A_891 = tpu.vector_load %arg7[%get3A_890] {strides = array<i32>} : memref<8192xf32, #tpu.memory_space<vmem>>, vector<16xf32>,
            %lt3A_892 = arith.constant 5.000000e-01 : f32
            %lt3A_893 = vector.broadcast %lt3A_892 : f32 to vector<16xf32>
            %lt3A_894 = arith.cmpf olt, %get3A_891, %lt3A_893 : vector<16xf32>
            %select_n3A_895 = arith.select %lt3A_894, %get3A_588, %broadcast_in_dim3A_0 : vector<16xi1>, vector<16xf32>
            %neg3A_896 = arith.constant 0.000000e+00 : f32
            %neg3A_897 = vector.broadcast %neg3A_896 : f32 to vector<16xf32>
            %neg3A_898 = arith.subf %neg3A_897, %get3A_588 : vector<16xf32>
            %select_n3A_899 = arith.select %lt3A_894, %broadcast_in_dim3A_0, %neg3A_898 : vector<16xi1>, vector<16xf32>
            %gt3A_900 = vector.broadcast %squeeze3A_538 : f32 to vector<16xf32>
            %gt3A_901 = arith.cmpf ogt, %select_n3A_895, %gt3A_900 : vector<16xf32>
            %gt3A_902 = vector.broadcast %squeeze3A_542 : f32 to vector<16xf32>
            %gt3A_903 = arith.cmpf ogt, %select_n3A_899, %gt3A_902 : vector<16xf32>
            %select_n3A_904 = arith.select %gt3A_901, %select_n3A_895, %broadcast_in_dim3A_0 : vector<16xi1>, vector<16xf32>
            %select_n3A_905 = arith.select %gt3A_903, %select_n3A_899, %broadcast_in_dim3A_0 : vector<16xi1>, vector<16xf32>
            %masked_sort3A_906 = arith.constant dense<true> : vector<16xi1>
            %masked_sort3A_907, %masked_sort3A_908, %masked_sort3A_909 = tpu.sort %select_n3A_904, %select_n3A_904 masked %masked_sort3A_906 {descending = true} : (vector<16xf32>, vector<16xf32>, vector<16xi1>) -> (vector<16xi1>, vector<16xf32>, vector<16xf32>)
            %masked_sort3A_910 = arith.constant dense<true> : vector<16xi1>
            %masked_sort3A_911, %masked_sort3A_912, %masked_sort3A_913 = tpu.sort %select_n3A_905, %select_n3A_905 masked %masked_sort3A_910 {descending = true} : (vector<16xf32>, vector<16xf32>, vector<16xi1>) -> (vector<16xi1>, vector<16xf32>, vector<16xf32>)
            %min3A_914 = arith.constant 4080 : i32
            %min3A_915 = arith.minsi %add3A_881, %min3A_914 : i32
            %swap3A_916 = arith.index_cast %min3A_915 : i32 to index
            %swap3A_917 = tpu.vector_load %arg10[%swap3A_916] {strides = array<i32>} : memref<4096xf32, #tpu.memory_space<vmem>>, vector<16xf32>,
            tpu.vector_store %arg10[%swap3A_916], %masked_sort3A_908 {strides = array<i32>} : memref<4096xf32, #tpu.memory_space<vmem>>, vector<16xf32>,
            %min3A_918 = arith.constant 4080 : i32
            %min3A_919 = arith.minsi %add3A_885, %min3A_918 : i32
            %swap3A_920 = arith.index_cast %min3A_919 : i32 to index
            %swap3A_921 = tpu.vector_load %arg11[%swap3A_920] {strides = array<i32>} : memref<4096xf32, #tpu.memory_space<vmem>>, vector<16xf32>,
            tpu.vector_store %arg11[%swap3A_920], %masked_sort3A_912 {strides = array<i32>} : memref<4096xf32, #tpu.memory_space<vmem>>, vector<16xf32>,
            %all_reduce_population_count3A_922 = tpu.all_reduce %gt3A_901 {dim = 0 : i64, kind = #tpu.reduction_kind<sum>} : vector<16xi1> -> vector<16xi32>
            %slice3A_923 = vector.extract_strided_slice %all_reduce_population_count3A_922 {offsets = [0], sizes = [1], strides = [1]} : vector<16xi32> to vector<1xi32>
            %squeeze3A_924 = vector.extract %slice3A_923[0] : i32 from vector<1xi32>
            %add3A_925 = arith.addi %add3A_881, %squeeze3A_924 : i32
            %all_reduce_population_count3A_926 = tpu.all_reduce %gt3A_903 {dim = 0 : i64, kind = #tpu.reduction_kind<sum>} : vector<16xi1> -> vector<16xi32>
            %slice3A_927 = vector.extract_strided_slice %all_reduce_population_count3A_926 {offsets = [0], sizes = [1], strides = [1]} : vector<16xi32> to vector<1xi32>
            %squeeze3A_928 = vector.extract %slice3A_927[0] : i32 from vector<1xi32>
            %add3A_929 = arith.addi %add3A_885, %squeeze3A_928 : i32
            %max3A_930 = arith.maximumf %max3A_886, %select_n3A_904 : vector<16xf32>
            %max3A_931 = arith.maximumf %max3A_887, %select_n3A_905 : vector<16xf32>
            %add3A_932 = arith.constant 112 : i32
            %add3A_933 = arith.addi %mul3A_560, %add3A_932 : i32
            %get3A_934 = arith.index_cast %add3A_933 : i32 to index
            %get3A_935 = tpu.vector_load %arg7[%get3A_934] {strides = array<i32>} : memref<8192xf32, #tpu.memory_space<vmem>>, vector<16xf32>,
            %lt3A_936 = arith.constant 5.000000e-01 : f32
            %lt3A_937 = vector.broadcast %lt3A_936 : f32 to vector<16xf32>
            %lt3A_938 = arith.cmpf olt, %get3A_935, %lt3A_937 : vector<16xf32>
            %select_n3A_939 = arith.select %lt3A_938, %get3A_592, %broadcast_in_dim3A_0 : vector<16xi1>, vector<16xf32>
            %neg3A_940 = arith.constant 0.000000e+00 : f32
            %neg3A_941 = vector.broadcast %neg3A_940 : f32 to vector<16xf32>
            %neg3A_942 = arith.subf %neg3A_941, %get3A_592 : vector<16xf32>
            %select_n3A_943 = arith.select %lt3A_938, %broadcast_in_dim3A_0, %neg3A_942 : vector<16xi1>, vector<16xf32>
            %gt3A_944 = vector.broadcast %squeeze3A_538 : f32 to vector<16xf32>
            %gt3A_945 = arith.cmpf ogt, %select_n3A_939, %gt3A_944 : vector<16xf32>
            %gt3A_946 = vector.broadcast %squeeze3A_542 : f32 to vector<16xf32>
            %gt3A_947 = arith.cmpf ogt, %select_n3A_943, %gt3A_946 : vector<16xf32>
            %select_n3A_948 = arith.select %gt3A_945, %select_n3A_939, %broadcast_in_dim3A_0 : vector<16xi1>, vector<16xf32>
            %select_n3A_949 = arith.select %gt3A_947, %select_n3A_943, %broadcast_in_dim3A_0 : vector<16xi1>, vector<16xf32>
            %masked_sort3A_950 = arith.constant dense<true> : vector<16xi1>
            %masked_sort3A_951, %masked_sort3A_952, %masked_sort3A_953 = tpu.sort %select_n3A_948, %select_n3A_948 masked %masked_sort3A_950 {descending = true} : (vector<16xf32>, vector<16xf32>, vector<16xi1>) -> (vector<16xi1>, vector<16xf32>, vector<16xf32>)
            %masked_sort3A_954 = arith.constant dense<true> : vector<16xi1>
            %masked_sort3A_955, %masked_sort3A_956, %masked_sort3A_957 = tpu.sort %select_n3A_949, %select_n3A_949 masked %masked_sort3A_954 {descending = true} : (vector<16xf32>, vector<16xf32>, vector<16xi1>) -> (vector<16xi1>, vector<16xf32>, vector<16xf32>)
            %min3A_958 = arith.constant 4080 : i32
            %min3A_959 = arith.minsi %add3A_925, %min3A_958 : i32
            %swap3A_960 = arith.index_cast %min3A_959 : i32 to index
            %swap3A_961 = tpu.vector_load %arg10[%swap3A_960] {strides = array<i32>} : memref<4096xf32, #tpu.memory_space<vmem>>, vector<16xf32>,
            tpu.vector_store %arg10[%swap3A_960], %masked_sort3A_952 {strides = array<i32>} : memref<4096xf32, #tpu.memory_space<vmem>>, vector<16xf32>,
            %min3A_962 = arith.constant 4080 : i32
            %min3A_963 = arith.minsi %add3A_929, %min3A_962 : i32
            %swap3A_964 = arith.index_cast %min3A_963 : i32 to index
            %swap3A_965 = tpu.vector_load %arg11[%swap3A_964] {strides = array<i32>} : memref<4096xf32, #tpu.memory_space<vmem>>, vector<16xf32>,
            tpu.vector_store %arg11[%swap3A_964], %masked_sort3A_956 {strides = array<i32>} : memref<4096xf32, #tpu.memory_space<vmem>>, vector<16xf32>,
            %all_reduce_population_count3A_966 = tpu.all_reduce %gt3A_945 {dim = 0 : i64, kind = #tpu.reduction_kind<sum>} : vector<16xi1> -> vector<16xi32>
            %slice3A_967 = vector.extract_strided_slice %all_reduce_population_count3A_966 {offsets = [0], sizes = [1], strides = [1]} : vector<16xi32> to vector<1xi32>
            %squeeze3A_968 = vector.extract %slice3A_967[0] : i32 from vector<1xi32>
            %add3A_969 = arith.addi %add3A_925, %squeeze3A_968 : i32
            %all_reduce_population_count3A_970 = tpu.all_reduce %gt3A_947 {dim = 0 : i64, kind = #tpu.reduction_kind<sum>} : vector<16xi1> -> vector<16xi32>
            %slice3A_971 = vector.extract_strided_slice %all_reduce_population_count3A_970 {offsets = [0], sizes = [1], strides = [1]} : vector<16xi32> to vector<1xi32>
            %squeeze3A_972 = vector.extract %slice3A_971[0] : i32 from vector<1xi32>
            %add3A_973 = arith.addi %add3A_929, %squeeze3A_972 : i32
            %max3A_974 = arith.maximumf %max3A_930, %select_n3A_948 : vector<16xf32>
            %max3A_975 = arith.maximumf %max3A_931, %select_n3A_949 : vector<16xf32>
            %add3A_976 = vector.broadcast %add3A_969 : i32 to vector<16xi32>
            %add3A_977 = arith.addi %broadcast_in_dim3A_2, %add3A_976 : vector<16xi32>
            %swap3A_978 = arith.constant 0 : index
            %swap3A_979 = tpu.vector_load %arg13[%swap3A_978] {strides = array<i32>} : memref<32xi32, #tpu.memory_space<vmem>>, vector<16xi32>,
            tpu.vector_store %arg13[%swap3A_978], %add3A_977 {strides = array<i32>} : memref<32xi32, #tpu.memory_space<vmem>>, vector<16xi32>,
            %add3A_980 = vector.broadcast %add3A_973 : i32 to vector<16xi32>
            %add3A_981 = arith.addi %broadcast_in_dim3A_2, %add3A_980 : vector<16xi32>
            %swap3A_982 = arith.constant 16 : index
            %swap3A_983 = tpu.vector_load %arg13[%swap3A_982] {strides = array<i32>} : memref<32xi32, #tpu.memory_space<vmem>>, vector<16xi32>,
            tpu.vector_store %arg13[%swap3A_982], %add3A_981 {strides = array<i32>} : memref<32xi32, #tpu.memory_space<vmem>>, vector<16xi32>,
            %masked_sort3A_984 = arith.constant dense<true> : vector<16xi1>
            %masked_sort3A_985, %masked_sort3A_986, %masked_sort3A_987 = tpu.sort %max3A_974, %max3A_974 masked %masked_sort3A_984 {descending = true} : (vector<16xf32>, vector<16xf32>, vector<16xi1>) -> (vector<16xi1>, vector<16xf32>, vector<16xf32>)
            %masked_sort3A_988 = arith.constant dense<true> : vector<16xi1>
            %masked_sort3A_989, %masked_sort3A_990, %masked_sort3A_991 = tpu.sort %max3A_975, %max3A_975 masked %masked_sort3A_988 {descending = true} : (vector<16xf32>, vector<16xf32>, vector<16xi1>) -> (vector<16xi1>, vector<16xf32>, vector<16xf32>)
            %get3A_992 = arith.constant 0 : index
            %get3A_993 = tpu.vector_load %arg12[%get3A_992] {strides = array<i32>} : memref<64xf32, #tpu.memory_space<vmem>>, vector<16xf32>,
            %max3A_994 = arith.maximumf %get3A_993, %masked_sort3A_986 : vector<16xf32>
            %min3A_995 = arith.minimumf %get3A_993, %masked_sort3A_986 : vector<16xf32>
            %masked_sort3A_996 = arith.constant dense<true> : vector<16xi1>
            %masked_sort3A_997, %masked_sort3A_998, %masked_sort3A_999 = tpu.sort %max3A_994, %max3A_994 masked %masked_sort3A_996 : (vector<16xf32>, vector<16xf32>, vector<16xi1>) -> (vector<16xi1>, vector<16xf32>, vector<16xf32>)
            %masked_sort3A_1000 = arith.constant dense<true> : vector<16xi1>
            %masked_sort3A_1001, %masked_sort3A_1002, %masked_sort3A_1003 = tpu.sort %min3A_995, %min3A_995 masked %masked_sort3A_1000 {descending = true} : (vector<16xf32>, vector<16xf32>, vector<16xi1>) -> (vector<16xi1>, vector<16xf32>, vector<16xf32>)
            %get3A_1004 = arith.constant 16 : index
            %get3A_1005 = tpu.vector_load %arg12[%get3A_1004] {strides = array<i32>} : memref<64xf32, #tpu.memory_space<vmem>>, vector<16xf32>,
            %max3A_1006 = arith.maximumf %get3A_1005, %masked_sort3A_1002 : vector<16xf32>
            %masked_sort3A_1007 = arith.constant dense<true> : vector<16xi1>
            %masked_sort3A_1008, %masked_sort3A_1009, %masked_sort3A_1010 = tpu.sort %max3A_1006, %max3A_1006 masked %masked_sort3A_1007 : (vector<16xf32>, vector<16xf32>, vector<16xi1>) -> (vector<16xi1>, vector<16xf32>, vector<16xf32>)
            %swap3A_1011 = arith.constant 0 : index
            %swap3A_1012 = tpu.vector_load %arg12[%swap3A_1011] {strides = array<i32>} : memref<64xf32, #tpu.memory_space<vmem>>, vector<16xf32>,
            tpu.vector_store %arg12[%swap3A_1011], %masked_sort3A_998 {strides = array<i32>} : memref<64xf32, #tpu.memory_space<vmem>>, vector<16xf32>,
            %swap3A_1013 = arith.constant 16 : index
            %swap3A_1014 = tpu.vector_load %arg12[%swap3A_1013] {strides = array<i32>} : memref<64xf32, #tpu.memory_space<vmem>>, vector<16xf32>,
            tpu.vector_store %arg12[%swap3A_1013], %masked_sort3A_1009 {strides = array<i32>} : memref<64xf32, #tpu.memory_space<vmem>>, vector<16xf32>,
            %get3A_1015 = arith.constant 32 : index
            %get3A_1016 = tpu.vector_load %arg12[%get3A_1015] {strides = array<i32>} : memref<64xf32, #tpu.memory_space<vmem>>, vector<16xf32>,
            %max3A_1017 = arith.maximumf %get3A_1016, %masked_sort3A_990 : vector<16xf32>
            %min3A_1018 = arith.minimumf %get3A_1016, %masked_sort3A_990 : vector<16xf32>
            %masked_sort3A_1019 = arith.constant dense<true> : vector<16xi1>
            %masked_sort3A_1020, %masked_sort3A_1021, %masked_sort3A_1022 = tpu.sort %max3A_1017, %max3A_1017 masked %masked_sort3A_1019 : (vector<16xf32>, vector<16xf32>, vector<16xi1>) -> (vector<16xi1>, vector<16xf32>, vector<16xf32>)
            %masked_sort3A_1023 = arith.constant dense<true> : vector<16xi1>
            %masked_sort3A_1024, %masked_sort3A_1025, %masked_sort3A_1026 = tpu.sort %min3A_1018, %min3A_1018 masked %masked_sort3A_1023 {descending = true} : (vector<16xf32>, vector<16xf32>, vector<16xi1>) -> (vector<16xi1>, vector<16xf32>, vector<16xf32>)
            %get3A_1027 = arith.constant 48 : index
            %get3A_1028 = tpu.vector_load %arg12[%get3A_1027] {strides = array<i32>} : memref<64xf32, #tpu.memory_space<vmem>>, vector<16xf32>,
            %max3A_1029 = arith.maximumf %get3A_1028, %masked_sort3A_1025 : vector<16xf32>
            %masked_sort3A_1030 = arith.constant dense<true> : vector<16xi1>
            %masked_sort3A_1031, %masked_sort3A_1032, %masked_sort3A_1033 = tpu.sort %max3A_1029, %max3A_1029 masked %masked_sort3A_1030 : (vector<16xf32>, vector<16xf32>, vector<16xi1>) -> (vector<16xi1>, vector<16xf32>, vector<16xf32>)
            %swap3A_1034 = arith.constant 32 : index
            %swap3A_1035 = tpu.vector_load %arg12[%swap3A_1034] {strides = array<i32>} : memref<64xf32, #tpu.memory_space<vmem>>, vector<16xf32>,
            tpu.vector_store %arg12[%swap3A_1034], %masked_sort3A_1021 {strides = array<i32>} : memref<64xf32, #tpu.memory_space<vmem>>, vector<16xf32>,
            %swap3A_1036 = arith.constant 48 : index
            %swap3A_1037 = tpu.vector_load %arg12[%swap3A_1036] {strides = array<i32>} : memref<64xf32, #tpu.memory_space<vmem>>, vector<16xf32>,
            tpu.vector_store %arg12[%swap3A_1036], %masked_sort3A_1032 {strides = array<i32>} : memref<64xf32, #tpu.memory_space<vmem>>, vector<16xf32>,
          } else {
          }
          %scan3A_616 = arith.constant 0 : i32
          scf.yield %scan3A_616 : i32
        }
        %scan3A_550 = arith.constant 4 : i32
        %scan3A_551 = arith.constant 0 : i32
        scf.yield %scan3A_551 : i32
      }
      %scan3A_414 = arith.constant 16 : i32
      %add3A_415 = arith.constant 2 : i32
      %add3A_416 = arith.addi %mul3A_306, %add3A_415 : i32
      %lt3A_417 = arith.constant 16 : i32
      %lt3A_418 = arith.cmpi slt, %add3A_416, %lt3A_417 : i32
      %convert_element_type3A = arith.extui %lt3A_418 : i1 to i32
      %cond3A = arith.constant 0 : i32
      %cond3A_419 = arith.cmpi ne, %convert_element_type3A, %cond3A : i32
      scf.if %cond3A_419 {
        %add3A_533 = arith.constant 2 : i32
        %add3A_534 = arith.addi %mul3A_306, %add3A_533 : i32
        %mul3A_535 = arith.constant 16 : i32
        %mul3A_536 = arith.muli %add3A, %mul3A_535 : i32
        %add3A_537 = arith.addi %mul3A_536, %add3A_534 : i32
        %jit3A_538 = arith.constant 4 : i32
        %div3A_539 = arith.divsi %add3A_537, %jit3A_538 : i32
        %sign3A_540 = arith.constant 0 : i32
        %sign3A_541 = arith.cmpi sgt, %add3A_537, %sign3A_540 : i32
        %sign3A_542 = arith.extui %sign3A_541 : i1 to i32
        %sign3A_543 = arith.constant 0 : i32
        %sign3A_544 = arith.cmpi slt, %add3A_537, %sign3A_543 : i32
        %sign3A_545 = arith.extui %sign3A_544 : i1 to i32
        %sign3A_546 = arith.subi %sign3A_542, %sign3A_545 : i32
        %sign3A_547 = arith.constant 0 : i32
        %sign3A_548 = arith.cmpi sgt, %jit3A_538, %sign3A_547 : i32
        %sign3A_549 = arith.extui %sign3A_548 : i1 to i32
        %sign3A_550 = arith.constant 0 : i32
        %sign3A_551 = arith.cmpi slt, %jit3A_538, %sign3A_550 : i32
        %sign3A_552 = arith.extui %sign3A_551 : i1 to i32
        %sign3A_553 = arith.subi %sign3A_549, %sign3A_552 : i32
        %ne3A_554 = arith.cmpi ne, %sign3A_546, %sign3A_553 : i32
        %rem3A_555 = arith.remsi %add3A_537, %jit3A_538 : i32
        %ne3A_556 = arith.constant 0 : i32
        %ne3A_557 = arith.cmpi ne, %rem3A_555, %ne3A_556 : i32
        %and3A_558 = arith.andi %ne3A_554, %ne3A_557 : i1
        %sub3A_559 = arith.constant 1 : i32
        %sub3A_560 = arith.subi %div3A_539, %sub3A_559 : i32
        %select_n3A_561 = arith.select %and3A_558, %sub3A_560, %div3A_539 : i32
        %jit3A_562 = arith.constant 4 : i32
        %eq3A_563 = arith.constant 0 : i32
        %eq3A_564 = arith.cmpi eq, %jit3A_562, %eq3A_563 : i32
        %jit3A_565 = arith.constant 1 : i32
        %select_n3A_566 = arith.select %eq3A_564, %jit3A_565, %jit3A_562 : i32
        %rem3A_567 = arith.remsi %add3A_537, %select_n3A_566 : i32
        %ne3A_568 = arith.constant 0 : i32
        %ne3A_569 = arith.cmpi ne, %rem3A_567, %ne3A_568 : i32
        %lt3A_570 = arith.constant 0 : i32
        %lt3A_571 = arith.cmpi slt, %rem3A_567, %lt3A_570 : i32
        %lt3A_572 = arith.constant 0 : i32
        %lt3A_573 = arith.cmpi slt, %select_n3A_566, %lt3A_572 : i32
        %ne3A_574 = arith.xori %lt3A_571, %lt3A_573 : i1
        %and3A_575 = arith.andi %ne3A_574, %ne3A_569 : i1
        %add3A_576 = arith.addi %rem3A_567, %select_n3A_566 : i32
        %select_n3A_577 = arith.select %and3A_575, %add3A_576, %rem3A_567 : i32
        %mul3A_578 = arith.constant 8192 : i32
        %mul3A_579 = arith.muli %select_n3A_577, %mul3A_578 : i32
        %dma_start3A_580 = tpu.memref_slice %arg2[%select_n3A_561, %mul3A_579] : memref<128x32768xf32, #tpu.memory_space<hbm>> -> memref<1x8192xf32, #tpu.memory_space<hbm>>
        %dma_start3A_581 = tpu.memref_squeeze %dma_start3A_580 : memref<1x8192xf32, #tpu.memory_space<hbm>> -> memref<8192xf32, #tpu.memory_space<hbm>>
        %dma_start3A_582 = tpu.memref_slice %arg2[%select_n3A_561, %mul3A_579] : memref<128x32768xf32, #tpu.memory_space<hbm>> -> memref<1x8192xf32, #tpu.memory_space<hbm>>
        %dma_start3A_583 = tpu.memref_squeeze %dma_start3A_582 : memref<1x8192xf32, #tpu.memory_space<hbm>> -> memref<8192xf32, #tpu.memory_space<hbm>>
        tpu.enqueue_dma source(%dma_start3A_583 : memref<8192xf32, #tpu.memory_space<hbm>>) target(%arg6 : memref<8192xf32, #tpu.memory_space<vmem>>) target_semaphore(%arg16 : memref<!tpu.dma_semaphore, #tpu.memory_space<semaphore_mem>>)
        %add3A_584 = arith.constant 2 : i32
        %add3A_585 = arith.addi %mul3A_306, %add3A_584 : i32
        %mul3A_586 = arith.constant 16 : i32
        %mul3A_587 = arith.muli %add3A, %mul3A_586 : i32
        %add3A_588 = arith.addi %mul3A_587, %add3A_585 : i32
        %jit3A_589 = arith.constant 4 : i32
        %div3A_590 = arith.divsi %add3A_588, %jit3A_589 : i32
        %sign3A_591 = arith.constant 0 : i32
        %sign3A_592 = arith.cmpi sgt, %add3A_588, %sign3A_591 : i32
        %sign3A_593 = arith.extui %sign3A_592 : i1 to i32
        %sign3A_594 = arith.constant 0 : i32
        %sign3A_595 = arith.cmpi slt, %add3A_588, %sign3A_594 : i32
        %sign3A_596 = arith.extui %sign3A_595 : i1 to i32
        %sign3A_597 = arith.subi %sign3A_593, %sign3A_596 : i32
        %sign3A_598 = arith.constant 0 : i32
        %sign3A_599 = arith.cmpi sgt, %jit3A_589, %sign3A_598 : i32
        %sign3A_600 = arith.extui %sign3A_599 : i1 to i32
        %sign3A_601 = arith.constant 0 : i32
        %sign3A_602 = arith.cmpi slt, %jit3A_589, %sign3A_601 : i32
        %sign3A_603 = arith.extui %sign3A_602 : i1 to i32
        %sign3A_604 = arith.subi %sign3A_600, %sign3A_603 : i32
        %ne3A_605 = arith.cmpi ne, %sign3A_597, %sign3A_604 : i32
        %rem3A_606 = arith.remsi %add3A_588, %jit3A_589 : i32
        %ne3A_607 = arith.constant 0 : i32
        %ne3A_608 = arith.cmpi ne, %rem3A_606, %ne3A_607 : i32
        %and3A_609 = arith.andi %ne3A_605, %ne3A_608 : i1
        %sub3A_610 = arith.constant 1 : i32
        %sub3A_611 = arith.subi %div3A_590, %sub3A_610 : i32
        %select_n3A_612 = arith.select %and3A_609, %sub3A_611, %div3A_590 : i32
        %jit3A_613 = arith.constant 4 : i32
        %eq3A_614 = arith.constant 0 : i32
        %eq3A_615 = arith.cmpi eq, %jit3A_613, %eq3A_614 : i32
        %jit3A_616 = arith.constant 1 : i32
        %select_n3A_617 = arith.select %eq3A_615, %jit3A_616, %jit3A_613 : i32
        %rem3A_618 = arith.remsi %add3A_588, %select_n3A_617 : i32
        %ne3A_619 = arith.constant 0 : i32
        %ne3A_620 = arith.cmpi ne, %rem3A_618, %ne3A_619 : i32
        %lt3A_621 = arith.constant 0 : i32
        %lt3A_622 = arith.cmpi slt, %rem3A_618, %lt3A_621 : i32
        %lt3A_623 = arith.constant 0 : i32
        %lt3A_624 = arith.cmpi slt, %select_n3A_617, %lt3A_623 : i32
        %ne3A_625 = arith.xori %lt3A_622, %lt3A_624 : i1
        %and3A_626 = arith.andi %ne3A_625, %ne3A_620 : i1
        %add3A_627 = arith.addi %rem3A_618, %select_n3A_617 : i32
        %select_n3A_628 = arith.select %and3A_626, %add3A_627, %rem3A_618 : i32
        %mul3A_629 = arith.constant 8192 : i32
        %mul3A_630 = arith.muli %select_n3A_628, %mul3A_629 : i32
        %dma_start3A_631 = tpu.memref_slice %arg3[%select_n3A_612, %mul3A_630] : memref<128x32768xf32, #tpu.memory_space<hbm>> -> memref<1x8192xf32, #tpu.memory_space<hbm>>
        %dma_start3A_632 = tpu.memref_squeeze %dma_start3A_631 : memref<1x8192xf32, #tpu.memory_space<hbm>> -> memref<8192xf32, #tpu.memory_space<hbm>>
        %dma_start3A_633 = tpu.memref_slice %arg3[%select_n3A_612, %mul3A_630] : memref<128x32768xf32, #tpu.memory_space<hbm>> -> memref<1x8192xf32, #tpu.memory_space<hbm>>
        %dma_start3A_634 = tpu.memref_squeeze %dma_start3A_633 : memref<1x8192xf32, #tpu.memory_space<hbm>> -> memref<8192xf32, #tpu.memory_space<hbm>>
        tpu.enqueue_dma source(%dma_start3A_634 : memref<8192xf32, #tpu.memory_space<hbm>>) target(%arg7 : memref<8192xf32, #tpu.memory_space<vmem>>) target_semaphore(%arg16 : memref<!tpu.dma_semaphore, #tpu.memory_space<semaphore_mem>>)
      } else {
      }
      %mul3A_420 = arith.constant 16 : i32
      %mul3A_421 = arith.muli %add3A, %mul3A_420 : i32
      %add3A_422 = arith.addi %mul3A_421, %add3A_310 : i32
      %jit3A_423 = arith.constant 4 : i32
      %div3A_424 = arith.divsi %add3A_422, %jit3A_423 : i32
      %sign3A_425 = arith.constant 0 : i32
      %sign3A_426 = arith.cmpi sgt, %add3A_422, %sign3A_425 : i32
      %sign3A_427 = arith.extui %sign3A_426 : i1 to i32
      %sign3A_428 = arith.constant 0 : i32
      %sign3A_429 = arith.cmpi slt, %add3A_422, %sign3A_428 : i32
      %sign3A_430 = arith.extui %sign3A_429 : i1 to i32
      %sign3A_431 = arith.subi %sign3A_427, %sign3A_430 : i32
      %sign3A_432 = arith.constant 0 : i32
      %sign3A_433 = arith.cmpi sgt, %jit3A_423, %sign3A_432 : i32
      %sign3A_434 = arith.extui %sign3A_433 : i1 to i32
      %sign3A_435 = arith.constant 0 : i32
      %sign3A_436 = arith.cmpi slt, %jit3A_423, %sign3A_435 : i32
      %sign3A_437 = arith.extui %sign3A_436 : i1 to i32
      %sign3A_438 = arith.subi %sign3A_434, %sign3A_437 : i32
      %ne3A_439 = arith.cmpi ne, %sign3A_431, %sign3A_438 : i32
      %rem3A_440 = arith.remsi %add3A_422, %jit3A_423 : i32
      %ne3A_441 = arith.constant 0 : i32
      %ne3A_442 = arith.cmpi ne, %rem3A_440, %ne3A_441 : i32
      %and3A_443 = arith.andi %ne3A_439, %ne3A_442 : i1
      %sub3A_444 = arith.constant 1 : i32
      %sub3A_445 = arith.subi %div3A_424, %sub3A_444 : i32
      %select_n3A_446 = arith.select %and3A_443, %sub3A_445, %div3A_424 : i32
      %jit3A_447 = arith.constant 4 : i32
      %eq3A_448 = arith.constant 0 : i32
      %eq3A_449 = arith.cmpi eq, %jit3A_447, %eq3A_448 : i32
      %jit3A_450 = arith.constant 1 : i32
      %select_n3A_451 = arith.select %eq3A_449, %jit3A_450, %jit3A_447 : i32
      %rem3A_452 = arith.remsi %add3A_422, %select_n3A_451 : i32
      %ne3A_453 = arith.constant 0 : i32
      %ne3A_454 = arith.cmpi ne, %rem3A_452, %ne3A_453 : i32
      %lt3A_455 = arith.constant 0 : i32
      %lt3A_456 = arith.cmpi slt, %rem3A_452, %lt3A_455 : i32
      %lt3A_457 = arith.constant 0 : i32
      %lt3A_458 = arith.cmpi slt, %select_n3A_451, %lt3A_457 : i32
      %ne3A_459 = arith.xori %lt3A_456, %lt3A_458 : i1
      %and3A_460 = arith.andi %ne3A_459, %ne3A_454 : i1
      %add3A_461 = arith.addi %rem3A_452, %select_n3A_451 : i32
      %select_n3A_462 = arith.select %and3A_460, %add3A_461, %rem3A_452 : i32
      %mul3A_463 = arith.constant 8192 : i32
      %mul3A_464 = arith.muli %select_n3A_462, %mul3A_463 : i32
      %dma_wait3A_465 = tpu.memref_slice %arg2[%select_n3A_446, %mul3A_464] : memref<128x32768xf32, #tpu.memory_space<hbm>> -> memref<1x8192xf32, #tpu.memory_space<hbm>>
      %dma_wait3A_466 = tpu.memref_squeeze %dma_wait3A_465 : memref<1x8192xf32, #tpu.memory_space<hbm>> -> memref<8192xf32, #tpu.memory_space<hbm>>
      %dma_wait3A_467 = tpu.memref_slice %arg2[%select_n3A_446, %mul3A_464] : memref<128x32768xf32, #tpu.memory_space<hbm>> -> memref<1x8192xf32, #tpu.memory_space<hbm>>
      %dma_wait3A_468 = tpu.memref_squeeze %dma_wait3A_467 : memref<1x8192xf32, #tpu.memory_space<hbm>> -> memref<8192xf32, #tpu.memory_space<hbm>>
      tpu.wait_dma2 semaphore(%arg17 : memref<!tpu.dma_semaphore, #tpu.memory_space<semaphore_mem>>) src(%dma_wait3A_468 : memref<8192xf32, #tpu.memory_space<hbm>>) dst(%arg8 : memref<8192xf32, #tpu.memory_space<vmem>>)
      %mul3A_469 = arith.constant 16 : i32
      %mul3A_470 = arith.muli %add3A, %mul3A_469 : i32
      %add3A_471 = arith.addi %mul3A_470, %add3A_310 : i32
      %jit3A_472 = arith.constant 4 : i32
      %div3A_473 = arith.divsi %add3A_471, %jit3A_472 : i32
      %sign3A_474 = arith.constant 0 : i32
      %sign3A_475 = arith.cmpi sgt, %add3A_471, %sign3A_474 : i32
      %sign3A_476 = arith.extui %sign3A_475 : i1 to i32
      %sign3A_477 = arith.constant 0 : i32
      %sign3A_478 = arith.cmpi slt, %add3A_471, %sign3A_477 : i32
      %sign3A_479 = arith.extui %sign3A_478 : i1 to i32
      %sign3A_480 = arith.subi %sign3A_476, %sign3A_479 : i32
      %sign3A_481 = arith.constant 0 : i32
      %sign3A_482 = arith.cmpi sgt, %jit3A_472, %sign3A_481 : i32
      %sign3A_483 = arith.extui %sign3A_482 : i1 to i32
      %sign3A_484 = arith.constant 0 : i32
      %sign3A_485 = arith.cmpi slt, %jit3A_472, %sign3A_484 : i32
      %sign3A_486 = arith.extui %sign3A_485 : i1 to i32
      %sign3A_487 = arith.subi %sign3A_483, %sign3A_486 : i32
      %ne3A_488 = arith.cmpi ne, %sign3A_480, %sign3A_487 : i32
      %rem3A_489 = arith.remsi %add3A_471, %jit3A_472 : i32
      %ne3A_490 = arith.constant 0 : i32
      %ne3A_491 = arith.cmpi ne, %rem3A_489, %ne3A_490 : i32
      %and3A_492 = arith.andi %ne3A_488, %ne3A_491 : i1
      %sub3A_493 = arith.constant 1 : i32
      %sub3A_494 = arith.subi %div3A_473, %sub3A_493 : i32
      %select_n3A_495 = arith.select %and3A_492, %sub3A_494, %div3A_473 : i32
      %jit3A_496 = arith.constant 4 : i32
      %eq3A_497 = arith.constant 0 : i32
      %eq3A_498 = arith.cmpi eq, %jit3A_496, %eq3A_497 : i32
      %jit3A_499 = arith.constant 1 : i32
      %select_n3A_500 = arith.select %eq3A_498, %jit3A_499, %jit3A_496 : i32
      %rem3A_501 = arith.remsi %add3A_471, %select_n3A_500 : i32
      %ne3A_502 = arith.constant 0 : i32
      %ne3A_503 = arith.cmpi ne, %rem3A_501, %ne3A_502 : i32
      %lt3A_504 = arith.constant 0 : i32
      %lt3A_505 = arith.cmpi slt, %rem3A_501, %lt3A_504 : i32
      %lt3A_506 = arith.constant 0 : i32
      %lt3A_507 = arith.cmpi slt, %select_n3A_500, %lt3A_506 : i32
      %ne3A_508 = arith.xori %lt3A_505, %lt3A_507 : i1
      %and3A_509 = arith.andi %ne3A_508, %ne3A_503 : i1
      %add3A_510 = arith.addi %rem3A_501, %select_n3A_500 : i32
      %select_n3A_511 = arith.select %and3A_509, %add3A_510, %rem3A_501 : i32
      %mul3A_512 = arith.constant 8192 : i32
      %mul3A_513 = arith.muli %select_n3A_511, %mul3A_512 : i32
      %dma_wait3A_514 = tpu.memref_slice %arg3[%select_n3A_495, %mul3A_513] : memref<128x32768xf32, #tpu.memory_space<hbm>> -> memref<1x8192xf32, #tpu.memory_space<hbm>>
      %dma_wait3A_515 = tpu.memref_squeeze %dma_wait3A_514 : memref<1x8192xf32, #tpu.memory_space<hbm>> -> memref<8192xf32, #tpu.memory_space<hbm>>
      %dma_wait3A_516 = tpu.memref_slice %arg3[%select_n3A_495, %mul3A_513] : memref<128x32768xf32, #tpu.memory_space<hbm>> -> memref<1x8192xf32, #tpu.memory_space<hbm>>
      %dma_wait3A_517 = tpu.memref_squeeze %dma_wait3A_516 : memref<1x8192xf32, #tpu.memory_space<hbm>> -> memref<8192xf32, #tpu.memory_space<hbm>>
      tpu.wait_dma2 semaphore(%arg17 : memref<!tpu.dma_semaphore, #tpu.memory_space<semaphore_mem>>) src(%dma_wait3A_517 : memref<8192xf32, #tpu.memory_space<hbm>>) dst(%arg9 : memref<8192xf32, #tpu.memory_space<vmem>>)
      %scan3A_518 = arith.constant 0 : i32
      %scan3A_519 = arith.constant 0 : i32
      %scan3A_520 = arith.constant 16 : i32
      %scan3A_521 = arith.addi %scan3A_519, %scan3A_520 : i32
      %scan3A_522 = arith.constant 1 : i32
      %scan3A_523 = scf.for %scan3A_533 = %scan3A_519 to %scan3A_521 step %scan3A_522 iter_args(%scan3A_534 = %scan3A_518) -> (i32)  : i32 {
        %get3A_535 = arith.constant 16 : index
        %get3A_536 = tpu.vector_load %arg12[%get3A_535] {strides = array<i32>} : memref<64xf32, #tpu.memory_space<vmem>>, vector<16xf32>,
        %slice3A_537 = vector.extract_strided_slice %get3A_536 {offsets = [0], sizes = [1], strides = [1]} : vector<16xf32> to vector<1xf32>
        %squeeze3A_538 = vector.extract %slice3A_537[0] : f32 from vector<1xf32>
        %get3A_539 = arith.constant 48 : index
        %get3A_540 = tpu.vector_load %arg12[%get3A_539] {strides = array<i32>} : memref<64xf32, #tpu.memory_space<vmem>>, vector<16xf32>,
        %slice3A_541 = vector.extract_strided_slice %get3A_540 {offsets = [0], sizes = [1], strides = [1]} : vector<16xf32> to vector<1xf32>
        %squeeze3A_542 = vector.extract %slice3A_541[0] : f32 from vector<1xf32>
        %neg3A = arith.constant 0.000000e+00 : f32
        %neg3A_543 = arith.subf %neg3A, %squeeze3A_542 : f32
        %scan3A_544 = arith.constant 0 : i32
        %scan3A_545 = arith.constant 0 : i32
        %scan3A_546 = arith.constant 4 : i32
        %scan3A_547 = arith.addi %scan3A_545, %scan3A_546 : i32
        %scan3A_548 = arith.constant 1 : i32
        %scan3A_549 = scf.for %scan3A_552 = %scan3A_545 to %scan3A_547 step %scan3A_548 iter_args(%scan3A_553 = %scan3A_544) -> (i32)  : i32 {
          %mul3A_554 = arith.constant 4 : i32
          %mul3A_555 = arith.muli %scan3A_533, %mul3A_554 : i32
          %add3A_556 = arith.addi %mul3A_555, %scan3A_552 : i32
          %mul3A_557 = arith.constant 8 : i32
          %mul3A_558 = arith.muli %add3A_556, %mul3A_557 : i32
          %mul3A_559 = arith.constant 16 : i32
          %mul3A_560 = arith.muli %mul3A_558, %mul3A_559 : i32
          %add3A_561 = arith.constant 0 : i32
          %add3A_562 = arith.addi %mul3A_560, %add3A_561 : i32
          %get3A_563 = arith.index_cast %add3A_562 : i32 to index
          %get3A_564 = tpu.vector_load %arg8[%get3A_563] {strides = array<i32>} : memref<8192xf32, #tpu.memory_space<vmem>>, vector<16xf32>,
          %add3A_565 = arith.constant 16 : i32
          %add3A_566 = arith.addi %mul3A_560, %add3A_565 : i32
          %get3A_567 = arith.index_cast %add3A_566 : i32 to index
          %get3A_568 = tpu.vector_load %arg8[%get3A_567] {strides = array<i32>} : memref<8192xf32, #tpu.memory_space<vmem>>, vector<16xf32>,
          %add3A_569 = arith.constant 32 : i32
          %add3A_570 = arith.addi %mul3A_560, %add3A_569 : i32
          %get3A_571 = arith.index_cast %add3A_570 : i32 to index
          %get3A_572 = tpu.vector_load %arg8[%get3A_571] {strides = array<i32>} : memref<8192xf32, #tpu.memory_space<vmem>>, vector<16xf32>,
          %add3A_573 = arith.constant 48 : i32
          %add3A_574 = arith.addi %mul3A_560, %add3A_573 : i32
          %get3A_575 = arith.index_cast %add3A_574 : i32 to index
          %get3A_576 = tpu.vector_load %arg8[%get3A_575] {strides = array<i32>} : memref<8192xf32, #tpu.memory_space<vmem>>, vector<16xf32>,
          %add3A_577 = arith.constant 64 : i32
          %add3A_578 = arith.addi %mul3A_560, %add3A_577 : i32
          %get3A_579 = arith.index_cast %add3A_578 : i32 to index
          %get3A_580 = tpu.vector_load %arg8[%get3A_579] {strides = array<i32>} : memref<8192xf32, #tpu.memory_space<vmem>>, vector<16xf32>,
          %add3A_581 = arith.constant 80 : i32
          %add3A_582 = arith.addi %mul3A_560, %add3A_581 : i32
          %get3A_583 = arith.index_cast %add3A_582 : i32 to index
          %get3A_584 = tpu.vector_load %arg8[%get3A_583] {strides = array<i32>} : memref<8192xf32, #tpu.memory_space<vmem>>, vector<16xf32>,
          %add3A_585 = arith.constant 96 : i32
          %add3A_586 = arith.addi %mul3A_560, %add3A_585 : i32
          %get3A_587 = arith.index_cast %add3A_586 : i32 to index
          %get3A_588 = tpu.vector_load %arg8[%get3A_587] {strides = array<i32>} : memref<8192xf32, #tpu.memory_space<vmem>>, vector<16xf32>,
          %add3A_589 = arith.constant 112 : i32
          %add3A_590 = arith.addi %mul3A_560, %add3A_589 : i32
          %get3A_591 = arith.index_cast %add3A_590 : i32 to index
          %get3A_592 = tpu.vector_load %arg8[%get3A_591] {strides = array<i32>} : memref<8192xf32, #tpu.memory_space<vmem>>, vector<16xf32>,
          %max3A = arith.maximumf %get3A_564, %get3A_568 : vector<16xf32>
          %max3A_593 = arith.maximumf %get3A_572, %get3A_576 : vector<16xf32>
          %max3A_594 = arith.maximumf %max3A, %max3A_593 : vector<16xf32>
          %max3A_595 = arith.maximumf %get3A_580, %get3A_584 : vector<16xf32>
          %max3A_596 = arith.maximumf %get3A_588, %get3A_592 : vector<16xf32>
          %max3A_597 = arith.maximumf %max3A_595, %max3A_596 : vector<16xf32>
          %min3A_598 = arith.minimumf %get3A_564, %get3A_568 : vector<16xf32>
          %min3A_599 = arith.minimumf %get3A_572, %get3A_576 : vector<16xf32>
          %min3A_600 = arith.minimumf %min3A_598, %min3A_599 : vector<16xf32>
          %min3A_601 = arith.minimumf %get3A_580, %get3A_584 : vector<16xf32>
          %min3A_602 = arith.minimumf %get3A_588, %get3A_592 : vector<16xf32>
          %min3A_603 = arith.minimumf %min3A_601, %min3A_602 : vector<16xf32>
          %max3A_604 = arith.maximumf %max3A_594, %max3A_597 : vector<16xf32>
          %min3A_605 = arith.minimumf %min3A_600, %min3A_603 : vector<16xf32>
          %gt3A = vector.broadcast %squeeze3A_538 : f32 to vector<16xf32>
          %gt3A_606 = arith.cmpf ogt, %max3A_604, %gt3A : vector<16xf32>
          %lt3A_607 = vector.broadcast %neg3A_543 : f32 to vector<16xf32>
          %lt3A_608 = arith.cmpf olt, %min3A_605, %lt3A_607 : vector<16xf32>
          %or3A = arith.ori %gt3A_606, %lt3A_608 : vector<16xi1>
          %all_reduce_population_count3A = tpu.all_reduce %or3A {dim = 0 : i64, kind = #tpu.reduction_kind<sum>} : vector<16xi1> -> vector<16xi32>
          %slice3A_609 = vector.extract_strided_slice %all_reduce_population_count3A {offsets = [0], sizes = [1], strides = [1]} : vector<16xi32> to vector<1xi32>
          %squeeze3A_610 = vector.extract %slice3A_609[0] : i32 from vector<1xi32>
          %gt3A_611 = arith.constant 0 : i32
          %gt3A_612 = arith.cmpi sgt, %squeeze3A_610, %gt3A_611 : i32
          %convert_element_type3A_613 = arith.extui %gt3A_612 : i1 to i32
          %cond3A_614 = arith.constant 0 : i32
          %cond3A_615 = arith.cmpi ne, %convert_element_type3A_613, %cond3A_614 : i32
          scf.if %cond3A_615 {
            %get3A_617 = arith.constant 0 : index
            %get3A_618 = tpu.vector_load %arg13[%get3A_617] {strides = array<i32>} : memref<32xi32, #tpu.memory_space<vmem>>, vector<16xi32>,
            %slice3A_619 = vector.extract_strided_slice %get3A_618 {offsets = [0], sizes = [1], strides = [1]} : vector<16xi32> to vector<1xi32>
            %squeeze3A_620 = vector.extract %slice3A_619[0] : i32 from vector<1xi32>
            %get3A_621 = arith.constant 16 : index
            %get3A_622 = tpu.vector_load %arg13[%get3A_621] {strides = array<i32>} : memref<32xi32, #tpu.memory_space<vmem>>, vector<16xi32>,
            %slice3A_623 = vector.extract_strided_slice %get3A_622 {offsets = [0], sizes = [1], strides = [1]} : vector<16xi32> to vector<1xi32>
            %squeeze3A_624 = vector.extract %slice3A_623[0] : i32 from vector<1xi32>
            %add3A_625 = arith.constant 0 : i32
            %add3A_626 = arith.addi %mul3A_560, %add3A_625 : i32
            %get3A_627 = arith.index_cast %add3A_626 : i32 to index
            %get3A_628 = tpu.vector_load %arg9[%get3A_627] {strides = array<i32>} : memref<8192xf32, #tpu.memory_space<vmem>>, vector<16xf32>,
            %lt3A_629 = arith.constant 5.000000e-01 : f32
            %lt3A_630 = vector.broadcast %lt3A_629 : f32 to vector<16xf32>
            %lt3A_631 = arith.cmpf olt, %get3A_628, %lt3A_630 : vector<16xf32>
            %select_n3A_632 = arith.select %lt3A_631, %get3A_564, %broadcast_in_dim3A_0 : vector<16xi1>, vector<16xf32>
            %neg3A_633 = arith.constant 0.000000e+00 : f32
            %neg3A_634 = vector.broadcast %neg3A_633 : f32 to vector<16xf32>
            %neg3A_635 = arith.subf %neg3A_634, %get3A_564 : vector<16xf32>
            %select_n3A_636 = arith.select %lt3A_631, %broadcast_in_dim3A_0, %neg3A_635 : vector<16xi1>, vector<16xf32>
            %gt3A_637 = vector.broadcast %squeeze3A_538 : f32 to vector<16xf32>
            %gt3A_638 = arith.cmpf ogt, %select_n3A_632, %gt3A_637 : vector<16xf32>
            %gt3A_639 = vector.broadcast %squeeze3A_542 : f32 to vector<16xf32>
            %gt3A_640 = arith.cmpf ogt, %select_n3A_636, %gt3A_639 : vector<16xf32>
            %select_n3A_641 = arith.select %gt3A_638, %select_n3A_632, %broadcast_in_dim3A_0 : vector<16xi1>, vector<16xf32>
            %select_n3A_642 = arith.select %gt3A_640, %select_n3A_636, %broadcast_in_dim3A_0 : vector<16xi1>, vector<16xf32>
            %masked_sort3A = arith.constant dense<true> : vector<16xi1>
            %masked_sort3A_643, %masked_sort3A_644, %masked_sort3A_645 = tpu.sort %select_n3A_641, %select_n3A_641 masked %masked_sort3A {descending = true} : (vector<16xf32>, vector<16xf32>, vector<16xi1>) -> (vector<16xi1>, vector<16xf32>, vector<16xf32>)
            %masked_sort3A_646 = arith.constant dense<true> : vector<16xi1>
            %masked_sort3A_647, %masked_sort3A_648, %masked_sort3A_649 = tpu.sort %select_n3A_642, %select_n3A_642 masked %masked_sort3A_646 {descending = true} : (vector<16xf32>, vector<16xf32>, vector<16xi1>) -> (vector<16xi1>, vector<16xf32>, vector<16xf32>)
            %min3A_650 = arith.constant 4080 : i32
            %min3A_651 = arith.minsi %squeeze3A_620, %min3A_650 : i32
            %swap3A_652 = arith.index_cast %min3A_651 : i32 to index
            %swap3A_653 = tpu.vector_load %arg10[%swap3A_652] {strides = array<i32>} : memref<4096xf32, #tpu.memory_space<vmem>>, vector<16xf32>,
            tpu.vector_store %arg10[%swap3A_652], %masked_sort3A_644 {strides = array<i32>} : memref<4096xf32, #tpu.memory_space<vmem>>, vector<16xf32>,
            %min3A_654 = arith.constant 4080 : i32
            %min3A_655 = arith.minsi %squeeze3A_624, %min3A_654 : i32
            %swap3A_656 = arith.index_cast %min3A_655 : i32 to index
            %swap3A_657 = tpu.vector_load %arg11[%swap3A_656] {strides = array<i32>} : memref<4096xf32, #tpu.memory_space<vmem>>, vector<16xf32>,
            tpu.vector_store %arg11[%swap3A_656], %masked_sort3A_648 {strides = array<i32>} : memref<4096xf32, #tpu.memory_space<vmem>>, vector<16xf32>,
            %all_reduce_population_count3A_658 = tpu.all_reduce %gt3A_638 {dim = 0 : i64, kind = #tpu.reduction_kind<sum>} : vector<16xi1> -> vector<16xi32>
            %slice3A_659 = vector.extract_strided_slice %all_reduce_population_count3A_658 {offsets = [0], sizes = [1], strides = [1]} : vector<16xi32> to vector<1xi32>
            %squeeze3A_660 = vector.extract %slice3A_659[0] : i32 from vector<1xi32>
            %add3A_661 = arith.addi %squeeze3A_620, %squeeze3A_660 : i32
            %all_reduce_population_count3A_662 = tpu.all_reduce %gt3A_640 {dim = 0 : i64, kind = #tpu.reduction_kind<sum>} : vector<16xi1> -> vector<16xi32>
            %slice3A_663 = vector.extract_strided_slice %all_reduce_population_count3A_662 {offsets = [0], sizes = [1], strides = [1]} : vector<16xi32> to vector<1xi32>
            %squeeze3A_664 = vector.extract %slice3A_663[0] : i32 from vector<1xi32>
            %add3A_665 = arith.addi %squeeze3A_624, %squeeze3A_664 : i32
            %max3A_666 = arith.maximumf %broadcast_in_dim3A_0, %select_n3A_641 : vector<16xf32>
            %max3A_667 = arith.maximumf %broadcast_in_dim3A_0, %select_n3A_642 : vector<16xf32>
            %add3A_668 = arith.constant 16 : i32
            %add3A_669 = arith.addi %mul3A_560, %add3A_668 : i32
            %get3A_670 = arith.index_cast %add3A_669 : i32 to index
            %get3A_671 = tpu.vector_load %arg9[%get3A_670] {strides = array<i32>} : memref<8192xf32, #tpu.memory_space<vmem>>, vector<16xf32>,
            %lt3A_672 = arith.constant 5.000000e-01 : f32
            %lt3A_673 = vector.broadcast %lt3A_672 : f32 to vector<16xf32>
            %lt3A_674 = arith.cmpf olt, %get3A_671, %lt3A_673 : vector<16xf32>
            %select_n3A_675 = arith.select %lt3A_674, %get3A_568, %broadcast_in_dim3A_0 : vector<16xi1>, vector<16xf32>
            %neg3A_676 = arith.constant 0.000000e+00 : f32
            %neg3A_677 = vector.broadcast %neg3A_676 : f32 to vector<16xf32>
            %neg3A_678 = arith.subf %neg3A_677, %get3A_568 : vector<16xf32>
            %select_n3A_679 = arith.select %lt3A_674, %broadcast_in_dim3A_0, %neg3A_678 : vector<16xi1>, vector<16xf32>
            %gt3A_680 = vector.broadcast %squeeze3A_538 : f32 to vector<16xf32>
            %gt3A_681 = arith.cmpf ogt, %select_n3A_675, %gt3A_680 : vector<16xf32>
            %gt3A_682 = vector.broadcast %squeeze3A_542 : f32 to vector<16xf32>
            %gt3A_683 = arith.cmpf ogt, %select_n3A_679, %gt3A_682 : vector<16xf32>
            %select_n3A_684 = arith.select %gt3A_681, %select_n3A_675, %broadcast_in_dim3A_0 : vector<16xi1>, vector<16xf32>
            %select_n3A_685 = arith.select %gt3A_683, %select_n3A_679, %broadcast_in_dim3A_0 : vector<16xi1>, vector<16xf32>
            %masked_sort3A_686 = arith.constant dense<true> : vector<16xi1>
            %masked_sort3A_687, %masked_sort3A_688, %masked_sort3A_689 = tpu.sort %select_n3A_684, %select_n3A_684 masked %masked_sort3A_686 {descending = true} : (vector<16xf32>, vector<16xf32>, vector<16xi1>) -> (vector<16xi1>, vector<16xf32>, vector<16xf32>)
            %masked_sort3A_690 = arith.constant dense<true> : vector<16xi1>
            %masked_sort3A_691, %masked_sort3A_692, %masked_sort3A_693 = tpu.sort %select_n3A_685, %select_n3A_685 masked %masked_sort3A_690 {descending = true} : (vector<16xf32>, vector<16xf32>, vector<16xi1>) -> (vector<16xi1>, vector<16xf32>, vector<16xf32>)
            %min3A_694 = arith.constant 4080 : i32
            %min3A_695 = arith.minsi %add3A_661, %min3A_694 : i32
            %swap3A_696 = arith.index_cast %min3A_695 : i32 to index
            %swap3A_697 = tpu.vector_load %arg10[%swap3A_696] {strides = array<i32>} : memref<4096xf32, #tpu.memory_space<vmem>>, vector<16xf32>,
            tpu.vector_store %arg10[%swap3A_696], %masked_sort3A_688 {strides = array<i32>} : memref<4096xf32, #tpu.memory_space<vmem>>, vector<16xf32>,
            %min3A_698 = arith.constant 4080 : i32
            %min3A_699 = arith.minsi %add3A_665, %min3A_698 : i32
            %swap3A_700 = arith.index_cast %min3A_699 : i32 to index
            %swap3A_701 = tpu.vector_load %arg11[%swap3A_700] {strides = array<i32>} : memref<4096xf32, #tpu.memory_space<vmem>>, vector<16xf32>,
            tpu.vector_store %arg11[%swap3A_700], %masked_sort3A_692 {strides = array<i32>} : memref<4096xf32, #tpu.memory_space<vmem>>, vector<16xf32>,
            %all_reduce_population_count3A_702 = tpu.all_reduce %gt3A_681 {dim = 0 : i64, kind = #tpu.reduction_kind<sum>} : vector<16xi1> -> vector<16xi32>
            %slice3A_703 = vector.extract_strided_slice %all_reduce_population_count3A_702 {offsets = [0], sizes = [1], strides = [1]} : vector<16xi32> to vector<1xi32>
            %squeeze3A_704 = vector.extract %slice3A_703[0] : i32 from vector<1xi32>
            %add3A_705 = arith.addi %add3A_661, %squeeze3A_704 : i32
            %all_reduce_population_count3A_706 = tpu.all_reduce %gt3A_683 {dim = 0 : i64, kind = #tpu.reduction_kind<sum>} : vector<16xi1> -> vector<16xi32>
            %slice3A_707 = vector.extract_strided_slice %all_reduce_population_count3A_706 {offsets = [0], sizes = [1], strides = [1]} : vector<16xi32> to vector<1xi32>
            %squeeze3A_708 = vector.extract %slice3A_707[0] : i32 from vector<1xi32>
            %add3A_709 = arith.addi %add3A_665, %squeeze3A_708 : i32
            %max3A_710 = arith.maximumf %max3A_666, %select_n3A_684 : vector<16xf32>
            %max3A_711 = arith.maximumf %max3A_667, %select_n3A_685 : vector<16xf32>
            %add3A_712 = arith.constant 32 : i32
            %add3A_713 = arith.addi %mul3A_560, %add3A_712 : i32
            %get3A_714 = arith.index_cast %add3A_713 : i32 to index
            %get3A_715 = tpu.vector_load %arg9[%get3A_714] {strides = array<i32>} : memref<8192xf32, #tpu.memory_space<vmem>>, vector<16xf32>,
            %lt3A_716 = arith.constant 5.000000e-01 : f32
            %lt3A_717 = vector.broadcast %lt3A_716 : f32 to vector<16xf32>
            %lt3A_718 = arith.cmpf olt, %get3A_715, %lt3A_717 : vector<16xf32>
            %select_n3A_719 = arith.select %lt3A_718, %get3A_572, %broadcast_in_dim3A_0 : vector<16xi1>, vector<16xf32>
            %neg3A_720 = arith.constant 0.000000e+00 : f32
            %neg3A_721 = vector.broadcast %neg3A_720 : f32 to vector<16xf32>
            %neg3A_722 = arith.subf %neg3A_721, %get3A_572 : vector<16xf32>
            %select_n3A_723 = arith.select %lt3A_718, %broadcast_in_dim3A_0, %neg3A_722 : vector<16xi1>, vector<16xf32>
            %gt3A_724 = vector.broadcast %squeeze3A_538 : f32 to vector<16xf32>
            %gt3A_725 = arith.cmpf ogt, %select_n3A_719, %gt3A_724 : vector<16xf32>
            %gt3A_726 = vector.broadcast %squeeze3A_542 : f32 to vector<16xf32>
            %gt3A_727 = arith.cmpf ogt, %select_n3A_723, %gt3A_726 : vector<16xf32>
            %select_n3A_728 = arith.select %gt3A_725, %select_n3A_719, %broadcast_in_dim3A_0 : vector<16xi1>, vector<16xf32>
            %select_n3A_729 = arith.select %gt3A_727, %select_n3A_723, %broadcast_in_dim3A_0 : vector<16xi1>, vector<16xf32>
            %masked_sort3A_730 = arith.constant dense<true> : vector<16xi1>
            %masked_sort3A_731, %masked_sort3A_732, %masked_sort3A_733 = tpu.sort %select_n3A_728, %select_n3A_728 masked %masked_sort3A_730 {descending = true} : (vector<16xf32>, vector<16xf32>, vector<16xi1>) -> (vector<16xi1>, vector<16xf32>, vector<16xf32>)
            %masked_sort3A_734 = arith.constant dense<true> : vector<16xi1>
            %masked_sort3A_735, %masked_sort3A_736, %masked_sort3A_737 = tpu.sort %select_n3A_729, %select_n3A_729 masked %masked_sort3A_734 {descending = true} : (vector<16xf32>, vector<16xf32>, vector<16xi1>) -> (vector<16xi1>, vector<16xf32>, vector<16xf32>)
            %min3A_738 = arith.constant 4080 : i32
            %min3A_739 = arith.minsi %add3A_705, %min3A_738 : i32
            %swap3A_740 = arith.index_cast %min3A_739 : i32 to index
            %swap3A_741 = tpu.vector_load %arg10[%swap3A_740] {strides = array<i32>} : memref<4096xf32, #tpu.memory_space<vmem>>, vector<16xf32>,
            tpu.vector_store %arg10[%swap3A_740], %masked_sort3A_732 {strides = array<i32>} : memref<4096xf32, #tpu.memory_space<vmem>>, vector<16xf32>,
            %min3A_742 = arith.constant 4080 : i32
            %min3A_743 = arith.minsi %add3A_709, %min3A_742 : i32
            %swap3A_744 = arith.index_cast %min3A_743 : i32 to index
            %swap3A_745 = tpu.vector_load %arg11[%swap3A_744] {strides = array<i32>} : memref<4096xf32, #tpu.memory_space<vmem>>, vector<16xf32>,
            tpu.vector_store %arg11[%swap3A_744], %masked_sort3A_736 {strides = array<i32>} : memref<4096xf32, #tpu.memory_space<vmem>>, vector<16xf32>,
            %all_reduce_population_count3A_746 = tpu.all_reduce %gt3A_725 {dim = 0 : i64, kind = #tpu.reduction_kind<sum>} : vector<16xi1> -> vector<16xi32>
            %slice3A_747 = vector.extract_strided_slice %all_reduce_population_count3A_746 {offsets = [0], sizes = [1], strides = [1]} : vector<16xi32> to vector<1xi32>
            %squeeze3A_748 = vector.extract %slice3A_747[0] : i32 from vector<1xi32>
            %add3A_749 = arith.addi %add3A_705, %squeeze3A_748 : i32
            %all_reduce_population_count3A_750 = tpu.all_reduce %gt3A_727 {dim = 0 : i64, kind = #tpu.reduction_kind<sum>} : vector<16xi1> -> vector<16xi32>
            %slice3A_751 = vector.extract_strided_slice %all_reduce_population_count3A_750 {offsets = [0], sizes = [1], strides = [1]} : vector<16xi32> to vector<1xi32>
            %squeeze3A_752 = vector.extract %slice3A_751[0] : i32 from vector<1xi32>
            %add3A_753 = arith.addi %add3A_709, %squeeze3A_752 : i32
            %max3A_754 = arith.maximumf %max3A_710, %select_n3A_728 : vector<16xf32>
            %max3A_755 = arith.maximumf %max3A_711, %select_n3A_729 : vector<16xf32>
            %add3A_756 = arith.constant 48 : i32
            %add3A_757 = arith.addi %mul3A_560, %add3A_756 : i32
            %get3A_758 = arith.index_cast %add3A_757 : i32 to index
            %get3A_759 = tpu.vector_load %arg9[%get3A_758] {strides = array<i32>} : memref<8192xf32, #tpu.memory_space<vmem>>, vector<16xf32>,
            %lt3A_760 = arith.constant 5.000000e-01 : f32
            %lt3A_761 = vector.broadcast %lt3A_760 : f32 to vector<16xf32>
            %lt3A_762 = arith.cmpf olt, %get3A_759, %lt3A_761 : vector<16xf32>
            %select_n3A_763 = arith.select %lt3A_762, %get3A_576, %broadcast_in_dim3A_0 : vector<16xi1>, vector<16xf32>
            %neg3A_764 = arith.constant 0.000000e+00 : f32
            %neg3A_765 = vector.broadcast %neg3A_764 : f32 to vector<16xf32>
            %neg3A_766 = arith.subf %neg3A_765, %get3A_576 : vector<16xf32>
            %select_n3A_767 = arith.select %lt3A_762, %broadcast_in_dim3A_0, %neg3A_766 : vector<16xi1>, vector<16xf32>
            %gt3A_768 = vector.broadcast %squeeze3A_538 : f32 to vector<16xf32>
            %gt3A_769 = arith.cmpf ogt, %select_n3A_763, %gt3A_768 : vector<16xf32>
            %gt3A_770 = vector.broadcast %squeeze3A_542 : f32 to vector<16xf32>
            %gt3A_771 = arith.cmpf ogt, %select_n3A_767, %gt3A_770 : vector<16xf32>
            %select_n3A_772 = arith.select %gt3A_769, %select_n3A_763, %broadcast_in_dim3A_0 : vector<16xi1>, vector<16xf32>
            %select_n3A_773 = arith.select %gt3A_771, %select_n3A_767, %broadcast_in_dim3A_0 : vector<16xi1>, vector<16xf32>
            %masked_sort3A_774 = arith.constant dense<true> : vector<16xi1>
            %masked_sort3A_775, %masked_sort3A_776, %masked_sort3A_777 = tpu.sort %select_n3A_772, %select_n3A_772 masked %masked_sort3A_774 {descending = true} : (vector<16xf32>, vector<16xf32>, vector<16xi1>) -> (vector<16xi1>, vector<16xf32>, vector<16xf32>)
            %masked_sort3A_778 = arith.constant dense<true> : vector<16xi1>
            %masked_sort3A_779, %masked_sort3A_780, %masked_sort3A_781 = tpu.sort %select_n3A_773, %select_n3A_773 masked %masked_sort3A_778 {descending = true} : (vector<16xf32>, vector<16xf32>, vector<16xi1>) -> (vector<16xi1>, vector<16xf32>, vector<16xf32>)
            %min3A_782 = arith.constant 4080 : i32
            %min3A_783 = arith.minsi %add3A_749, %min3A_782 : i32
            %swap3A_784 = arith.index_cast %min3A_783 : i32 to index
            %swap3A_785 = tpu.vector_load %arg10[%swap3A_784] {strides = array<i32>} : memref<4096xf32, #tpu.memory_space<vmem>>, vector<16xf32>,
            tpu.vector_store %arg10[%swap3A_784], %masked_sort3A_776 {strides = array<i32>} : memref<4096xf32, #tpu.memory_space<vmem>>, vector<16xf32>,
            %min3A_786 = arith.constant 4080 : i32
            %min3A_787 = arith.minsi %add3A_753, %min3A_786 : i32
            %swap3A_788 = arith.index_cast %min3A_787 : i32 to index
            %swap3A_789 = tpu.vector_load %arg11[%swap3A_788] {strides = array<i32>} : memref<4096xf32, #tpu.memory_space<vmem>>, vector<16xf32>,
            tpu.vector_store %arg11[%swap3A_788], %masked_sort3A_780 {strides = array<i32>} : memref<4096xf32, #tpu.memory_space<vmem>>, vector<16xf32>,
            %all_reduce_population_count3A_790 = tpu.all_reduce %gt3A_769 {dim = 0 : i64, kind = #tpu.reduction_kind<sum>} : vector<16xi1> -> vector<16xi32>
            %slice3A_791 = vector.extract_strided_slice %all_reduce_population_count3A_790 {offsets = [0], sizes = [1], strides = [1]} : vector<16xi32> to vector<1xi32>
            %squeeze3A_792 = vector.extract %slice3A_791[0] : i32 from vector<1xi32>
            %add3A_793 = arith.addi %add3A_749, %squeeze3A_792 : i32
            %all_reduce_population_count3A_794 = tpu.all_reduce %gt3A_771 {dim = 0 : i64, kind = #tpu.reduction_kind<sum>} : vector<16xi1> -> vector<16xi32>
            %slice3A_795 = vector.extract_strided_slice %all_reduce_population_count3A_794 {offsets = [0], sizes = [1], strides = [1]} : vector<16xi32> to vector<1xi32>
            %squeeze3A_796 = vector.extract %slice3A_795[0] : i32 from vector<1xi32>
            %add3A_797 = arith.addi %add3A_753, %squeeze3A_796 : i32
            %max3A_798 = arith.maximumf %max3A_754, %select_n3A_772 : vector<16xf32>
            %max3A_799 = arith.maximumf %max3A_755, %select_n3A_773 : vector<16xf32>
            %add3A_800 = arith.constant 64 : i32
            %add3A_801 = arith.addi %mul3A_560, %add3A_800 : i32
            %get3A_802 = arith.index_cast %add3A_801 : i32 to index
            %get3A_803 = tpu.vector_load %arg9[%get3A_802] {strides = array<i32>} : memref<8192xf32, #tpu.memory_space<vmem>>, vector<16xf32>,
            %lt3A_804 = arith.constant 5.000000e-01 : f32
            %lt3A_805 = vector.broadcast %lt3A_804 : f32 to vector<16xf32>
            %lt3A_806 = arith.cmpf olt, %get3A_803, %lt3A_805 : vector<16xf32>
            %select_n3A_807 = arith.select %lt3A_806, %get3A_580, %broadcast_in_dim3A_0 : vector<16xi1>, vector<16xf32>
            %neg3A_808 = arith.constant 0.000000e+00 : f32
            %neg3A_809 = vector.broadcast %neg3A_808 : f32 to vector<16xf32>
            %neg3A_810 = arith.subf %neg3A_809, %get3A_580 : vector<16xf32>
            %select_n3A_811 = arith.select %lt3A_806, %broadcast_in_dim3A_0, %neg3A_810 : vector<16xi1>, vector<16xf32>
            %gt3A_812 = vector.broadcast %squeeze3A_538 : f32 to vector<16xf32>
            %gt3A_813 = arith.cmpf ogt, %select_n3A_807, %gt3A_812 : vector<16xf32>
            %gt3A_814 = vector.broadcast %squeeze3A_542 : f32 to vector<16xf32>
            %gt3A_815 = arith.cmpf ogt, %select_n3A_811, %gt3A_814 : vector<16xf32>
            %select_n3A_816 = arith.select %gt3A_813, %select_n3A_807, %broadcast_in_dim3A_0 : vector<16xi1>, vector<16xf32>
            %select_n3A_817 = arith.select %gt3A_815, %select_n3A_811, %broadcast_in_dim3A_0 : vector<16xi1>, vector<16xf32>
            %masked_sort3A_818 = arith.constant dense<true> : vector<16xi1>
            %masked_sort3A_819, %masked_sort3A_820, %masked_sort3A_821 = tpu.sort %select_n3A_816, %select_n3A_816 masked %masked_sort3A_818 {descending = true} : (vector<16xf32>, vector<16xf32>, vector<16xi1>) -> (vector<16xi1>, vector<16xf32>, vector<16xf32>)
            %masked_sort3A_822 = arith.constant dense<true> : vector<16xi1>
            %masked_sort3A_823, %masked_sort3A_824, %masked_sort3A_825 = tpu.sort %select_n3A_817, %select_n3A_817 masked %masked_sort3A_822 {descending = true} : (vector<16xf32>, vector<16xf32>, vector<16xi1>) -> (vector<16xi1>, vector<16xf32>, vector<16xf32>)
            %min3A_826 = arith.constant 4080 : i32
            %min3A_827 = arith.minsi %add3A_793, %min3A_826 : i32
            %swap3A_828 = arith.index_cast %min3A_827 : i32 to index
            %swap3A_829 = tpu.vector_load %arg10[%swap3A_828] {strides = array<i32>} : memref<4096xf32, #tpu.memory_space<vmem>>, vector<16xf32>,
            tpu.vector_store %arg10[%swap3A_828], %masked_sort3A_820 {strides = array<i32>} : memref<4096xf32, #tpu.memory_space<vmem>>, vector<16xf32>,
            %min3A_830 = arith.constant 4080 : i32
            %min3A_831 = arith.minsi %add3A_797, %min3A_830 : i32
            %swap3A_832 = arith.index_cast %min3A_831 : i32 to index
            %swap3A_833 = tpu.vector_load %arg11[%swap3A_832] {strides = array<i32>} : memref<4096xf32, #tpu.memory_space<vmem>>, vector<16xf32>,
            tpu.vector_store %arg11[%swap3A_832], %masked_sort3A_824 {strides = array<i32>} : memref<4096xf32, #tpu.memory_space<vmem>>, vector<16xf32>,
            %all_reduce_population_count3A_834 = tpu.all_reduce %gt3A_813 {dim = 0 : i64, kind = #tpu.reduction_kind<sum>} : vector<16xi1> -> vector<16xi32>
            %slice3A_835 = vector.extract_strided_slice %all_reduce_population_count3A_834 {offsets = [0], sizes = [1], strides = [1]} : vector<16xi32> to vector<1xi32>
            %squeeze3A_836 = vector.extract %slice3A_835[0] : i32 from vector<1xi32>
            %add3A_837 = arith.addi %add3A_793, %squeeze3A_836 : i32
            %all_reduce_population_count3A_838 = tpu.all_reduce %gt3A_815 {dim = 0 : i64, kind = #tpu.reduction_kind<sum>} : vector<16xi1> -> vector<16xi32>
            %slice3A_839 = vector.extract_strided_slice %all_reduce_population_count3A_838 {offsets = [0], sizes = [1], strides = [1]} : vector<16xi32> to vector<1xi32>
            %squeeze3A_840 = vector.extract %slice3A_839[0] : i32 from vector<1xi32>
            %add3A_841 = arith.addi %add3A_797, %squeeze3A_840 : i32
            %max3A_842 = arith.maximumf %max3A_798, %select_n3A_816 : vector<16xf32>
            %max3A_843 = arith.maximumf %max3A_799, %select_n3A_817 : vector<16xf32>
            %add3A_844 = arith.constant 80 : i32
            %add3A_845 = arith.addi %mul3A_560, %add3A_844 : i32
            %get3A_846 = arith.index_cast %add3A_845 : i32 to index
            %get3A_847 = tpu.vector_load %arg9[%get3A_846] {strides = array<i32>} : memref<8192xf32, #tpu.memory_space<vmem>>, vector<16xf32>,
            %lt3A_848 = arith.constant 5.000000e-01 : f32
            %lt3A_849 = vector.broadcast %lt3A_848 : f32 to vector<16xf32>
            %lt3A_850 = arith.cmpf olt, %get3A_847, %lt3A_849 : vector<16xf32>
            %select_n3A_851 = arith.select %lt3A_850, %get3A_584, %broadcast_in_dim3A_0 : vector<16xi1>, vector<16xf32>
            %neg3A_852 = arith.constant 0.000000e+00 : f32
            %neg3A_853 = vector.broadcast %neg3A_852 : f32 to vector<16xf32>
            %neg3A_854 = arith.subf %neg3A_853, %get3A_584 : vector<16xf32>
            %select_n3A_855 = arith.select %lt3A_850, %broadcast_in_dim3A_0, %neg3A_854 : vector<16xi1>, vector<16xf32>
            %gt3A_856 = vector.broadcast %squeeze3A_538 : f32 to vector<16xf32>
            %gt3A_857 = arith.cmpf ogt, %select_n3A_851, %gt3A_856 : vector<16xf32>
            %gt3A_858 = vector.broadcast %squeeze3A_542 : f32 to vector<16xf32>
            %gt3A_859 = arith.cmpf ogt, %select_n3A_855, %gt3A_858 : vector<16xf32>
            %select_n3A_860 = arith.select %gt3A_857, %select_n3A_851, %broadcast_in_dim3A_0 : vector<16xi1>, vector<16xf32>
            %select_n3A_861 = arith.select %gt3A_859, %select_n3A_855, %broadcast_in_dim3A_0 : vector<16xi1>, vector<16xf32>
            %masked_sort3A_862 = arith.constant dense<true> : vector<16xi1>
            %masked_sort3A_863, %masked_sort3A_864, %masked_sort3A_865 = tpu.sort %select_n3A_860, %select_n3A_860 masked %masked_sort3A_862 {descending = true} : (vector<16xf32>, vector<16xf32>, vector<16xi1>) -> (vector<16xi1>, vector<16xf32>, vector<16xf32>)
            %masked_sort3A_866 = arith.constant dense<true> : vector<16xi1>
            %masked_sort3A_867, %masked_sort3A_868, %masked_sort3A_869 = tpu.sort %select_n3A_861, %select_n3A_861 masked %masked_sort3A_866 {descending = true} : (vector<16xf32>, vector<16xf32>, vector<16xi1>) -> (vector<16xi1>, vector<16xf32>, vector<16xf32>)
            %min3A_870 = arith.constant 4080 : i32
            %min3A_871 = arith.minsi %add3A_837, %min3A_870 : i32
            %swap3A_872 = arith.index_cast %min3A_871 : i32 to index
            %swap3A_873 = tpu.vector_load %arg10[%swap3A_872] {strides = array<i32>} : memref<4096xf32, #tpu.memory_space<vmem>>, vector<16xf32>,
            tpu.vector_store %arg10[%swap3A_872], %masked_sort3A_864 {strides = array<i32>} : memref<4096xf32, #tpu.memory_space<vmem>>, vector<16xf32>,
            %min3A_874 = arith.constant 4080 : i32
            %min3A_875 = arith.minsi %add3A_841, %min3A_874 : i32
            %swap3A_876 = arith.index_cast %min3A_875 : i32 to index
            %swap3A_877 = tpu.vector_load %arg11[%swap3A_876] {strides = array<i32>} : memref<4096xf32, #tpu.memory_space<vmem>>, vector<16xf32>,
            tpu.vector_store %arg11[%swap3A_876], %masked_sort3A_868 {strides = array<i32>} : memref<4096xf32, #tpu.memory_space<vmem>>, vector<16xf32>,
            %all_reduce_population_count3A_878 = tpu.all_reduce %gt3A_857 {dim = 0 : i64, kind = #tpu.reduction_kind<sum>} : vector<16xi1> -> vector<16xi32>
            %slice3A_879 = vector.extract_strided_slice %all_reduce_population_count3A_878 {offsets = [0], sizes = [1], strides = [1]} : vector<16xi32> to vector<1xi32>
            %squeeze3A_880 = vector.extract %slice3A_879[0] : i32 from vector<1xi32>
            %add3A_881 = arith.addi %add3A_837, %squeeze3A_880 : i32
            %all_reduce_population_count3A_882 = tpu.all_reduce %gt3A_859 {dim = 0 : i64, kind = #tpu.reduction_kind<sum>} : vector<16xi1> -> vector<16xi32>
            %slice3A_883 = vector.extract_strided_slice %all_reduce_population_count3A_882 {offsets = [0], sizes = [1], strides = [1]} : vector<16xi32> to vector<1xi32>
            %squeeze3A_884 = vector.extract %slice3A_883[0] : i32 from vector<1xi32>
            %add3A_885 = arith.addi %add3A_841, %squeeze3A_884 : i32
            %max3A_886 = arith.maximumf %max3A_842, %select_n3A_860 : vector<16xf32>
            %max3A_887 = arith.maximumf %max3A_843, %select_n3A_861 : vector<16xf32>
            %add3A_888 = arith.constant 96 : i32
            %add3A_889 = arith.addi %mul3A_560, %add3A_888 : i32
            %get3A_890 = arith.index_cast %add3A_889 : i32 to index
            %get3A_891 = tpu.vector_load %arg9[%get3A_890] {strides = array<i32>} : memref<8192xf32, #tpu.memory_space<vmem>>, vector<16xf32>,
            %lt3A_892 = arith.constant 5.000000e-01 : f32
            %lt3A_893 = vector.broadcast %lt3A_892 : f32 to vector<16xf32>
            %lt3A_894 = arith.cmpf olt, %get3A_891, %lt3A_893 : vector<16xf32>
            %select_n3A_895 = arith.select %lt3A_894, %get3A_588, %broadcast_in_dim3A_0 : vector<16xi1>, vector<16xf32>
            %neg3A_896 = arith.constant 0.000000e+00 : f32
            %neg3A_897 = vector.broadcast %neg3A_896 : f32 to vector<16xf32>
            %neg3A_898 = arith.subf %neg3A_897, %get3A_588 : vector<16xf32>
            %select_n3A_899 = arith.select %lt3A_894, %broadcast_in_dim3A_0, %neg3A_898 : vector<16xi1>, vector<16xf32>
            %gt3A_900 = vector.broadcast %squeeze3A_538 : f32 to vector<16xf32>
            %gt3A_901 = arith.cmpf ogt, %select_n3A_895, %gt3A_900 : vector<16xf32>
            %gt3A_902 = vector.broadcast %squeeze3A_542 : f32 to vector<16xf32>
            %gt3A_903 = arith.cmpf ogt, %select_n3A_899, %gt3A_902 : vector<16xf32>
            %select_n3A_904 = arith.select %gt3A_901, %select_n3A_895, %broadcast_in_dim3A_0 : vector<16xi1>, vector<16xf32>
            %select_n3A_905 = arith.select %gt3A_903, %select_n3A_899, %broadcast_in_dim3A_0 : vector<16xi1>, vector<16xf32>
            %masked_sort3A_906 = arith.constant dense<true> : vector<16xi1>
            %masked_sort3A_907, %masked_sort3A_908, %masked_sort3A_909 = tpu.sort %select_n3A_904, %select_n3A_904 masked %masked_sort3A_906 {descending = true} : (vector<16xf32>, vector<16xf32>, vector<16xi1>) -> (vector<16xi1>, vector<16xf32>, vector<16xf32>)
            %masked_sort3A_910 = arith.constant dense<true> : vector<16xi1>
            %masked_sort3A_911, %masked_sort3A_912, %masked_sort3A_913 = tpu.sort %select_n3A_905, %select_n3A_905 masked %masked_sort3A_910 {descending = true} : (vector<16xf32>, vector<16xf32>, vector<16xi1>) -> (vector<16xi1>, vector<16xf32>, vector<16xf32>)
            %min3A_914 = arith.constant 4080 : i32
            %min3A_915 = arith.minsi %add3A_881, %min3A_914 : i32
            %swap3A_916 = arith.index_cast %min3A_915 : i32 to index
            %swap3A_917 = tpu.vector_load %arg10[%swap3A_916] {strides = array<i32>} : memref<4096xf32, #tpu.memory_space<vmem>>, vector<16xf32>,
            tpu.vector_store %arg10[%swap3A_916], %masked_sort3A_908 {strides = array<i32>} : memref<4096xf32, #tpu.memory_space<vmem>>, vector<16xf32>,
            %min3A_918 = arith.constant 4080 : i32
            %min3A_919 = arith.minsi %add3A_885, %min3A_918 : i32
            %swap3A_920 = arith.index_cast %min3A_919 : i32 to index
            %swap3A_921 = tpu.vector_load %arg11[%swap3A_920] {strides = array<i32>} : memref<4096xf32, #tpu.memory_space<vmem>>, vector<16xf32>,
            tpu.vector_store %arg11[%swap3A_920], %masked_sort3A_912 {strides = array<i32>} : memref<4096xf32, #tpu.memory_space<vmem>>, vector<16xf32>,
            %all_reduce_population_count3A_922 = tpu.all_reduce %gt3A_901 {dim = 0 : i64, kind = #tpu.reduction_kind<sum>} : vector<16xi1> -> vector<16xi32>
            %slice3A_923 = vector.extract_strided_slice %all_reduce_population_count3A_922 {offsets = [0], sizes = [1], strides = [1]} : vector<16xi32> to vector<1xi32>
            %squeeze3A_924 = vector.extract %slice3A_923[0] : i32 from vector<1xi32>
            %add3A_925 = arith.addi %add3A_881, %squeeze3A_924 : i32
            %all_reduce_population_count3A_926 = tpu.all_reduce %gt3A_903 {dim = 0 : i64, kind = #tpu.reduction_kind<sum>} : vector<16xi1> -> vector<16xi32>
            %slice3A_927 = vector.extract_strided_slice %all_reduce_population_count3A_926 {offsets = [0], sizes = [1], strides = [1]} : vector<16xi32> to vector<1xi32>
            %squeeze3A_928 = vector.extract %slice3A_927[0] : i32 from vector<1xi32>
            %add3A_929 = arith.addi %add3A_885, %squeeze3A_928 : i32
            %max3A_930 = arith.maximumf %max3A_886, %select_n3A_904 : vector<16xf32>
            %max3A_931 = arith.maximumf %max3A_887, %select_n3A_905 : vector<16xf32>
            %add3A_932 = arith.constant 112 : i32
            %add3A_933 = arith.addi %mul3A_560, %add3A_932 : i32
            %get3A_934 = arith.index_cast %add3A_933 : i32 to index
            %get3A_935 = tpu.vector_load %arg9[%get3A_934] {strides = array<i32>} : memref<8192xf32, #tpu.memory_space<vmem>>, vector<16xf32>,
            %lt3A_936 = arith.constant 5.000000e-01 : f32
            %lt3A_937 = vector.broadcast %lt3A_936 : f32 to vector<16xf32>
            %lt3A_938 = arith.cmpf olt, %get3A_935, %lt3A_937 : vector<16xf32>
            %select_n3A_939 = arith.select %lt3A_938, %get3A_592, %broadcast_in_dim3A_0 : vector<16xi1>, vector<16xf32>
            %neg3A_940 = arith.constant 0.000000e+00 : f32
            %neg3A_941 = vector.broadcast %neg3A_940 : f32 to vector<16xf32>
            %neg3A_942 = arith.subf %neg3A_941, %get3A_592 : vector<16xf32>
            %select_n3A_943 = arith.select %lt3A_938, %broadcast_in_dim3A_0, %neg3A_942 : vector<16xi1>, vector<16xf32>
            %gt3A_944 = vector.broadcast %squeeze3A_538 : f32 to vector<16xf32>
            %gt3A_945 = arith.cmpf ogt, %select_n3A_939, %gt3A_944 : vector<16xf32>
            %gt3A_946 = vector.broadcast %squeeze3A_542 : f32 to vector<16xf32>
            %gt3A_947 = arith.cmpf ogt, %select_n3A_943, %gt3A_946 : vector<16xf32>
            %select_n3A_948 = arith.select %gt3A_945, %select_n3A_939, %broadcast_in_dim3A_0 : vector<16xi1>, vector<16xf32>
            %select_n3A_949 = arith.select %gt3A_947, %select_n3A_943, %broadcast_in_dim3A_0 : vector<16xi1>, vector<16xf32>
            %masked_sort3A_950 = arith.constant dense<true> : vector<16xi1>
            %masked_sort3A_951, %masked_sort3A_952, %masked_sort3A_953 = tpu.sort %select_n3A_948, %select_n3A_948 masked %masked_sort3A_950 {descending = true} : (vector<16xf32>, vector<16xf32>, vector<16xi1>) -> (vector<16xi1>, vector<16xf32>, vector<16xf32>)
            %masked_sort3A_954 = arith.constant dense<true> : vector<16xi1>
            %masked_sort3A_955, %masked_sort3A_956, %masked_sort3A_957 = tpu.sort %select_n3A_949, %select_n3A_949 masked %masked_sort3A_954 {descending = true} : (vector<16xf32>, vector<16xf32>, vector<16xi1>) -> (vector<16xi1>, vector<16xf32>, vector<16xf32>)
            %min3A_958 = arith.constant 4080 : i32
            %min3A_959 = arith.minsi %add3A_925, %min3A_958 : i32
            %swap3A_960 = arith.index_cast %min3A_959 : i32 to index
            %swap3A_961 = tpu.vector_load %arg10[%swap3A_960] {strides = array<i32>} : memref<4096xf32, #tpu.memory_space<vmem>>, vector<16xf32>,
            tpu.vector_store %arg10[%swap3A_960], %masked_sort3A_952 {strides = array<i32>} : memref<4096xf32, #tpu.memory_space<vmem>>, vector<16xf32>,
            %min3A_962 = arith.constant 4080 : i32
            %min3A_963 = arith.minsi %add3A_929, %min3A_962 : i32
            %swap3A_964 = arith.index_cast %min3A_963 : i32 to index
            %swap3A_965 = tpu.vector_load %arg11[%swap3A_964] {strides = array<i32>} : memref<4096xf32, #tpu.memory_space<vmem>>, vector<16xf32>,
            tpu.vector_store %arg11[%swap3A_964], %masked_sort3A_956 {strides = array<i32>} : memref<4096xf32, #tpu.memory_space<vmem>>, vector<16xf32>,
            %all_reduce_population_count3A_966 = tpu.all_reduce %gt3A_945 {dim = 0 : i64, kind = #tpu.reduction_kind<sum>} : vector<16xi1> -> vector<16xi32>
            %slice3A_967 = vector.extract_strided_slice %all_reduce_population_count3A_966 {offsets = [0], sizes = [1], strides = [1]} : vector<16xi32> to vector<1xi32>
            %squeeze3A_968 = vector.extract %slice3A_967[0] : i32 from vector<1xi32>
            %add3A_969 = arith.addi %add3A_925, %squeeze3A_968 : i32
            %all_reduce_population_count3A_970 = tpu.all_reduce %gt3A_947 {dim = 0 : i64, kind = #tpu.reduction_kind<sum>} : vector<16xi1> -> vector<16xi32>
            %slice3A_971 = vector.extract_strided_slice %all_reduce_population_count3A_970 {offsets = [0], sizes = [1], strides = [1]} : vector<16xi32> to vector<1xi32>
            %squeeze3A_972 = vector.extract %slice3A_971[0] : i32 from vector<1xi32>
            %add3A_973 = arith.addi %add3A_929, %squeeze3A_972 : i32
            %max3A_974 = arith.maximumf %max3A_930, %select_n3A_948 : vector<16xf32>
            %max3A_975 = arith.maximumf %max3A_931, %select_n3A_949 : vector<16xf32>
            %add3A_976 = vector.broadcast %add3A_969 : i32 to vector<16xi32>
            %add3A_977 = arith.addi %broadcast_in_dim3A_2, %add3A_976 : vector<16xi32>
            %swap3A_978 = arith.constant 0 : index
            %swap3A_979 = tpu.vector_load %arg13[%swap3A_978] {strides = array<i32>} : memref<32xi32, #tpu.memory_space<vmem>>, vector<16xi32>,
            tpu.vector_store %arg13[%swap3A_978], %add3A_977 {strides = array<i32>} : memref<32xi32, #tpu.memory_space<vmem>>, vector<16xi32>,
            %add3A_980 = vector.broadcast %add3A_973 : i32 to vector<16xi32>
            %add3A_981 = arith.addi %broadcast_in_dim3A_2, %add3A_980 : vector<16xi32>
            %swap3A_982 = arith.constant 16 : index
            %swap3A_983 = tpu.vector_load %arg13[%swap3A_982] {strides = array<i32>} : memref<32xi32, #tpu.memory_space<vmem>>, vector<16xi32>,
            tpu.vector_store %arg13[%swap3A_982], %add3A_981 {strides = array<i32>} : memref<32xi32, #tpu.memory_space<vmem>>, vector<16xi32>,
            %masked_sort3A_984 = arith.constant dense<true> : vector<16xi1>
            %masked_sort3A_985, %masked_sort3A_986, %masked_sort3A_987 = tpu.sort %max3A_974, %max3A_974 masked %masked_sort3A_984 {descending = true} : (vector<16xf32>, vector<16xf32>, vector<16xi1>) -> (vector<16xi1>, vector<16xf32>, vector<16xf32>)
            %masked_sort3A_988 = arith.constant dense<true> : vector<16xi1>
            %masked_sort3A_989, %masked_sort3A_990, %masked_sort3A_991 = tpu.sort %max3A_975, %max3A_975 masked %masked_sort3A_988 {descending = true} : (vector<16xf32>, vector<16xf32>, vector<16xi1>) -> (vector<16xi1>, vector<16xf32>, vector<16xf32>)
            %get3A_992 = arith.constant 0 : index
            %get3A_993 = tpu.vector_load %arg12[%get3A_992] {strides = array<i32>} : memref<64xf32, #tpu.memory_space<vmem>>, vector<16xf32>,
            %max3A_994 = arith.maximumf %get3A_993, %masked_sort3A_986 : vector<16xf32>
            %min3A_995 = arith.minimumf %get3A_993, %masked_sort3A_986 : vector<16xf32>
            %masked_sort3A_996 = arith.constant dense<true> : vector<16xi1>
            %masked_sort3A_997, %masked_sort3A_998, %masked_sort3A_999 = tpu.sort %max3A_994, %max3A_994 masked %masked_sort3A_996 : (vector<16xf32>, vector<16xf32>, vector<16xi1>) -> (vector<16xi1>, vector<16xf32>, vector<16xf32>)
            %masked_sort3A_1000 = arith.constant dense<true> : vector<16xi1>
            %masked_sort3A_1001, %masked_sort3A_1002, %masked_sort3A_1003 = tpu.sort %min3A_995, %min3A_995 masked %masked_sort3A_1000 {descending = true} : (vector<16xf32>, vector<16xf32>, vector<16xi1>) -> (vector<16xi1>, vector<16xf32>, vector<16xf32>)
            %get3A_1004 = arith.constant 16 : index
            %get3A_1005 = tpu.vector_load %arg12[%get3A_1004] {strides = array<i32>} : memref<64xf32, #tpu.memory_space<vmem>>, vector<16xf32>,
            %max3A_1006 = arith.maximumf %get3A_1005, %masked_sort3A_1002 : vector<16xf32>
            %masked_sort3A_1007 = arith.constant dense<true> : vector<16xi1>
            %masked_sort3A_1008, %masked_sort3A_1009, %masked_sort3A_1010 = tpu.sort %max3A_1006, %max3A_1006 masked %masked_sort3A_1007 : (vector<16xf32>, vector<16xf32>, vector<16xi1>) -> (vector<16xi1>, vector<16xf32>, vector<16xf32>)
            %swap3A_1011 = arith.constant 0 : index
            %swap3A_1012 = tpu.vector_load %arg12[%swap3A_1011] {strides = array<i32>} : memref<64xf32, #tpu.memory_space<vmem>>, vector<16xf32>,
            tpu.vector_store %arg12[%swap3A_1011], %masked_sort3A_998 {strides = array<i32>} : memref<64xf32, #tpu.memory_space<vmem>>, vector<16xf32>,
            %swap3A_1013 = arith.constant 16 : index
            %swap3A_1014 = tpu.vector_load %arg12[%swap3A_1013] {strides = array<i32>} : memref<64xf32, #tpu.memory_space<vmem>>, vector<16xf32>,
            tpu.vector_store %arg12[%swap3A_1013], %masked_sort3A_1009 {strides = array<i32>} : memref<64xf32, #tpu.memory_space<vmem>>, vector<16xf32>,
            %get3A_1015 = arith.constant 32 : index
            %get3A_1016 = tpu.vector_load %arg12[%get3A_1015] {strides = array<i32>} : memref<64xf32, #tpu.memory_space<vmem>>, vector<16xf32>,
            %max3A_1017 = arith.maximumf %get3A_1016, %masked_sort3A_990 : vector<16xf32>
            %min3A_1018 = arith.minimumf %get3A_1016, %masked_sort3A_990 : vector<16xf32>
            %masked_sort3A_1019 = arith.constant dense<true> : vector<16xi1>
            %masked_sort3A_1020, %masked_sort3A_1021, %masked_sort3A_1022 = tpu.sort %max3A_1017, %max3A_1017 masked %masked_sort3A_1019 : (vector<16xf32>, vector<16xf32>, vector<16xi1>) -> (vector<16xi1>, vector<16xf32>, vector<16xf32>)
            %masked_sort3A_1023 = arith.constant dense<true> : vector<16xi1>
            %masked_sort3A_1024, %masked_sort3A_1025, %masked_sort3A_1026 = tpu.sort %min3A_1018, %min3A_1018 masked %masked_sort3A_1023 {descending = true} : (vector<16xf32>, vector<16xf32>, vector<16xi1>) -> (vector<16xi1>, vector<16xf32>, vector<16xf32>)
            %get3A_1027 = arith.constant 48 : index
            %get3A_1028 = tpu.vector_load %arg12[%get3A_1027] {strides = array<i32>} : memref<64xf32, #tpu.memory_space<vmem>>, vector<16xf32>,
            %max3A_1029 = arith.maximumf %get3A_1028, %masked_sort3A_1025 : vector<16xf32>
            %masked_sort3A_1030 = arith.constant dense<true> : vector<16xi1>
            %masked_sort3A_1031, %masked_sort3A_1032, %masked_sort3A_1033 = tpu.sort %max3A_1029, %max3A_1029 masked %masked_sort3A_1030 : (vector<16xf32>, vector<16xf32>, vector<16xi1>) -> (vector<16xi1>, vector<16xf32>, vector<16xf32>)
            %swap3A_1034 = arith.constant 32 : index
            %swap3A_1035 = tpu.vector_load %arg12[%swap3A_1034] {strides = array<i32>} : memref<64xf32, #tpu.memory_space<vmem>>, vector<16xf32>,
            tpu.vector_store %arg12[%swap3A_1034], %masked_sort3A_1021 {strides = array<i32>} : memref<64xf32, #tpu.memory_space<vmem>>, vector<16xf32>,
            %swap3A_1036 = arith.constant 48 : index
            %swap3A_1037 = tpu.vector_load %arg12[%swap3A_1036] {strides = array<i32>} : memref<64xf32, #tpu.memory_space<vmem>>, vector<16xf32>,
            tpu.vector_store %arg12[%swap3A_1036], %masked_sort3A_1032 {strides = array<i32>} : memref<64xf32, #tpu.memory_space<vmem>>, vector<16xf32>,
          } else {
          }
          %scan3A_616 = arith.constant 0 : i32
          scf.yield %scan3A_616 : i32
        }
        %scan3A_550 = arith.constant 4 : i32
        %scan3A_551 = arith.constant 0 : i32
        scf.yield %scan3A_551 : i32
      }
      %scan3A_524 = arith.constant 16 : i32
      %add3A_525 = arith.constant 2 : i32
      %add3A_526 = arith.addi %add3A_310, %add3A_525 : i32
      %lt3A_527 = arith.constant 16 : i32
      %lt3A_528 = arith.cmpi slt, %add3A_526, %lt3A_527 : i32
      %convert_element_type3A_529 = arith.extui %lt3A_528 : i1 to i32
      %cond3A_530 = arith.constant 0 : i32
      %cond3A_531 = arith.cmpi ne, %convert_element_type3A_529, %cond3A_530 : i32
      scf.if %cond3A_531 {
        %add3A_533 = arith.constant 2 : i32
        %add3A_534 = arith.addi %add3A_310, %add3A_533 : i32
        %mul3A_535 = arith.constant 16 : i32
        %mul3A_536 = arith.muli %add3A, %mul3A_535 : i32
        %add3A_537 = arith.addi %mul3A_536, %add3A_534 : i32
        %jit3A_538 = arith.constant 4 : i32
        %div3A_539 = arith.divsi %add3A_537, %jit3A_538 : i32
        %sign3A_540 = arith.constant 0 : i32
        %sign3A_541 = arith.cmpi sgt, %add3A_537, %sign3A_540 : i32
        %sign3A_542 = arith.extui %sign3A_541 : i1 to i32
        %sign3A_543 = arith.constant 0 : i32
        %sign3A_544 = arith.cmpi slt, %add3A_537, %sign3A_543 : i32
        %sign3A_545 = arith.extui %sign3A_544 : i1 to i32
        %sign3A_546 = arith.subi %sign3A_542, %sign3A_545 : i32
        %sign3A_547 = arith.constant 0 : i32
        %sign3A_548 = arith.cmpi sgt, %jit3A_538, %sign3A_547 : i32
        %sign3A_549 = arith.extui %sign3A_548 : i1 to i32
        %sign3A_550 = arith.constant 0 : i32
        %sign3A_551 = arith.cmpi slt, %jit3A_538, %sign3A_550 : i32
        %sign3A_552 = arith.extui %sign3A_551 : i1 to i32
        %sign3A_553 = arith.subi %sign3A_549, %sign3A_552 : i32
        %ne3A_554 = arith.cmpi ne, %sign3A_546, %sign3A_553 : i32
        %rem3A_555 = arith.remsi %add3A_537, %jit3A_538 : i32
        %ne3A_556 = arith.constant 0 : i32
        %ne3A_557 = arith.cmpi ne, %rem3A_555, %ne3A_556 : i32
        %and3A_558 = arith.andi %ne3A_554, %ne3A_557 : i1
        %sub3A_559 = arith.constant 1 : i32
        %sub3A_560 = arith.subi %div3A_539, %sub3A_559 : i32
        %select_n3A_561 = arith.select %and3A_558, %sub3A_560, %div3A_539 : i32
        %jit3A_562 = arith.constant 4 : i32
        %eq3A_563 = arith.constant 0 : i32
        %eq3A_564 = arith.cmpi eq, %jit3A_562, %eq3A_563 : i32
        %jit3A_565 = arith.constant 1 : i32
        %select_n3A_566 = arith.select %eq3A_564, %jit3A_565, %jit3A_562 : i32
        %rem3A_567 = arith.remsi %add3A_537, %select_n3A_566 : i32
        %ne3A_568 = arith.constant 0 : i32
        %ne3A_569 = arith.cmpi ne, %rem3A_567, %ne3A_568 : i32
        %lt3A_570 = arith.constant 0 : i32
        %lt3A_571 = arith.cmpi slt, %rem3A_567, %lt3A_570 : i32
        %lt3A_572 = arith.constant 0 : i32
        %lt3A_573 = arith.cmpi slt, %select_n3A_566, %lt3A_572 : i32
        %ne3A_574 = arith.xori %lt3A_571, %lt3A_573 : i1
        %and3A_575 = arith.andi %ne3A_574, %ne3A_569 : i1
        %add3A_576 = arith.addi %rem3A_567, %select_n3A_566 : i32
        %select_n3A_577 = arith.select %and3A_575, %add3A_576, %rem3A_567 : i32
        %mul3A_578 = arith.constant 8192 : i32
        %mul3A_579 = arith.muli %select_n3A_577, %mul3A_578 : i32
        %dma_start3A_580 = tpu.memref_slice %arg2[%select_n3A_561, %mul3A_579] : memref<128x32768xf32, #tpu.memory_space<hbm>> -> memref<1x8192xf32, #tpu.memory_space<hbm>>
        %dma_start3A_581 = tpu.memref_squeeze %dma_start3A_580 : memref<1x8192xf32, #tpu.memory_space<hbm>> -> memref<8192xf32, #tpu.memory_space<hbm>>
        %dma_start3A_582 = tpu.memref_slice %arg2[%select_n3A_561, %mul3A_579] : memref<128x32768xf32, #tpu.memory_space<hbm>> -> memref<1x8192xf32, #tpu.memory_space<hbm>>
        %dma_start3A_583 = tpu.memref_squeeze %dma_start3A_582 : memref<1x8192xf32, #tpu.memory_space<hbm>> -> memref<8192xf32, #tpu.memory_space<hbm>>
        tpu.enqueue_dma source(%dma_start3A_583 : memref<8192xf32, #tpu.memory_space<hbm>>) target(%arg8 : memref<8192xf32, #tpu.memory_space<vmem>>) target_semaphore(%arg17 : memref<!tpu.dma_semaphore, #tpu.memory_space<semaphore_mem>>)
        %add3A_584 = arith.constant 2 : i32
        %add3A_585 = arith.addi %add3A_310, %add3A_584 : i32
        %mul3A_586 = arith.constant 16 : i32
        %mul3A_587 = arith.muli %add3A, %mul3A_586 : i32
        %add3A_588 = arith.addi %mul3A_587, %add3A_585 : i32
        %jit3A_589 = arith.constant 4 : i32
        %div3A_590 = arith.divsi %add3A_588, %jit3A_589 : i32
        %sign3A_591 = arith.constant 0 : i32
        %sign3A_592 = arith.cmpi sgt, %add3A_588, %sign3A_591 : i32
        %sign3A_593 = arith.extui %sign3A_592 : i1 to i32
        %sign3A_594 = arith.constant 0 : i32
        %sign3A_595 = arith.cmpi slt, %add3A_588, %sign3A_594 : i32
        %sign3A_596 = arith.extui %sign3A_595 : i1 to i32
        %sign3A_597 = arith.subi %sign3A_593, %sign3A_596 : i32
        %sign3A_598 = arith.constant 0 : i32
        %sign3A_599 = arith.cmpi sgt, %jit3A_589, %sign3A_598 : i32
        %sign3A_600 = arith.extui %sign3A_599 : i1 to i32
        %sign3A_601 = arith.constant 0 : i32
        %sign3A_602 = arith.cmpi slt, %jit3A_589, %sign3A_601 : i32
        %sign3A_603 = arith.extui %sign3A_602 : i1 to i32
        %sign3A_604 = arith.subi %sign3A_600, %sign3A_603 : i32
        %ne3A_605 = arith.cmpi ne, %sign3A_597, %sign3A_604 : i32
        %rem3A_606 = arith.remsi %add3A_588, %jit3A_589 : i32
        %ne3A_607 = arith.constant 0 : i32
        %ne3A_608 = arith.cmpi ne, %rem3A_606, %ne3A_607 : i32
        %and3A_609 = arith.andi %ne3A_605, %ne3A_608 : i1
        %sub3A_610 = arith.constant 1 : i32
        %sub3A_611 = arith.subi %div3A_590, %sub3A_610 : i32
        %select_n3A_612 = arith.select %and3A_609, %sub3A_611, %div3A_590 : i32
        %jit3A_613 = arith.constant 4 : i32
        %eq3A_614 = arith.constant 0 : i32
        %eq3A_615 = arith.cmpi eq, %jit3A_613, %eq3A_614 : i32
        %jit3A_616 = arith.constant 1 : i32
        %select_n3A_617 = arith.select %eq3A_615, %jit3A_616, %jit3A_613 : i32
        %rem3A_618 = arith.remsi %add3A_588, %select_n3A_617 : i32
        %ne3A_619 = arith.constant 0 : i32
        %ne3A_620 = arith.cmpi ne, %rem3A_618, %ne3A_619 : i32
        %lt3A_621 = arith.constant 0 : i32
        %lt3A_622 = arith.cmpi slt, %rem3A_618, %lt3A_621 : i32
        %lt3A_623 = arith.constant 0 : i32
        %lt3A_624 = arith.cmpi slt, %select_n3A_617, %lt3A_623 : i32
        %ne3A_625 = arith.xori %lt3A_622, %lt3A_624 : i1
        %and3A_626 = arith.andi %ne3A_625, %ne3A_620 : i1
        %add3A_627 = arith.addi %rem3A_618, %select_n3A_617 : i32
        %select_n3A_628 = arith.select %and3A_626, %add3A_627, %rem3A_618 : i32
        %mul3A_629 = arith.constant 8192 : i32
        %mul3A_630 = arith.muli %select_n3A_628, %mul3A_629 : i32
        %dma_start3A_631 = tpu.memref_slice %arg3[%select_n3A_612, %mul3A_630] : memref<128x32768xf32, #tpu.memory_space<hbm>> -> memref<1x8192xf32, #tpu.memory_space<hbm>>
        %dma_start3A_632 = tpu.memref_squeeze %dma_start3A_631 : memref<1x8192xf32, #tpu.memory_space<hbm>> -> memref<8192xf32, #tpu.memory_space<hbm>>
        %dma_start3A_633 = tpu.memref_slice %arg3[%select_n3A_612, %mul3A_630] : memref<128x32768xf32, #tpu.memory_space<hbm>> -> memref<1x8192xf32, #tpu.memory_space<hbm>>
        %dma_start3A_634 = tpu.memref_squeeze %dma_start3A_633 : memref<1x8192xf32, #tpu.memory_space<hbm>> -> memref<8192xf32, #tpu.memory_space<hbm>>
        tpu.enqueue_dma source(%dma_start3A_634 : memref<8192xf32, #tpu.memory_space<hbm>>) target(%arg9 : memref<8192xf32, #tpu.memory_space<vmem>>) target_semaphore(%arg17 : memref<!tpu.dma_semaphore, #tpu.memory_space<semaphore_mem>>)
      } else {
      }
      %scan3A_532 = arith.constant 0 : i32
      scf.yield %scan3A_532 : i32
    }
    %scan3A_216 = arith.constant 8 : i32
    %get3A = arith.constant 0 : index
    %get3A_217 = tpu.vector_load %arg13[%get3A] {strides = array<i32>} : memref<32xi32, #tpu.memory_space<vmem>>, vector<16xi32>,
    %slice3A = vector.extract_strided_slice %get3A_217 {offsets = [0], sizes = [1], strides = [1]} : vector<16xi32> to vector<1xi32>
    %squeeze3A = vector.extract %slice3A[0] : i32 from vector<1xi32>
    %get3A_218 = arith.constant 16 : index
    %get3A_219 = tpu.vector_load %arg13[%get3A_218] {strides = array<i32>} : memref<32xi32, #tpu.memory_space<vmem>>, vector<16xi32>,
    %slice3A_220 = vector.extract_strided_slice %get3A_219 {offsets = [0], sizes = [1], strides = [1]} : vector<16xi32> to vector<1xi32>
    %squeeze3A_221 = vector.extract %slice3A_220[0] : i32 from vector<1xi32>
    %min3A = arith.constant 4096 : i32
    %min3A_222 = arith.minsi %squeeze3A, %min3A : i32
    %add3A_223 = arith.constant 15 : i32
    %add3A_224 = arith.addi %min3A_222, %add3A_223 : i32
    %jit3A_225 = arith.constant 16 : i32
    %div3A_226 = arith.divsi %add3A_224, %jit3A_225 : i32
    %sign3A_227 = arith.constant 0 : i32
    %sign3A_228 = arith.cmpi sgt, %add3A_224, %sign3A_227 : i32
    %sign3A_229 = arith.extui %sign3A_228 : i1 to i32
    %sign3A_230 = arith.constant 0 : i32
    %sign3A_231 = arith.cmpi slt, %add3A_224, %sign3A_230 : i32
    %sign3A_232 = arith.extui %sign3A_231 : i1 to i32
    %sign3A_233 = arith.subi %sign3A_229, %sign3A_232 : i32
    %sign3A_234 = arith.constant 0 : i32
    %sign3A_235 = arith.cmpi sgt, %jit3A_225, %sign3A_234 : i32
    %sign3A_236 = arith.extui %sign3A_235 : i1 to i32
    %sign3A_237 = arith.constant 0 : i32
    %sign3A_238 = arith.cmpi slt, %jit3A_225, %sign3A_237 : i32
    %sign3A_239 = arith.extui %sign3A_238 : i1 to i32
    %sign3A_240 = arith.subi %sign3A_236, %sign3A_239 : i32
    %ne3A_241 = arith.cmpi ne, %sign3A_233, %sign3A_240 : i32
    %rem3A_242 = arith.remsi %add3A_224, %jit3A_225 : i32
    %ne3A_243 = arith.constant 0 : i32
    %ne3A_244 = arith.cmpi ne, %rem3A_242, %ne3A_243 : i32
    %and3A_245 = arith.andi %ne3A_241, %ne3A_244 : i1
    %sub3A_246 = arith.constant 1 : i32
    %sub3A_247 = arith.subi %div3A_226, %sub3A_246 : i32
    %select_n3A_248 = arith.select %and3A_245, %sub3A_247, %div3A_226 : i32
    %scan3A_249 = arith.constant 0 : i32
    %scan3A_250 = arith.constant 0 : i32
    %scan3A_251 = arith.constant 25 : i32
    %scan3A_252 = arith.addi %scan3A_250, %scan3A_251 : i32
    %scan3A_253 = arith.constant 1 : i32
    %scan3A_254:3 = scf.for %scan3A_303 = %scan3A_250 to %scan3A_252 step %scan3A_253 iter_args(%scan3A_304 = %scan3A_249, %scan3A_305 = %broadcast_in_dim3A_0, %scan3A_306 = %broadcast_in_dim3A_0) -> (i32, vector<16xf32>, vector<16xf32>)  : i32 {
      %while3A = arith.constant 0 : i32
      %while3A_307 = arith.subi %select_n3A_248, %while3A : i32
      %while3A_308 = arith.addi %while3A, %while3A_307 : i32
      %while3A_309 = arith.constant 1 : i32
      %while3A_310 = arith.divsi %while3A_307, %while3A_309 : i32
      %while3A_311 = arith.muli %while3A_310, %while3A_309 : i32
      %while3A_312 = arith.addi %while3A, %while3A_311 : i32
      %while3A_313 = arith.constant 1 : i32
      %while3A_314 = scf.for %while3A_357 = %while3A to %while3A_312 step %while3A_313 iter_args(%while3A_358 = %broadcast_in_dim3A_0) -> (vector<16xf32>)  : i32 {
        %mul3A_359 = arith.constant 16 : i32
        %mul3A_360 = arith.muli %while3A_357, %mul3A_359 : i32
        %get3A_361 = arith.index_cast %mul3A_360 : i32 to index
        %get3A_362 = tpu.vector_load %arg10[%get3A_361] {strides = array<i32>} : memref<4096xf32, #tpu.memory_space<vmem>>, vector<16xf32>,
        %max3A = arith.maximumf %while3A_358, %get3A_362 : vector<16xf32>
        scf.yield %max3A : vector<16xf32>
      }
      %while3A_315 = arith.constant 1 : i32
      %while3A_316 = scf.for %while3A_357 = %while3A_312 to %while3A_308 step %while3A_315 iter_args(%while3A_358 = %while3A_314) -> (vector<16xf32>)  : i32 {
        %mul3A_359 = arith.constant 16 : i32
        %mul3A_360 = arith.muli %while3A_357, %mul3A_359 : i32
        %get3A_361 = arith.index_cast %mul3A_360 : i32 to index
        %get3A_362 = tpu.vector_load %arg10[%get3A_361] {strides = array<i32>} : memref<4096xf32, #tpu.memory_space<vmem>>, vector<16xf32>,
        %max3A = arith.maximumf %while3A_358, %get3A_362 : vector<16xf32>
        scf.yield %max3A : vector<16xf32>
      }
      %reduce_max3A = arith.constant true
      %reduce_max3A_317 = vector.broadcast %reduce_max3A : i1 to vector<16xi1>
      %reduce_max3A_318 = tpu.scan <max>, %while3A_316 masked %reduce_max3A_317 : vector<16xf32>, vector<16xi1> -> vector<16xf32>
      %reduce_max3A_319 = vector.extract %reduce_max3A_318[15] : f32 from vector<16xf32>
      %while3A_320 = arith.constant 0 : i32
      %while3A_321 = arith.subi %select_n3A_248, %while3A_320 : i32
      %while3A_322 = arith.addi %while3A_320, %while3A_321 : i32
      %while3A_323 = arith.constant 1 : i32
      %while3A_324 = arith.divsi %while3A_321, %while3A_323 : i32
      %while3A_325 = arith.muli %while3A_324, %while3A_323 : i32
      %while3A_326 = arith.addi %while3A_320, %while3A_325 : i32
      %while3A_327 = arith.constant 1 : i32
      %while3A_328 = scf.for %while3A_357 = %while3A_320 to %while3A_326 step %while3A_327 iter_args(%while3A_358 = %broadcast_in_dim3A_2) -> (vector<16xi32>)  : i32 {
        %mul3A_359 = arith.constant 16 : i32
        %mul3A_360 = arith.muli %while3A_357, %mul3A_359 : i32
        %get3A_361 = arith.index_cast %mul3A_360 : i32 to index
        %get3A_362 = tpu.vector_load %arg10[%get3A_361] {strides = array<i32>} : memref<4096xf32, #tpu.memory_space<vmem>>, vector<16xf32>,
        %eq3A_363 = vector.broadcast %reduce_max3A_319 : f32 to vector<16xf32>
        %eq3A_364 = arith.cmpf oeq, %get3A_362, %eq3A_363 : vector<16xf32>
        %select_n3A_365 = arith.select %eq3A_364, %broadcast_in_dim3A_0, %get3A_362 : vector<16xi1>, vector<16xf32>
        %mul3A_366 = arith.constant 16 : i32
        %mul3A_367 = arith.muli %while3A_357, %mul3A_366 : i32
        %swap3A_368 = arith.index_cast %mul3A_367 : i32 to index
        %swap3A_369 = tpu.vector_load %arg10[%swap3A_368] {strides = array<i32>} : memref<4096xf32, #tpu.memory_space<vmem>>, vector<16xf32>,
        tpu.vector_store %arg10[%swap3A_368], %select_n3A_365 {strides = array<i32>} : memref<4096xf32, #tpu.memory_space<vmem>>, vector<16xf32>,
        %all_reduce_population_count3A = tpu.all_reduce %eq3A_364 {dim = 0 : i64, kind = #tpu.reduction_kind<sum>} : vector<16xi1> -> vector<16xi32>
        %add3A_370 = arith.addi %while3A_358, %all_reduce_population_count3A : vector<16xi32>
        scf.yield %add3A_370 : vector<16xi32>
      }
      %while3A_329 = arith.constant 1 : i32
      %while3A_330 = scf.for %while3A_357 = %while3A_326 to %while3A_322 step %while3A_329 iter_args(%while3A_358 = %while3A_328) -> (vector<16xi32>)  : i32 {
        %mul3A_359 = arith.constant 16 : i32
        %mul3A_360 = arith.muli %while3A_357, %mul3A_359 : i32
        %get3A_361 = arith.index_cast %mul3A_360 : i32 to index
        %get3A_362 = tpu.vector_load %arg10[%get3A_361] {strides = array<i32>} : memref<4096xf32, #tpu.memory_space<vmem>>, vector<16xf32>,
        %eq3A_363 = vector.broadcast %reduce_max3A_319 : f32 to vector<16xf32>
        %eq3A_364 = arith.cmpf oeq, %get3A_362, %eq3A_363 : vector<16xf32>
        %select_n3A_365 = arith.select %eq3A_364, %broadcast_in_dim3A_0, %get3A_362 : vector<16xi1>, vector<16xf32>
        %mul3A_366 = arith.constant 16 : i32
        %mul3A_367 = arith.muli %while3A_357, %mul3A_366 : i32
        %swap3A_368 = arith.index_cast %mul3A_367 : i32 to index
        %swap3A_369 = tpu.vector_load %arg10[%swap3A_368] {strides = array<i32>} : memref<4096xf32, #tpu.memory_space<vmem>>, vector<16xf32>,
        tpu.vector_store %arg10[%swap3A_368], %select_n3A_365 {strides = array<i32>} : memref<4096xf32, #tpu.memory_space<vmem>>, vector<16xf32>,
        %all_reduce_population_count3A = tpu.all_reduce %eq3A_364 {dim = 0 : i64, kind = #tpu.reduction_kind<sum>} : vector<16xi1> -> vector<16xi32>
        %add3A_370 = arith.addi %while3A_358, %all_reduce_population_count3A : vector<16xi32>
        scf.yield %add3A_370 : vector<16xi32>
      }
      %slice3A_331 = vector.extract_strided_slice %while3A_330 {offsets = [0], sizes = [1], strides = [1]} : vector<16xi32> to vector<1xi32>
      %squeeze3A_332 = vector.extract %slice3A_331[0] : i32 from vector<1xi32>
      %sub3A_333 = arith.constant 25 : i32
      %sub3A_334 = arith.subi %sub3A_333, %scan3A_304 : i32
      %min3A_335 = arith.minsi %squeeze3A_332, %sub3A_334 : i32
      %add3A_336 = arith.addi %scan3A_304, %min3A_335 : i32
      %ge3A = vector.broadcast %scan3A_304 : i32 to vector<16xi32>
      %ge3A_337 = arith.cmpi sge, %iota3A, %ge3A : vector<16xi32>
      %lt3A_338 = vector.broadcast %add3A_336 : i32 to vector<16xi32>
      %lt3A_339 = arith.cmpi slt, %iota3A, %lt3A_338 : vector<16xi32>
      %and3A_340 = arith.andi %ge3A_337, %lt3A_339 : vector<16xi1>
      %broadcast_in_dim3A_341 = vector.broadcast %reduce_max3A_319 : f32 to vector<16xf32>
      %select_n3A_342 = arith.select %and3A_340, %broadcast_in_dim3A_341, %scan3A_305 : vector<16xi1>, vector<16xf32>
      %add3A_343 = arith.constant 16 : i32
      %add3A_344 = vector.broadcast %add3A_343 : i32 to vector<16xi32>
      %add3A_345 = arith.addi %iota3A, %add3A_344 : vector<16xi32>
      %ge3A_346 = vector.broadcast %scan3A_304 : i32 to vector<16xi32>
      %ge3A_347 = arith.cmpi sge, %add3A_345, %ge3A_346 : vector<16xi32>
      %add3A_348 = arith.constant 16 : i32
      %add3A_349 = vector.broadcast %add3A_348 : i32 to vector<16xi32>
      %add3A_350 = arith.addi %iota3A, %add3A_349 : vector<16xi32>
      %lt3A_351 = vector.broadcast %add3A_336 : i32 to vector<16xi32>
      %lt3A_352 = arith.cmpi slt, %add3A_350, %lt3A_351 : vector<16xi32>
      %and3A_353 = arith.andi %ge3A_347, %lt3A_352 : vector<16xi1>
      %broadcast_in_dim3A_354 = vector.broadcast %reduce_max3A_319 : f32 to vector<16xf32>
      %select_n3A_355 = arith.select %and3A_353, %broadcast_in_dim3A_354, %scan3A_306 : vector<16xi1>, vector<16xf32>
      %add3A_356 = arith.addi %scan3A_304, %min3A_335 : i32
      scf.yield %add3A_356, %select_n3A_342, %select_n3A_355 : i32, vector<16xf32>, vector<16xf32>
    }
    %scan3A_255 = arith.constant 25 : i32
    %swap3A_256 = arith.constant 0 : index
    %swap3A_257 = tpu.vector_load %arg14[%swap3A_256] {strides = array<i32>} : memref<32xf32, #tpu.memory_space<vmem>>, vector<16xf32>,
    tpu.vector_store %arg14[%swap3A_256], %scan3A_254#1 {strides = array<i32>} : memref<32xf32, #tpu.memory_space<vmem>>, vector<16xf32>,
    %swap3A_258 = arith.constant 16 : index
    %swap3A_259 = tpu.vector_load %arg14[%swap3A_258] {strides = array<i32>} : memref<32xf32, #tpu.memory_space<vmem>>, vector<16xf32>,
    tpu.vector_store %arg14[%swap3A_258], %scan3A_254#2 {strides = array<i32>} : memref<32xf32, #tpu.memory_space<vmem>>, vector<16xf32>,
    %min3A_260 = arith.constant 4096 : i32
    %min3A_261 = arith.minsi %squeeze3A_221, %min3A_260 : i32
    %add3A_262 = arith.constant 15 : i32
    %add3A_263 = arith.addi %min3A_261, %add3A_262 : i32
    %jit3A_264 = arith.constant 16 : i32
    %div3A_265 = arith.divsi %add3A_263, %jit3A_264 : i32
    %sign3A_266 = arith.constant 0 : i32
    %sign3A_267 = arith.cmpi sgt, %add3A_263, %sign3A_266 : i32
    %sign3A_268 = arith.extui %sign3A_267 : i1 to i32
    %sign3A_269 = arith.constant 0 : i32
    %sign3A_270 = arith.cmpi slt, %add3A_263, %sign3A_269 : i32
    %sign3A_271 = arith.extui %sign3A_270 : i1 to i32
    %sign3A_272 = arith.subi %sign3A_268, %sign3A_271 : i32
    %sign3A_273 = arith.constant 0 : i32
    %sign3A_274 = arith.cmpi sgt, %jit3A_264, %sign3A_273 : i32
    %sign3A_275 = arith.extui %sign3A_274 : i1 to i32
    %sign3A_276 = arith.constant 0 : i32
    %sign3A_277 = arith.cmpi slt, %jit3A_264, %sign3A_276 : i32
    %sign3A_278 = arith.extui %sign3A_277 : i1 to i32
    %sign3A_279 = arith.subi %sign3A_275, %sign3A_278 : i32
    %ne3A_280 = arith.cmpi ne, %sign3A_272, %sign3A_279 : i32
    %rem3A_281 = arith.remsi %add3A_263, %jit3A_264 : i32
    %ne3A_282 = arith.constant 0 : i32
    %ne3A_283 = arith.cmpi ne, %rem3A_281, %ne3A_282 : i32
    %and3A_284 = arith.andi %ne3A_280, %ne3A_283 : i1
    %sub3A_285 = arith.constant 1 : i32
    %sub3A_286 = arith.subi %div3A_265, %sub3A_285 : i32
    %select_n3A_287 = arith.select %and3A_284, %sub3A_286, %div3A_265 : i32
    %scan3A_288 = arith.constant 0 : i32
    %scan3A_289 = arith.constant 0 : i32
    %scan3A_290 = arith.constant 25 : i32
    %scan3A_291 = arith.addi %scan3A_289, %scan3A_290 : i32
    %scan3A_292 = arith.constant 1 : i32
    %scan3A_293:3 = scf.for %scan3A_303 = %scan3A_289 to %scan3A_291 step %scan3A_292 iter_args(%scan3A_304 = %scan3A_288, %scan3A_305 = %broadcast_in_dim3A_0, %scan3A_306 = %broadcast_in_dim3A_0) -> (i32, vector<16xf32>, vector<16xf32>)  : i32 {
      %while3A = arith.constant 0 : i32
      %while3A_307 = arith.subi %select_n3A_287, %while3A : i32
      %while3A_308 = arith.addi %while3A, %while3A_307 : i32
      %while3A_309 = arith.constant 1 : i32
      %while3A_310 = arith.divsi %while3A_307, %while3A_309 : i32
      %while3A_311 = arith.muli %while3A_310, %while3A_309 : i32
      %while3A_312 = arith.addi %while3A, %while3A_311 : i32
      %while3A_313 = arith.constant 1 : i32
      %while3A_314 = scf.for %while3A_357 = %while3A to %while3A_312 step %while3A_313 iter_args(%while3A_358 = %broadcast_in_dim3A_0) -> (vector<16xf32>)  : i32 {
        %mul3A_359 = arith.constant 16 : i32
        %mul3A_360 = arith.muli %while3A_357, %mul3A_359 : i32
        %get3A_361 = arith.index_cast %mul3A_360 : i32 to index
        %get3A_362 = tpu.vector_load %arg11[%get3A_361] {strides = array<i32>} : memref<4096xf32, #tpu.memory_space<vmem>>, vector<16xf32>,
        %max3A = arith.maximumf %while3A_358, %get3A_362 : vector<16xf32>
        scf.yield %max3A : vector<16xf32>
      }
      %while3A_315 = arith.constant 1 : i32
      %while3A_316 = scf.for %while3A_357 = %while3A_312 to %while3A_308 step %while3A_315 iter_args(%while3A_358 = %while3A_314) -> (vector<16xf32>)  : i32 {
        %mul3A_359 = arith.constant 16 : i32
        %mul3A_360 = arith.muli %while3A_357, %mul3A_359 : i32
        %get3A_361 = arith.index_cast %mul3A_360 : i32 to index
        %get3A_362 = tpu.vector_load %arg11[%get3A_361] {strides = array<i32>} : memref<4096xf32, #tpu.memory_space<vmem>>, vector<16xf32>,
        %max3A = arith.maximumf %while3A_358, %get3A_362 : vector<16xf32>
        scf.yield %max3A : vector<16xf32>
      }
      %reduce_max3A = arith.constant true
      %reduce_max3A_317 = vector.broadcast %reduce_max3A : i1 to vector<16xi1>
      %reduce_max3A_318 = tpu.scan <max>, %while3A_316 masked %reduce_max3A_317 : vector<16xf32>, vector<16xi1> -> vector<16xf32>
      %reduce_max3A_319 = vector.extract %reduce_max3A_318[15] : f32 from vector<16xf32>
      %while3A_320 = arith.constant 0 : i32
      %while3A_321 = arith.subi %select_n3A_287, %while3A_320 : i32
      %while3A_322 = arith.addi %while3A_320, %while3A_321 : i32
      %while3A_323 = arith.constant 1 : i32
      %while3A_324 = arith.divsi %while3A_321, %while3A_323 : i32
      %while3A_325 = arith.muli %while3A_324, %while3A_323 : i32
      %while3A_326 = arith.addi %while3A_320, %while3A_325 : i32
      %while3A_327 = arith.constant 1 : i32
      %while3A_328 = scf.for %while3A_357 = %while3A_320 to %while3A_326 step %while3A_327 iter_args(%while3A_358 = %broadcast_in_dim3A_2) -> (vector<16xi32>)  : i32 {
        %mul3A_359 = arith.constant 16 : i32
        %mul3A_360 = arith.muli %while3A_357, %mul3A_359 : i32
        %get3A_361 = arith.index_cast %mul3A_360 : i32 to index
        %get3A_362 = tpu.vector_load %arg11[%get3A_361] {strides = array<i32>} : memref<4096xf32, #tpu.memory_space<vmem>>, vector<16xf32>,
        %eq3A_363 = vector.broadcast %reduce_max3A_319 : f32 to vector<16xf32>
        %eq3A_364 = arith.cmpf oeq, %get3A_362, %eq3A_363 : vector<16xf32>
        %select_n3A_365 = arith.select %eq3A_364, %broadcast_in_dim3A_0, %get3A_362 : vector<16xi1>, vector<16xf32>
        %mul3A_366 = arith.constant 16 : i32
        %mul3A_367 = arith.muli %while3A_357, %mul3A_366 : i32
        %swap3A_368 = arith.index_cast %mul3A_367 : i32 to index
        %swap3A_369 = tpu.vector_load %arg11[%swap3A_368] {strides = array<i32>} : memref<4096xf32, #tpu.memory_space<vmem>>, vector<16xf32>,
        tpu.vector_store %arg11[%swap3A_368], %select_n3A_365 {strides = array<i32>} : memref<4096xf32, #tpu.memory_space<vmem>>, vector<16xf32>,
        %all_reduce_population_count3A = tpu.all_reduce %eq3A_364 {dim = 0 : i64, kind = #tpu.reduction_kind<sum>} : vector<16xi1> -> vector<16xi32>
        %add3A_370 = arith.addi %while3A_358, %all_reduce_population_count3A : vector<16xi32>
        scf.yield %add3A_370 : vector<16xi32>
      }
      %while3A_329 = arith.constant 1 : i32
      %while3A_330 = scf.for %while3A_357 = %while3A_326 to %while3A_322 step %while3A_329 iter_args(%while3A_358 = %while3A_328) -> (vector<16xi32>)  : i32 {
        %mul3A_359 = arith.constant 16 : i32
        %mul3A_360 = arith.muli %while3A_357, %mul3A_359 : i32
        %get3A_361 = arith.index_cast %mul3A_360 : i32 to index
        %get3A_362 = tpu.vector_load %arg11[%get3A_361] {strides = array<i32>} : memref<4096xf32, #tpu.memory_space<vmem>>, vector<16xf32>,
        %eq3A_363 = vector.broadcast %reduce_max3A_319 : f32 to vector<16xf32>
        %eq3A_364 = arith.cmpf oeq, %get3A_362, %eq3A_363 : vector<16xf32>
        %select_n3A_365 = arith.select %eq3A_364, %broadcast_in_dim3A_0, %get3A_362 : vector<16xi1>, vector<16xf32>
        %mul3A_366 = arith.constant 16 : i32
        %mul3A_367 = arith.muli %while3A_357, %mul3A_366 : i32
        %swap3A_368 = arith.index_cast %mul3A_367 : i32 to index
        %swap3A_369 = tpu.vector_load %arg11[%swap3A_368] {strides = array<i32>} : memref<4096xf32, #tpu.memory_space<vmem>>, vector<16xf32>,
        tpu.vector_store %arg11[%swap3A_368], %select_n3A_365 {strides = array<i32>} : memref<4096xf32, #tpu.memory_space<vmem>>, vector<16xf32>,
        %all_reduce_population_count3A = tpu.all_reduce %eq3A_364 {dim = 0 : i64, kind = #tpu.reduction_kind<sum>} : vector<16xi1> -> vector<16xi32>
        %add3A_370 = arith.addi %while3A_358, %all_reduce_population_count3A : vector<16xi32>
        scf.yield %add3A_370 : vector<16xi32>
      }
      %slice3A_331 = vector.extract_strided_slice %while3A_330 {offsets = [0], sizes = [1], strides = [1]} : vector<16xi32> to vector<1xi32>
      %squeeze3A_332 = vector.extract %slice3A_331[0] : i32 from vector<1xi32>
      %sub3A_333 = arith.constant 25 : i32
      %sub3A_334 = arith.subi %sub3A_333, %scan3A_304 : i32
      %min3A_335 = arith.minsi %squeeze3A_332, %sub3A_334 : i32
      %add3A_336 = arith.addi %scan3A_304, %min3A_335 : i32
      %ge3A = vector.broadcast %scan3A_304 : i32 to vector<16xi32>
      %ge3A_337 = arith.cmpi sge, %iota3A, %ge3A : vector<16xi32>
      %lt3A_338 = vector.broadcast %add3A_336 : i32 to vector<16xi32>
      %lt3A_339 = arith.cmpi slt, %iota3A, %lt3A_338 : vector<16xi32>
      %and3A_340 = arith.andi %ge3A_337, %lt3A_339 : vector<16xi1>
      %broadcast_in_dim3A_341 = vector.broadcast %reduce_max3A_319 : f32 to vector<16xf32>
      %select_n3A_342 = arith.select %and3A_340, %broadcast_in_dim3A_341, %scan3A_305 : vector<16xi1>, vector<16xf32>
      %add3A_343 = arith.constant 16 : i32
      %add3A_344 = vector.broadcast %add3A_343 : i32 to vector<16xi32>
      %add3A_345 = arith.addi %iota3A, %add3A_344 : vector<16xi32>
      %ge3A_346 = vector.broadcast %scan3A_304 : i32 to vector<16xi32>
      %ge3A_347 = arith.cmpi sge, %add3A_345, %ge3A_346 : vector<16xi32>
      %add3A_348 = arith.constant 16 : i32
      %add3A_349 = vector.broadcast %add3A_348 : i32 to vector<16xi32>
      %add3A_350 = arith.addi %iota3A, %add3A_349 : vector<16xi32>
      %lt3A_351 = vector.broadcast %add3A_336 : i32 to vector<16xi32>
      %lt3A_352 = arith.cmpi slt, %add3A_350, %lt3A_351 : vector<16xi32>
      %and3A_353 = arith.andi %ge3A_347, %lt3A_352 : vector<16xi1>
      %broadcast_in_dim3A_354 = vector.broadcast %reduce_max3A_319 : f32 to vector<16xf32>
      %select_n3A_355 = arith.select %and3A_353, %broadcast_in_dim3A_354, %scan3A_306 : vector<16xi1>, vector<16xf32>
      %add3A_356 = arith.addi %scan3A_304, %min3A_335 : i32
      scf.yield %add3A_356, %select_n3A_342, %select_n3A_355 : i32, vector<16xf32>, vector<16xf32>
    }
    %scan3A_294 = arith.constant 25 : i32
    %swap3A_295 = arith.constant 0 : index
    %swap3A_296 = tpu.vector_load %arg15[%swap3A_295] {strides = array<i32>} : memref<32xf32, #tpu.memory_space<vmem>>, vector<16xf32>,
    tpu.vector_store %arg15[%swap3A_295], %scan3A_293#1 {strides = array<i32>} : memref<32xf32, #tpu.memory_space<vmem>>, vector<16xf32>,
    %swap3A_297 = arith.constant 16 : index
    %swap3A_298 = tpu.vector_load %arg15[%swap3A_297] {strides = array<i32>} : memref<32xf32, #tpu.memory_space<vmem>>, vector<16xf32>,
    tpu.vector_store %arg15[%swap3A_297], %scan3A_293#2 {strides = array<i32>} : memref<32xf32, #tpu.memory_space<vmem>>, vector<16xf32>,
    %mul3A_299 = arith.constant 32 : i32
    %mul3A_300 = arith.muli %add3A, %mul3A_299 : i32
    "tpu.region"() ({
      %run_scoped3A = tpu.sem_alloc : memref<!tpu.dma_semaphore, #tpu.memory_space<semaphore_mem>>
      %dma_start3A_303 = tpu.memref_slice %arg4[%mul3A_300] : memref<1024xf32, #tpu.memory_space<hbm>> -> memref<32xf32, #tpu.memory_space<hbm>>
      %dma_start3A_304 = tpu.memref_slice %arg4[%mul3A_300] : memref<1024xf32, #tpu.memory_space<hbm>> -> memref<32xf32, #tpu.memory_space<hbm>>
      tpu.enqueue_dma source(%arg14 : memref<32xf32, #tpu.memory_space<vmem>>) target(%dma_start3A_304 : memref<32xf32, #tpu.memory_space<hbm>>) target_semaphore(%run_scoped3A : memref<!tpu.dma_semaphore, #tpu.memory_space<semaphore_mem>>)
      %dma_wait3A = tpu.memref_slice %arg4[%mul3A_300] : memref<1024xf32, #tpu.memory_space<hbm>> -> memref<32xf32, #tpu.memory_space<hbm>>
      %dma_wait3A_305 = tpu.memref_slice %arg4[%mul3A_300] : memref<1024xf32, #tpu.memory_space<hbm>> -> memref<32xf32, #tpu.memory_space<hbm>>
      tpu.wait_dma2 semaphore(%run_scoped3A : memref<!tpu.dma_semaphore, #tpu.memory_space<semaphore_mem>>) src(%arg14 : memref<32xf32, #tpu.memory_space<vmem>>) dst(%dma_wait3A_305 : memref<32xf32, #tpu.memory_space<hbm>>)
      tpu.yield
    }) : () -> ()
    %mul3A_301 = arith.constant 32 : i32
    %mul3A_302 = arith.muli %add3A, %mul3A_301 : i32
    "tpu.region"() ({
      %run_scoped3A = tpu.sem_alloc : memref<!tpu.dma_semaphore, #tpu.memory_space<semaphore_mem>>
      %dma_start3A_303 = tpu.memref_slice %arg5[%mul3A_302] : memref<1024xf32, #tpu.memory_space<hbm>> -> memref<32xf32, #tpu.memory_space<hbm>>
      %dma_start3A_304 = tpu.memref_slice %arg5[%mul3A_302] : memref<1024xf32, #tpu.memory_space<hbm>> -> memref<32xf32, #tpu.memory_space<hbm>>
      tpu.enqueue_dma source(%arg15 : memref<32xf32, #tpu.memory_space<vmem>>) target(%dma_start3A_304 : memref<32xf32, #tpu.memory_space<hbm>>) target_semaphore(%run_scoped3A : memref<!tpu.dma_semaphore, #tpu.memory_space<semaphore_mem>>)
      %dma_wait3A = tpu.memref_slice %arg5[%mul3A_302] : memref<1024xf32, #tpu.memory_space<hbm>> -> memref<32xf32, #tpu.memory_space<hbm>>
      %dma_wait3A_305 = tpu.memref_slice %arg5[%mul3A_302] : memref<1024xf32, #tpu.memory_space<hbm>> -> memref<32xf32, #tpu.memory_space<hbm>>
      tpu.wait_dma2 semaphore(%run_scoped3A : memref<!tpu.dma_semaphore, #tpu.memory_space<semaphore_mem>>) src(%arg15 : memref<32xf32, #tpu.memory_space<vmem>>) dst(%dma_wait3A_305 : memref<32xf32, #tpu.memory_space<hbm>>)
      tpu.yield
    }) : () -> ()
    return
  }
}

module attributes {stable_mosaic.version = 14 : i64} {
  func.func @_merge_body(%arg0: memref<8x128xf32, #tpu.memory_space<vmem>>, %arg1: memref<8x128xf32, #tpu.memory_space<vmem>>, %arg2: memref<1x128xf32, #tpu.memory_space<vmem>>) attributes {dimension_semantics = [], scalar_prefetch = 0 : i64, scratch_operands = 0 : i64, tpu.core_type = #tpu.core_type<tc>} {
    %iota3A = tpu.iota {dimensions = array<i32: 1>} : vector<1x128xi32>
    %lt3A = arith.constant 25 : i32
    %lt3A_0 = vector.broadcast %lt3A : i32 to vector<1x128xi32>
    %lt3A_1 = arith.cmpi slt, %iota3A, %lt3A_0 : vector<1x128xi32>
    %get3A = arith.constant 0 : index
    %get3A_2 = arith.constant 0 : index
    %get3A_3 = vector.load %arg0[%get3A, %get3A_2] : memref<8x128xf32, #tpu.memory_space<vmem>>, vector<8x128xf32>
    %broadcast_in_dim3A = arith.constant 0xFF800000 : f32
    %broadcast_in_dim3A_4 = vector.broadcast %broadcast_in_dim3A : f32 to vector<1x128xf32>
    %scan3A = arith.constant 0 : i32
    %scan3A_5 = arith.constant 0 : i32
    %scan3A_6 = arith.constant 25 : i32
    %scan3A_7 = arith.addi %scan3A_5, %scan3A_6 : i32
    %scan3A_8 = arith.constant 1 : i32
    %scan3A_9:3 = scf.for %scan3A_74 = %scan3A_5 to %scan3A_7 step %scan3A_8 iter_args(%scan3A_75 = %scan3A, %scan3A_76 = %broadcast_in_dim3A_4, %scan3A_77 = %get3A_3) -> (i32, vector<1x128xf32>, vector<8x128xf32>)  : i32 {
      %reduce_max3A = vector.shape_cast %scan3A_77 : vector<8x128xf32> to vector<1x8x128xf32>
      %reduce_max3A_78 = arith.constant dense<0xFF800000> : vector<1xf32>
      %reduce_max3A_79 = vector.multi_reduction <maximumf>, %reduce_max3A, %reduce_max3A_78 [1, 2] : vector<1x8x128xf32> to vector<1xf32>
      %reduce_max3A_80 = vector.shape_cast %reduce_max3A_79 : vector<1xf32> to vector<1x1x1xf32>
      %reduce_max3A_81 = vector.extract %reduce_max3A_80[0, 0, 0] : f32 from vector<1x1x1xf32>
      %eq3A_82 = vector.broadcast %reduce_max3A_81 : f32 to vector<8x128xf32>
      %eq3A_83 = arith.cmpf oeq, %scan3A_77, %eq3A_82 : vector<8x128xf32>
      %convert_element_type3A = arith.extui %eq3A_83 : vector<8x128xi1> to vector<8x128xi32>
      %reduce_sum3A_84 = vector.shape_cast %convert_element_type3A : vector<8x128xi32> to vector<1x8x128xi32>
      %reduce_sum3A_85 = arith.constant dense<0> : vector<1xi32>
      %reduce_sum3A_86 = vector.multi_reduction <add>, %reduce_sum3A_84, %reduce_sum3A_85 [1, 2] : vector<1x8x128xi32> to vector<1xi32>
      %reduce_sum3A_87 = vector.shape_cast %reduce_sum3A_86 : vector<1xi32> to vector<1x1x1xi32>
      %reduce_sum3A_88 = vector.extract %reduce_sum3A_87[0, 0, 0] : i32 from vector<1x1x1xi32>
      %sub3A_89 = arith.constant 25 : i32
      %sub3A_90 = arith.subi %sub3A_89, %scan3A_75 : i32
      %min3A = arith.minsi %reduce_sum3A_88, %sub3A_90 : i32
      %ge3A = vector.broadcast %scan3A_75 : i32 to vector<1x128xi32>
      %ge3A_91 = arith.cmpi sge, %iota3A, %ge3A : vector<1x128xi32>
      %add3A = arith.addi %scan3A_75, %min3A : i32
      %lt3A_92 = vector.broadcast %add3A : i32 to vector<1x128xi32>
      %lt3A_93 = arith.cmpi slt, %iota3A, %lt3A_92 : vector<1x128xi32>
      %and3A = arith.andi %ge3A_91, %lt3A_93 : vector<1x128xi1>
      %broadcast_in_dim3A_94 = vector.broadcast %reduce_max3A_81 : f32 to vector<1x128xf32>
      %select_n3A_95 = arith.select %and3A, %broadcast_in_dim3A_94, %scan3A_76 : vector<1x128xi1>, vector<1x128xf32>
      %jit3A_96 = arith.constant 0xFF800000 : f32
      %broadcast_in_dim3A_97 = vector.broadcast %jit3A_96 : f32 to vector<8x128xf32>
      %select_n3A_98 = arith.select %eq3A_83, %broadcast_in_dim3A_97, %scan3A_77 : vector<8x128xi1>, vector<8x128xf32>
      %add3A_99 = arith.addi %scan3A_75, %min3A : i32
      scf.yield %add3A_99, %select_n3A_95, %select_n3A_98 : i32, vector<1x128xf32>, vector<8x128xf32>
    }
    %get3A_10 = arith.constant 0 : index
    %get3A_11 = arith.constant 0 : index
    %get3A_12 = vector.load %arg1[%get3A_10, %get3A_11] : memref<8x128xf32, #tpu.memory_space<vmem>>, vector<8x128xf32>
    %broadcast_in_dim3A_13 = arith.constant 0xFF800000 : f32
    %broadcast_in_dim3A_14 = vector.broadcast %broadcast_in_dim3A_13 : f32 to vector<1x128xf32>
    %scan3A_15 = arith.constant 0 : i32
    %scan3A_16 = arith.constant 0 : i32
    %scan3A_17 = arith.constant 25 : i32
    %scan3A_18 = arith.addi %scan3A_16, %scan3A_17 : i32
    %scan3A_19 = arith.constant 1 : i32
    %scan3A_20:3 = scf.for %scan3A_74 = %scan3A_16 to %scan3A_18 step %scan3A_19 iter_args(%scan3A_75 = %scan3A_15, %scan3A_76 = %broadcast_in_dim3A_14, %scan3A_77 = %get3A_12) -> (i32, vector<1x128xf32>, vector<8x128xf32>)  : i32 {
      %reduce_max3A = vector.shape_cast %scan3A_77 : vector<8x128xf32> to vector<1x8x128xf32>
      %reduce_max3A_78 = arith.constant dense<0xFF800000> : vector<1xf32>
      %reduce_max3A_79 = vector.multi_reduction <maximumf>, %reduce_max3A, %reduce_max3A_78 [1, 2] : vector<1x8x128xf32> to vector<1xf32>
      %reduce_max3A_80 = vector.shape_cast %reduce_max3A_79 : vector<1xf32> to vector<1x1x1xf32>
      %reduce_max3A_81 = vector.extract %reduce_max3A_80[0, 0, 0] : f32 from vector<1x1x1xf32>
      %eq3A_82 = vector.broadcast %reduce_max3A_81 : f32 to vector<8x128xf32>
      %eq3A_83 = arith.cmpf oeq, %scan3A_77, %eq3A_82 : vector<8x128xf32>
      %convert_element_type3A = arith.extui %eq3A_83 : vector<8x128xi1> to vector<8x128xi32>
      %reduce_sum3A_84 = vector.shape_cast %convert_element_type3A : vector<8x128xi32> to vector<1x8x128xi32>
      %reduce_sum3A_85 = arith.constant dense<0> : vector<1xi32>
      %reduce_sum3A_86 = vector.multi_reduction <add>, %reduce_sum3A_84, %reduce_sum3A_85 [1, 2] : vector<1x8x128xi32> to vector<1xi32>
      %reduce_sum3A_87 = vector.shape_cast %reduce_sum3A_86 : vector<1xi32> to vector<1x1x1xi32>
      %reduce_sum3A_88 = vector.extract %reduce_sum3A_87[0, 0, 0] : i32 from vector<1x1x1xi32>
      %sub3A_89 = arith.constant 25 : i32
      %sub3A_90 = arith.subi %sub3A_89, %scan3A_75 : i32
      %min3A = arith.minsi %reduce_sum3A_88, %sub3A_90 : i32
      %ge3A = vector.broadcast %scan3A_75 : i32 to vector<1x128xi32>
      %ge3A_91 = arith.cmpi sge, %iota3A, %ge3A : vector<1x128xi32>
      %add3A = arith.addi %scan3A_75, %min3A : i32
      %lt3A_92 = vector.broadcast %add3A : i32 to vector<1x128xi32>
      %lt3A_93 = arith.cmpi slt, %iota3A, %lt3A_92 : vector<1x128xi32>
      %and3A = arith.andi %ge3A_91, %lt3A_93 : vector<1x128xi1>
      %broadcast_in_dim3A_94 = vector.broadcast %reduce_max3A_81 : f32 to vector<1x128xf32>
      %select_n3A_95 = arith.select %and3A, %broadcast_in_dim3A_94, %scan3A_76 : vector<1x128xi1>, vector<1x128xf32>
      %jit3A_96 = arith.constant 0xFF800000 : f32
      %broadcast_in_dim3A_97 = vector.broadcast %jit3A_96 : f32 to vector<8x128xf32>
      %select_n3A_98 = arith.select %eq3A_83, %broadcast_in_dim3A_97, %scan3A_77 : vector<8x128xi1>, vector<8x128xf32>
      %add3A_99 = arith.addi %scan3A_75, %min3A : i32
      scf.yield %add3A_99, %select_n3A_95, %select_n3A_98 : i32, vector<1x128xf32>, vector<8x128xf32>
    }
    %logistic3A = arith.negf %scan3A_9#1 : vector<1x128xf32>
    %logistic3A_21 = math.exp %logistic3A : vector<1x128xf32>
    %logistic3A_22 = arith.constant 1.000000e+00 : f32
    %logistic3A_23 = vector.broadcast %logistic3A_22 : f32 to vector<1x128xf32>
    %logistic3A_24 = arith.addf %logistic3A_23, %logistic3A_21 : vector<1x128xf32>
    %logistic3A_25 = arith.divf %logistic3A_23, %logistic3A_24 : vector<1x128xf32>
    %sub3A = arith.constant 1.000000e+00 : f32
    %sub3A_26 = vector.broadcast %sub3A : f32 to vector<1x128xf32>
    %sub3A_27 = arith.subf %sub3A_26, %logistic3A_25 : vector<1x128xf32>
    %log3A = math.log %sub3A_27 : vector<1x128xf32>
    %max3A = arith.constant -1.000000e+02 : f32
    %max3A_28 = vector.broadcast %max3A : f32 to vector<1x128xf32>
    %max3A_29 = arith.maximumf %log3A, %max3A_28 : vector<1x128xf32>
    %jit3A = arith.constant 0.000000e+00 : f32
    %broadcast_in_dim3A_30 = vector.broadcast %jit3A : f32 to vector<1x128xf32>
    %select_n3A = arith.select %lt3A_1, %max3A_29, %broadcast_in_dim3A_30 : vector<1x128xi1>, vector<1x128xf32>
    %reduce_sum3A = vector.shape_cast %select_n3A : vector<1x128xf32> to vector<1x1x128xf32>
    %reduce_sum3A_31 = arith.constant dense<0.000000e+00> : vector<1xf32>
    %reduce_sum3A_32 = vector.multi_reduction <add>, %reduce_sum3A, %reduce_sum3A_31 [1, 2] : vector<1x1x128xf32> to vector<1xf32>
    %reduce_sum3A_33 = vector.shape_cast %reduce_sum3A_32 : vector<1xf32> to vector<1x1x1xf32>
    %reduce_sum3A_34 = vector.extract %reduce_sum3A_33[0, 0, 0] : f32 from vector<1x1x1xf32>
    %mul3A = arith.constant -5.000000e-01 : f32
    %mul3A_35 = arith.mulf %mul3A, %reduce_sum3A_34 : f32
    %div3A = arith.constant 2.500000e+01 : f32
    %div3A_36 = arith.divf %mul3A_35, %div3A : f32
    %neg3A = arith.constant 0.000000e+00 : f32
    %neg3A_37 = vector.broadcast %neg3A : f32 to vector<1x128xf32>
    %neg3A_38 = arith.subf %neg3A_37, %scan3A_20#1 : vector<1x128xf32>
    %logistic3A_39 = arith.negf %neg3A_38 : vector<1x128xf32>
    %logistic3A_40 = math.exp %logistic3A_39 : vector<1x128xf32>
    %logistic3A_41 = arith.constant 1.000000e+00 : f32
    %logistic3A_42 = vector.broadcast %logistic3A_41 : f32 to vector<1x128xf32>
    %logistic3A_43 = arith.addf %logistic3A_42, %logistic3A_40 : vector<1x128xf32>
    %logistic3A_44 = arith.divf %logistic3A_42, %logistic3A_43 : vector<1x128xf32>
    %log3A_45 = math.log %logistic3A_44 : vector<1x128xf32>
    %max3A_46 = arith.constant -1.000000e+02 : f32
    %max3A_47 = vector.broadcast %max3A_46 : f32 to vector<1x128xf32>
    %max3A_48 = arith.maximumf %log3A_45, %max3A_47 : vector<1x128xf32>
    %jit3A_49 = arith.constant 0.000000e+00 : f32
    %broadcast_in_dim3A_50 = vector.broadcast %jit3A_49 : f32 to vector<1x128xf32>
    %select_n3A_51 = arith.select %lt3A_1, %max3A_48, %broadcast_in_dim3A_50 : vector<1x128xi1>, vector<1x128xf32>
    %reduce_sum3A_52 = vector.shape_cast %select_n3A_51 : vector<1x128xf32> to vector<1x1x128xf32>
    %reduce_sum3A_53 = arith.constant dense<0.000000e+00> : vector<1xf32>
    %reduce_sum3A_54 = vector.multi_reduction <add>, %reduce_sum3A_52, %reduce_sum3A_53 [1, 2] : vector<1x1x128xf32> to vector<1xf32>
    %reduce_sum3A_55 = vector.shape_cast %reduce_sum3A_54 : vector<1xf32> to vector<1x1x1xf32>
    %reduce_sum3A_56 = vector.extract %reduce_sum3A_55[0, 0, 0] : f32 from vector<1x1x1xf32>
    %mul3A_57 = arith.constant -5.000000e-01 : f32
    %mul3A_58 = arith.mulf %mul3A_57, %reduce_sum3A_56 : f32
    %div3A_59 = arith.constant 2.500000e+01 : f32
    %div3A_60 = arith.divf %mul3A_58, %div3A_59 : f32
    %eq3A = arith.constant 0 : i32
    %eq3A_61 = vector.broadcast %eq3A : i32 to vector<1x128xi32>
    %eq3A_62 = arith.cmpi eq, %iota3A, %eq3A_61 : vector<1x128xi32>
    %eq3A_63 = arith.constant 1 : i32
    %eq3A_64 = vector.broadcast %eq3A_63 : i32 to vector<1x128xi32>
    %eq3A_65 = arith.cmpi eq, %iota3A, %eq3A_64 : vector<1x128xi32>
    %jit3A_66 = arith.constant 0.000000e+00 : f32
    %broadcast_in_dim3A_67 = vector.broadcast %div3A_36 : f32 to vector<1x128xf32>
    %broadcast_in_dim3A_68 = vector.broadcast %jit3A_66 : f32 to vector<1x128xf32>
    %select_n3A_69 = arith.select %eq3A_65, %broadcast_in_dim3A_67, %broadcast_in_dim3A_68 : vector<1x128xi1>, vector<1x128xf32>
    %broadcast_in_dim3A_70 = vector.broadcast %div3A_60 : f32 to vector<1x128xf32>
    %select_n3A_71 = arith.select %eq3A_62, %broadcast_in_dim3A_70, %select_n3A_69 : vector<1x128xi1>, vector<1x128xf32>
    %swap3A = arith.constant 0 : index
    %swap3A_72 = arith.constant 0 : index
    %swap3A_73 = vector.load %arg2[%swap3A, %swap3A_72] : memref<1x128xf32, #tpu.memory_space<vmem>>, vector<1x128xf32>
    tpu.vector_store %arg2[%swap3A, %swap3A_72], %select_n3A_71 {strides = array<i32>} : memref<1x128xf32, #tpu.memory_space<vmem>>, vector<1x128xf32>,
    return
  }
}

</mosaic_0001>

<sc_bundles>
// kernel: branch_1_fun.4.cloned.1.call-start
scs
__scs_entry_jumppad:
0x0: {  	(pc) =	sbr.rel $0x88, $3  }
0x1: {  	(tag) =	ssettag $0x0;
	lr =	simm.s32 $0x1  }
0x2: {  	[smem:$0x3F9E] =	sst lr;
	_ =	strace $0xD0000000  }
0x3: {  	_ = 	snop  }
0x4: {  	_ = 	snop  }
0x5: {  	_ = 	snop  }
0x6: {  	_ = 	snop  }
0x7: {  	_ = 	snop  }
__scs_overlays_trampoline_lowered:
0x8: {  	[smem:$0x3FAD] =	sst s0  }
0x9: {  	[smem:$0x3FAE] =	sst s1  }
0xa: {  	[smem:$0x3FAF] =	sst s2  }
0xb: {  	[smem:$0x3FB0] =	sst s3  }
0xc: {  	[smem:$0x3FB1] =	sst s4  }
0xd: {  	[smem:$0x3FB2] =	sst s5  }
0xe: {  	[smem:$0x3FB3] =	sst s6  }
0xf: {  	[smem:$0x3FB4] =	sst s7  }
0x10: {  	[smem:$0x3FB5] =	sst s8  }
0x11: {  	[smem:$0x3FB6] =	sst s9;
	s0 =	simm.s32 @!p0 $0x0  }
0x12: {  	s1 =	sld [smem:$0x3F9C];
	s0 =	simm.s32 @p0 $0x1  }
0x13: {  	[smem:$0x3FB7] =	sst s0;
	s0 =	simm.s32 @!p1 $0x0  }
0x14: {  	s2 =	sld [smem:$0x3F9B];
	s0 =	simm.s32 @p1 $0x1  }
0x15: {  	[smem:$0x3FB8] =	sst s0;
	s0 =	simm.s32 @!p2 $0x0  }
0x16: {  	s3 =	sld [smem:$0x3FDB];
	s0 =	simm.s32 @p2 $0x1  }
0x17: {  	s4 =	simm.s32 $0x1BF5;
	[smem:$0x3FBA] =	sst s0  }
0x18: {  	s0 =	sld [smem:$0x3F9D];
	_ =	swait.ge [sflag:s4], $0x0  }
0x19: {  	s7 =	sld [smem:$0x3F9E]  }
0x1a: {  	s8 =	sadd.s32 $0xFFFFE003, lr  }
0x1b: {  	s9 =	sadd.s32 $0xFFFFFEF7, lr;
	s5 =	simm.s32 $0xFFFFFFFF;
	p2 =	slt.u32 s8, $0xFFFFF086  }
0x1c: {  	p1 =	slt.u32 s9, $0xF7A;
	s5 =	simm.s32 @!p2 $0x0  }
0x1d: {  	s5 =	simm.s32 @p1 $0x1;
	p0 =	seq.s32 s7, s2  }
0x1e: {  	s7 =	smul.u32 @!p0 $0xF7A, s2;
	p2 =	seq.s32 @!p0 s5, $0x0  }
0x1f: {  	s9 =	smul.u32 $0xF7A, s1;
	s8 =	simm.s32 @!p0 $0x1BF5;
	p2 =	por !p2, p0  }
0x20: {  	[sflag:s8] =	ssyncset.s32 @!p0 $0xFFFFF086;
	s6 =	sadd.s32 @!p0 s3, s7;
	s7 =	simm.s32 @!p0 $0x108  }
0x21: {  	s3 =	sadd.s32 s3, s9;
	s6 =	sadd.s32 @!p0 $0x88, s6;
	s7 =	simm.s32 @p2 $0x1082  }
0x22: {  	[simem:s7], [sflag:s8] =	dma.local @!p0 [hbm:s6], $0xF7A  }
0x23: {  	s9 =	sor.u32 $0xD0000000, s2;
	s6 =	simm.s32 $0x108;
	_ =	swait.ge @!p0 [sflag:s8], $0x0  }
0x24: {  	s3 =	sadd.s32 $0x88, s3;
	s6 =	simm.s32 @!p1 $0x1082;
	[sflag:s4] =	ssyncset.s32 $0xFFFFF086  }
0x25: {  	[simem:s6], [sflag:s4] =	dma.local [hbm:s3], $0xF7A  }
0x26: {  	[smem:$0x3F9E] =	sst s1;
	(tag) =	ssettag s2;
	_ =	strace s9  }
0x27: {  	s1 =	sld [smem:$0x3FAE]  }
0x28: {  	s2 =	sld [smem:$0x3FAF]  }
0x29: {  	s4 =	sld [smem:$0x3FB1]  }
0x2a: {  	p0 =	seq.s32 s5, $0x0;
	s5 =	sld [smem:$0x3FB2]  }
0x2b: {  	s6 =	sld [smem:$0x3FB3]  }
0x2c: {  	s7 =	sld [smem:$0x3FB4]  }
0x2d: {  	s3 =	simm.s32 $0x108;
	s8 =	sld [smem:$0x3FB5]  }
0x2e: {  	s3 =	simm.s32 @!p0 $0x1082;
	s9 =	sld [smem:$0x3FB6]  }
0x2f: {  	lr =	sadd.s32 s0, s3;
	s0 =	sld [smem:$0x3FAD]  }
0x30: {  	s3 =	sld [smem:$0x3FB0]  }
0x31: {  	[smem:$0x3FB9] =	sst s10  }
0x32: {  	s10 =	sld [smem:$0x3FB7];
	_ =	sdelay $0x3  }
0x33: {  	p0 =	seq.s32 s10, $0x1;
	s10 =	sld [smem:$0x3FB9];
	_ =	sdelay $0x3  }
0x34: {  	[smem:$0x3FB9] =	sst s10  }
0x35: {  	s10 =	sld [smem:$0x3FB8];
	_ =	sdelay $0x3  }
0x36: {  	p1 =	seq.s32 s10, $0x1;
	s10 =	sld [smem:$0x3FB9];
	_ =	sdelay $0x3  }
0x37: {  	[smem:$0x3FB9] =	sst s10  }
0x38: {  	s10 =	sld [smem:$0x3FBA]  }
0x39: {  	_ = 	snop;
	(pc) =	sbr.ind lr, $3  }
0x3a: {  	_ = 	snop  }
0x3b: {  	_ = 	snop  }
0x3c: {  	p2 =	seq.s32 s10, $0x1;
	s10 =	sld [smem:$0x3FB9]  }
0x3d: {  	_ =	shalt  }
0x3e: {  	_ =	shalt  }
0x3f: {  	_ =	shalt  }
0x40: {  	_ =	shalt  }
0x41: {  	_ =	shalt  }
0x42: {  	_ =	shalt  }
0x43: {  	_ =	shalt  }
0x44: {  	_ =	shalt  }
0x45: {  	_ =	shalt  }
0x46: {  	_ =	shalt  }
0x47: {  	_ =	shalt  }
0x48: {  	_ =	shalt  }
0x49: {  	_ =	shalt  }
0x4a: {  	_ =	shalt  }
0x4b: {  	_ =	shalt  }
0x4c: {  	_ =	shalt  }
0x4d: {  	_ =	shalt  }
0x4e: {  	_ =	shalt  }
0x4f: {  	_ =	shalt  }
0x50: {  	_ =	shalt  }
0x51: {  	_ =	shalt  }
0x52: {  	_ =	shalt  }
0x53: {  	_ =	shalt  }
0x54: {  	_ =	shalt  }
0x55: {  	_ =	shalt  }
0x56: {  	_ =	shalt  }
0x57: {  	_ =	shalt  }
0x58: {  	_ =	shalt  }
0x59: {  	_ =	shalt  }
0x5a: {  	_ =	shalt  }
0x5b: {  	_ =	shalt  }
0x5c: {  	_ =	shalt  }
0x5d: {  	_ =	shalt  }
0x5e: {  	_ =	shalt  }
0x5f: {  	_ =	shalt  }
0x60: {  	_ =	shalt  }
0x61: {  	_ =	shalt  }
0x62: {  	_ =	shalt  }
0x63: {  	_ =	shalt  }
0x64: {  	_ =	shalt  }
0x65: {  	_ =	shalt  }
0x66: {  	_ =	shalt  }
0x67: {  	_ =	shalt  }
0x68: {  	_ =	shalt  }
0x69: {  	_ =	shalt  }
0x6a: {  	_ =	shalt  }
0x6b: {  	_ =	shalt  }
0x6c: {  	_ =	shalt  }
0x6d: {  	_ =	shalt  }
0x6e: {  	_ =	shalt  }
0x6f: {  	_ =	shalt  }
0x70: {  	_ =	shalt  }
0x71: {  	_ =	shalt  }
0x72: {  	_ =	shalt  }
0x73: {  	_ =	shalt  }
0x74: {  	_ =	shalt  }
0x75: {  	_ =	shalt  }
0x76: {  	_ =	shalt  }
0x77: {  	_ =	shalt  }
0x78: {  	_ =	shalt  }
0x79: {  	_ =	shalt  }
0x7a: {  	_ =	shalt  }
0x7b: {  	_ =	shalt  }
0x7c: {  	_ =	shalt  }
0x7d: {  	_ =	shalt  }
0x7e: {  	_ =	shalt  }
0x7f: {  	_ =	shalt  }
0x80: {  	_ =	shalt  }
0x81: {  	_ =	shalt  }
0x82: {  	_ =	shalt  }
0x83: {  	_ =	shalt  }
0x84: {  	_ =	shalt  }
0x85: {  	_ =	shalt  }
0x86: {  	_ =	shalt  }
0x87: {  	_ =	shalt  }
.Lfunc_end0:
.L_simem_size_0:
called_computation_lowered:
.L_overlay_start_0:
0x88: {  	s2 =	sld [smem:$0x3FD9]  }
0x89: {  	s3 =	sld [smem:$0x3FFE];
	_ =	sdelay $0x1  }
0x8a: {  	s1 =	srdreg.scid  }
0x8b: {  	s0 =	sand.u32 $0x1, s1  }
0x8c: {  	s17 =	sshll.u32 s0, $0xA;
	s2 =	sadd.s32 s3, s2  }
0x8d: {  	s2 =	sadd.s32 s2, s17  }
0x8e: {  	[smem:$0x3FC5] =	sst s2  }
0x8f: {  	_ = 	snop  }
0x90: {  	s2 =	sld [smem:$0x3FC9]  }
0x91: {  	s18 =	sld [smem:$0x3FC8];
	(tm) =	ssettm $0x1  }
0x92: {  	s4 =	sld [smem:$0x3FFB];
	_ =	sdelay $0x3  }
0x93: {  	_ =	strace s4  }
0x94: {  	s4 =	sld [smem:$0x3FFC];
	_ =	sdelay $0x3  }
0x95: {  	_ =	strace s4  }
0x96: {  	s4 =	sld [smem:$0x3FFD];
	_ =	sdelay $0x3  }
0x97: {  	_ =	strace s4  }
0x98: {  	_ =	strace $0x8FFFFFFF  }
0x99: {  	s19 =	sld [smem:$0x3FDB];
	_ =	sdelay $0x1  }
0x9a: {  	s5 =	simm.s32 $_scs_section_size  }
0x9b: {  	s6 =	simm.s32 $_size__tile_overlayer_lowered;
	s7 =	simm.s32 $_tile_overlayer_lowered  }
0x9c: {  	s22 =	simm.s32 $0x1BFF;
	s21 =	sshll.u32 s7, $0x1;
	s4 =	sadd.s32 s5, s19  }
0x9d: {  	s8 =	simm.s32 $0x0;
	s20 =	sshll.u32 s6, $0x1;
	s6 =	sadd.s32 s21, s4  }
0x9e: {  	[timem:s8], [sflag:s22] =	dma.local [hbm:s6], s20  }
0x9f: {  	_ =	swait.ge [sflag:s22], s20  }
0xa0: {  	s5 =	ssub.s32 $0x0, s20;
	[sflag:s22] =	ssyncset.done $0x0  }
0xa1: {  	[sflag:s22] =	ssyncadd.s32 s5;
	_ =	sdelay $0x1  }
0xa2: {  	s23 =	simm.s32 $0x1B8B  }
0xa3: {  	_ =	swait.ge [sflag:s23], $0x1  }
0xa4: {  	[sflag:s23] =	ssyncset.done $0x0  }
0xa5: {  	s25 =	simm.s32 $0x1B8E;
	s24 =	sld [smem:$0x3FFE];
	[sflag:s23] =	ssyncadd.s32 $0xFFFFFFFF  }
0xa6: {  	s26 =	simm.s32 $execute0_lowered;
	[smem:$0x3FD2] =	sst s25  }
0xa7: {  	s6 =	sshll.u32 s26, $0x1;
	_ =	strace $0x80000046;
	[dreg:$0x1] =	wrdreg $0xFFFFFFFF  }
0xa8: {  	s28 =	simm.s32 $_size_execute0_lowered;
	s4 =	sadd.s32 s4, s6;
	[dreg:$0x0] =	wrdreg $0x0  }
0xa9: {  	s6 =	sshll.u32 s28, $0x1;
	[dreg:$0x2] =	wrdreg s4  }
0xaa: {  	[dreg:$0x3] =	wrdreg s6  }
0xab: {  	[dreg:$0x4] =	wrdreg $0xC0  }
0xac: {  	_ =	task [dreg:s8], $0x5FFFF  }
0xad: {  	[dreg:$0x1] =	wrdreg $0xFFFFFFFF  }
0xae: {  	[dreg:$0x0] =	wrdreg $0x60  }
0xaf: {  	[dreg:$0x2] =	wrdreg s2  }
0xb0: {  	[dreg:$0x3] =	wrdreg s18  }
0xb1: {  	[dreg:$0x4] =	wrdreg s24  }
0xb2: {  	[dreg:$0x5] =	wrdreg $0x9  }
0xb3: {  	_ =	task.clear_ibuf [dreg:s8], $0x6FFFF;
	_ =	strace $0x90000046  }
0xb4: {  	s29 =	simm.s32 $0x9;
	_ =	strace $0x80000048  }
0xb5: {  	_ =	swait.ge [sflag:s29], $0x1  }
0xb6: {  	[sflag:s29] =	ssyncadd.s32 $0xFFFFFFFF  }
0xb7: {  	_ =	strace $0x90000048  }
0xb8: {  	_ =	sfence  }
0xb9: {  	s30 =	sld [smem:$0x0];
	_ =	sdelay $0x2  }
0xba: {  	s31 =	sshll.u32 s1, $0xD;
	s1 =	sshrl.u32 s1, $0x2  }
0xbb: {  	s3 =	sand.u32 $0x4000, s31;
	s1 =	sadd.s32 s1, s30  }
0xbc: {  	s0 =	sor.u32 s3, s0;
	s1 =	sshll.u32 s1, $0x11  }
0xbd: {  	s0 =	sor.u32 s1, s0  }
0xbe: {  	s0 =	sadd.s32 $0x8F2B, s0  }
0xbf: {  	[sflag:s0] =	ssyncadd.remote.s32 $0x1  }
0xc0: {  	_ =	sfence.sel $0xFFFF  }
0xc1: {  	[dreg:$0x0] =	wrdreg $0xFFFFFFFF;
	(pc) =	sbr.abs _section_cstart, $3  }
0xc2: {  	[dreg:$0x1] =	wrdreg $0xFFFFFFFF  }
0xc3: {  	_ =	task.clear_ibuf [dreg:s8], $0x2FFFF;
	_ =	strace $0x9FFFFFFF  }
0xc4: {  	(tm) =	ssettm $0x7FFFFFFF  }
0xc5: {  	_ =	shalt  }
tec
execute0_lowered:
.L_overlay_start_1:
0x0: {  	(tag) =	ssettag $0x1  }
0x1: {  	s1 =	rddreg [dreg:$0x0]  }
0x2: {  	s3 =	rddreg [dreg:$0x1]  }
0x3: {  	s5 =	rddreg [dreg:$0x2]  }
0x4: {  	s6 =	srdreg.scid;
	s0 =	stileid.u32  }
0x5: {  	s4 =	simm.s32 $0x0;
	s13 =	simm.s32 $0x80;
	s14 =	simm.s32 $0x400  }
0x6: {  	s16 =	simm.s32 $0x4000;
	s17 =	simm.s32 $0x6000;
	[smem:$0x7FF] =	sst s4  }
0x7: {  	v0 =	vimm.f32 $-Inf;
	s18 =	simm.s32 $0x1;
	s19 =	simm.s32 $0x2;
	_ =	strace $0x80000047  }
0x8: {  	s21 =	simm.s32 $0x3;
	s22 =	simm.s32 $0xA180;
	s23 =	simm.s32 $0x0;
	(xrf0) =	vmax.scan.msk.f32 $0xffff, v0  }
0x9: {  	s6 =	sand.u32 $0x1, s6;
	s7 =	sshll.u32 s0, $0x1;
	s10 =	sshll.u32 s0, $0xF  }
0xa: {  	s7 =	sor.u32 s6, s7;
	s9 =	ssub.s32 $0x2, s6;
	s6 =	sshll.u32 s6, $0x6  }
.Ltmp0:
0xb: {  	s8 =	sshll.u32 s7, $0x2;
	s29 =	sshrl.u32 s9, $0x1;
	(pc) =	sbr.rel .LBB2_1-.Ltmp0, $4  }
0xc: {  	s30 =	sor.u32 s6, s10;
	s11 =	sadd.s32 s8, s5;
	s12 =	ssub.s32 s9, s29  }
0xd: {  	s5 =	sshll.u32 s7, $0x4;
	s31 =	sor.u32 $0x2000, s30;
	s6 =	sadd.s32 s1, s30  }
0xe: {  	s7 =	sadd.s32 s3, s30;
	s8 =	sadd.s32 s1, s31;
	s9 =	sadd.s32 s3, s31;
	v1, _, _ =	vpop (xrf0)  }
0xf: {  	v2 =	vimm.s32 $0x0;
	v3 =	vlaneseq.u32;
	s10 =	sadd.s32 $0x200, s11;
	s11 =	sadd.s32 $0x400, s11;
	s12 =	smax.u32 s12, $0x1;
	v1 =	vbroadcast v1, $0xF  }
.LBB2_42:
0x10: {  	[tilespmem:$0xA180] =	vst v8  }
0x11: {  	[tilespmem:$0xA190] =	vst v7;
	s0 =	simm.s32 $0xA100  }
0x12: {  	[hbm4b:s10+s4] =	stream.linear.scatter [tilespmem:s0], [sflag:$0x3], $0x20, $0x38;
	[tilespmem:$0xA200] =	vst v63  }
0x13: {  	s23 =	sadd.s32 $0x1, s23;
	_ =	swait.ge [sflag:s21], $0x20  }
0x14: {  	p0 =	sne.s32 s23, s12;
	[sflag:s21] =	ssyncset.done $0x0  }
.Ltmp1:
0x15: {  	[sflag:s21] =	ssyncadd.s32 $0xFFFFFFE0;
	(pc) =	sbr.rel @!p0 .LBB2_43-.Ltmp1, $4  }
0x16: {  	[hbm4b:s11+s4] =	stream.linear.scatter [tilespmem:s22], [sflag:$0x3], $0x20, $0x38;
	[tilespmem:$0xA200] =	vst v63  }
0x17: {  	_ =	swait.ge [sflag:s21], $0x20  }
0x18: {  	[sflag:s21] =	ssyncset.done $0x0  }
0x19: {  	[sflag:s21] =	ssyncadd.s32 $0xFFFFFFE0  }
.LBB2_1:
0x1a: {  	s24 =	simm.s32 $0x40;
	s25 =	simm.s32 $0x0  }
.LBB2_2:
0x1b: {  	p0 =	sne.s32 s24, $0x3FC0;
	[tilespmem:s25+$0x8000] =	vst v0;
	s26 =	smov.u32 s24;
	s24 =	sadd.s32 $0x40, s24  }
.Ltmp2:
0x1c: {  	[tilespmem:s25+$0x9000] =	vst v0;
	(pc) =	sbr.rel @p0 .LBB2_2-.Ltmp2, $2  }
0x1d: {  	_ =	sdelay $0x2  }
0x1e: {  	s25 =	sshra.s32 s26, $0x2  }
0x1f: {  	[tilespmem:s25+$0x8000] =	vst v0  }
0x20: {  	[tilespmem:s25+$0x9000] =	vst v0  }
0x21: {  	[tilespmem:$0xA000] =	vst v0  }
0x22: {  	[tilespmem:$0xA010] =	vst v0  }
0x23: {  	[tilespmem:$0xA020] =	vst v0  }
0x24: {  	[tilespmem:$0xA030] =	vst v0  }
0x25: {  	[tilespmem:$0xA080] =	vst v2  }
0x26: {  	s24 =	simm.s32 $0x0;
	[tilespmem:$0xA090] =	vst v2  }
0x27: {  	[tilespmem:s24], [sflag:$0x1] =	stream.strided.gather [hbm4b:s6+s13], $0x2000, s14, s13, $0x38;
	[tilespmem:$0xA200] =	vst v63  }
0x28: {  	s0 =	simm.s32 $0x2000  }
0x29: {  	[tilespmem:s0], [sflag:$0x1] =	stream.strided.gather [hbm4b:s7+s13], $0x2000, s14, s13, $0x38;
	[tilespmem:$0xA200] =	vst v63  }
0x2a: {  	_ = 	snop  }
0x2b: {  	[tilespmem:s16], [sflag:$0x2] =	stream.strided.gather [hbm4b:s8+s13], $0x2000, s14, s13, $0x38;
	[tilespmem:$0xA200] =	vst v63  }
0x2c: {  	_ = 	snop  }
0x2d: {  	[tilespmem:s17], [sflag:$0x2] =	stream.strided.gather [hbm4b:s9+s13], $0x2000, s14, s13, $0x38;
	[tilespmem:$0xA200] =	vst v63  }
.LBB2_4:
0x2e: {  	_ =	swait.ge [sflag:s18], $0x2000  }
.Ltmp3:
0x2f: {  	[sflag:s18] =	ssyncset.done $0x0;
	(pc) =	sbr.rel .LBB2_5-.Ltmp3, $4  }
0x30: {  	[sflag:s18] =	ssyncadd.s32 $0xFFFFE000  }
0x31: {  	_ =	swait.ge [sflag:s18], $0x2000  }
0x32: {  	s25 =	simm.s32 $0x40;
	[sflag:s18] =	ssyncset.done $0x0  }
0x33: {  	s26 =	simm.s32 $0x2070;
	s28 =	simm.s32 $0x0;
	[sflag:s18] =	ssyncadd.s32 $0xFFFFE000  }
.LBB2_9:
0x34: {  	s28 =	sadd.s32 $0x1, s28  }
0x35: {  	p0 =	sne.s32 s28, $0x10  }
.Ltmp4:
0x36: {  	_ = 	snop;
	(pc) =	sbr.rel @!p0 .LBB2_10-.Ltmp4, $2  }
0x37: {  	_ =	sdelay $0x2  }
0x38: {  	s25 =	sadd.s32 $0x200, s25;
	s26 =	sadd.s32 $0x200, s26  }
.LBB2_5:
0x39: {  	v6 =	vld [tilespmem:$0xA030];
	_ =	sdelay $0x4  }
0x3a: {  	(v2sf) =	vpush v6, $0x0;
	_ =	sdelay $0xd  }
.Ltmp5:
0x3b: {  	_ = 	snop;
	(pc) =	sbr.rel .LBB2_6-.Ltmp5, $4  }
0x3c: {  	s29 =	spop (v2sf)  }
0x3d: {  	s29 =	ssub.f32 $0.0e+00, s29  }
0x3e: {  	v7 =	vmov s25  }
0x3f: {  	v5 =	vld.msk [tilespmem:$0xA010 ss:$0x0], $0xffff;
	v8 =	vmov s26;
	v6 =	vbroadcast v6, $0x0;
	v4 =	vmov s29;
	s29 =	simm.s32 $0x0  }
.LBB2_8:
0x40: {  	s29 =	sadd.s32 $0x200, s29  }
0x41: {  	p0 =	sne.s32 s29, $0x800  }
.Ltmp6:
0x42: {  	_ = 	snop;
	(pc) =	sbr.rel @!p0 .LBB2_9-.Ltmp6, $1  }
0x43: {  	_ =	sdelay $0x3  }
.LBB2_6:
0x44: {  	_ =	sdelay $0x2  }
0x45: {  	s30 =	sshra.s32 s29, $0x2  }
0x46: {  	v10 =	vld.idx.msk [tilespmem:v7+s30+$0xFFFFFFC0 ss:$0x1], $0xffff  }
0x47: {  	v13 =	vld.idx.msk [tilespmem:v7+s30+$0xFFFFFFD0 ss:$0x1], $0xffff  }
0x48: {  	v16 =	vld.idx.msk [tilespmem:v7+s30+$0xFFFFFFE0 ss:$0x1], $0xffff  }
0x49: {  	v19 =	vld.idx.msk [tilespmem:v7+s30+$0xFFFFFFF0 ss:$0x1], $0xffff  }
0x4a: {  	v17 =	vld.idx.msk [tilespmem:v7+s30+$0x0 ss:$0x1], $0xffff  }
0x4b: {  	v11 =	vld.idx.msk [tilespmem:v7+s30+$0x20 ss:$0x1], $0xffff  }
0x4c: {  	v9 =	vld.idx.msk [tilespmem:v7+s30+$0x30 ss:$0x1], $0xffff  }
0x4d: {  	v14 =	vld.idx.msk [tilespmem:v7+s30+$0x10 ss:$0x1], $0xffff;
	_ =	sdelay $0x3  }
0x4e: {  	v12 =	vmax.f32 v10, v13;
	v15 =	vmax.f32 v16, v19;
	v18 =	vmax.f32 v11, v9  }
0x4f: {  	v20 =	vmin.f32 v10, v13;
	v21 =	vmin.f32 v16, v19;
	v22 =	vmin.f32 v17, v14  }
0x50: {  	v23 =	vmin.f32 v11, v9;
	v12 =	vmax.f32 v12, v15;
	v15 =	vmax.f32 v17, v14  }
0x51: {  	v15 =	vmax.f32 v15, v18;
	v18 =	vmin.f32 v20, v21;
	v20 =	vmin.f32 v22, v23  }
0x52: {  	v12 =	vmax.f32 v12, v15;
	v15 =	vmin.f32 v18, v20  }
0x53: {  	vm0 =	vgt.f32 v12, v5;
	vm1 =	vlt.f32 v15, v4  }
0x54: {  	vm0 =	vmor vm0, vm1  }
0x55: {  	v12 =	vmpcnt.ones.xlane vm0;
	_ =	sdelay $0x1  }
0x56: {  	(v2sf) =	vpush v12, $0x0;
	_ =	sdelay $0xe  }
0x57: {  	s31 =	spop (v2sf)  }
0x58: {  	p0 =	slt.s32 s31, $0x1  }
.Ltmp7:
0x59: {  	_ = 	snop;
	(pc) =	sbr.rel @p0 .LBB2_8-.Ltmp7, $1  }
0x5a: {  	_ =	sdelay $0x3  }
0x5b: {  	_ =	sdelay $0x3  }
0x5c: {  	v12 =	vld.idx.msk [tilespmem:v8+s30+$0xFFFFFF90 ss:$0x1], $0xffff  }
0x5d: {  	v15 =	vld [tilespmem:$0xA080]  }
0x5e: {  	v18 =	vld [tilespmem:$0xA090];
	_ =	sdelay $0x2  }
0x5f: {  	v54 =	vsub.f32 $0.0e+00, v10;
	vm0 =	vlt.f32 v12, $5.000000000e-01  }
0x60: {  	(v2sf) =	vpush v15, $0x0;
	v10 =	vnsel vm0, $0xFF800000, v10  }
0x61: {  	(v2sf) =	vpush v18, $0x0;
	v55 =	vsel vm0, $0xFF800000, v54;
	vm6 =	vgt.f32 v10, v5  }
0x62: {  	vm1 =	vgt.f32 v55, v6;
	v12 =	vnsel vm6, $0xFF800000, v10  }
0x63: {  	v10 =	vnsel vm1, $0xFF800000, v55;
	(xrf1) =	vsort.dscd.msk.f32 $0xffff, v12, v12  }
0x64: {  	(xrf1) =	vsort.dscd.msk.f32 $0xffff, v10, v10;
	_ =	sdelay $0xa  }
0x65: {  	s2 =	spop (v2sf)  }
0x66: {  	s15 =	spop (v2sf);
	p0 =	slt.s32 s2, $0xFF0;
	s31 =	smov.u32 s2  }
0x67: {  	s31 =	simm.s32 @!p0 $0xFF0;
	p0 =	slt.s32 s15, $0xFF0;
	s0 =	smov.u32 s15;
	v56, _, _ =	vpop (xrf1)  }
0x68: {  	s0 =	simm.s32 @!p0 $0xFF0;
	v57, _, _ =	vpop (xrf1);
	[tilespmem:s31+$0x8000] =	vst v56  }
0x69: {  	[tilespmem:s0+$0x9000] =	vst v57  }
0x6a: {  	v15 =	vld.idx.msk [tilespmem:v8+s30+$0xFFFFFFA0 ss:$0x1], $0xffff;
	_ =	sdelay $0x2  }
0x6b: {  	v58 =	vmpcnt.ones.xlane vm6  }
0x6c: {  	v20 =	vmpcnt.ones.xlane vm1  }
0x6d: {  	v59 =	vsub.f32 $0.0e+00, v13;
	(v2sf) =	vpush v58, $0x0;
	vm7 =	vlt.f32 v15, $5.000000000e-01  }
0x6e: {  	(v2sf) =	vpush v20, $0x0;
	v60 =	vnsel vm7, $0xFF800000, v13  }
0x6f: {  	v61 =	vsel vm7, $0xFF800000, v59;
	vm8 =	vgt.f32 v60, v5  }
0x70: {  	vm9 =	vgt.f32 v61, v6;
	v62 =	vnsel vm8, $0xFF800000, v60  }
0x71: {  	v63 =	vnsel vm9, $0xFF800000, v61;
	(xrf1) =	vsort.dscd.msk.f32 $0xffff, v62, v62  }
0x72: {  	(xrf1) =	vsort.dscd.msk.f32 $0xffff, v63, v63;
	_ =	sdelay $0x9  }
0x73: {  	s31 =	spop (v2sf)  }
0x74: {  	s0 =	sadd.s32 s2, s31;
	s20 =	spop (v2sf)  }
0x75: {  	s2 =	sadd.s32 s15, s20;
	p0 =	slt.s32 s0, $0xFF0;
	s15 =	smov.u32 s0  }
0x76: {  	s15 =	simm.s32 @!p0 $0xFF0;
	p0 =	slt.s32 s2, $0xFF0;
	s31 =	smov.u32 s2;
	v27, _, _ =	vpop (xrf1)  }
0x77: {  	s31 =	simm.s32 @!p0 $0xFF0;
	v28, _, _ =	vpop (xrf1);
	[tilespmem:s15+$0x8000] =	vst v27  }
0x78: {  	[tilespmem:s31+$0x9000] =	vst v28  }
0x79: {  	v18 =	vld.idx.msk [tilespmem:v8+s30+$0xFFFFFFB0 ss:$0x1], $0xffff;
	_ =	sdelay $0x2  }
0x7a: {  	v29 =	vmpcnt.ones.xlane vm8  }
0x7b: {  	v21 =	vmpcnt.ones.xlane vm9  }
0x7c: {  	v30 =	vsub.f32 $0.0e+00, v16;
	(v2sf) =	vpush v29, $0x0;
	vm10 =	vlt.f32 v18, $5.000000000e-01  }
0x7d: {  	(v2sf) =	vpush v21, $0x0;
	v31 =	vnsel vm10, $0xFF800000, v16  }
0x7e: {  	v32 =	vsel vm10, $0xFF800000, v30;
	vm11 =	vgt.f32 v31, v5  }
0x7f: {  	vm12 =	vgt.f32 v32, v6;
	v33 =	vnsel vm11, $0xFF800000, v31  }
0x80: {  	v34 =	vnsel vm12, $0xFF800000, v32;
	(xrf1) =	vsort.dscd.msk.f32 $0xffff, v33, v33  }
0x81: {  	(xrf1) =	vsort.dscd.msk.f32 $0xffff, v34, v34;
	_ =	sdelay $0x9  }
0x82: {  	s31 =	spop (v2sf)  }
0x83: {  	s0 =	sadd.s32 s0, s31;
	s20 =	spop (v2sf)  }
0x84: {  	s2 =	sadd.s32 s2, s20;
	p0 =	slt.s32 s0, $0xFF0;
	s15 =	smov.u32 s0  }
0x85: {  	s15 =	simm.s32 @!p0 $0xFF0;
	p0 =	slt.s32 s2, $0xFF0;
	s31 =	smov.u32 s2;
	v35, _, _ =	vpop (xrf1)  }
0x86: {  	s31 =	simm.s32 @!p0 $0xFF0;
	v36, _, _ =	vpop (xrf1);
	[tilespmem:s15+$0x8000] =	vst v35  }
0x87: {  	[tilespmem:s31+$0x9000] =	vst v36  }
0x88: {  	v20 =	vld.idx.msk [tilespmem:v8+s30+$0xFFFFFFC0 ss:$0x1], $0xffff;
	_ =	sdelay $0x2  }
0x89: {  	v37 =	vmpcnt.ones.xlane vm11  }
0x8a: {  	v22 =	vmpcnt.ones.xlane vm12  }
0x8b: {  	v38 =	vsub.f32 $0.0e+00, v19;
	(v2sf) =	vpush v37, $0x0;
	vm13 =	vlt.f32 v20, $5.000000000e-01  }
0x8c: {  	(v2sf) =	vpush v22, $0x0;
	v39 =	vnsel vm13, $0xFF800000, v19  }
0x8d: {  	v20 =	vsel vm13, $0xFF800000, v38;
	vm14 =	vgt.f32 v39, v5  }
0x8e: {  	vm15 =	vgt.f32 v20, v6;
	v40 =	vnsel vm14, $0xFF800000, v39  }
0x8f: {  	v41 =	vnsel vm15, $0xFF800000, v20;
	(xrf1) =	vsort.dscd.msk.f32 $0xffff, v40, v40  }
0x90: {  	(xrf1) =	vsort.dscd.msk.f32 $0xffff, v41, v41;
	_ =	sdelay $0x9  }
0x91: {  	s31 =	spop (v2sf)  }
0x92: {  	s0 =	sadd.s32 s0, s31;
	s20 =	spop (v2sf)  }
0x93: {  	s2 =	sadd.s32 s2, s20;
	p0 =	slt.s32 s0, $0xFF0;
	s15 =	smov.u32 s0  }
0x94: {  	s15 =	simm.s32 @!p0 $0xFF0;
	p0 =	slt.s32 s2, $0xFF0;
	s31 =	smov.u32 s2;
	v42, _, _ =	vpop (xrf1)  }
0x95: {  	s31 =	simm.s32 @!p0 $0xFF0;
	v43, _, _ =	vpop (xrf1);
	[tilespmem:s15+$0x8000] =	vst v42  }
0x96: {  	[tilespmem:s31+$0x9000] =	vst v43  }
0x97: {  	v20 =	vld.idx.msk [tilespmem:v8+s30+$0xFFFFFFD0 ss:$0x1], $0xffff;
	_ =	sdelay $0x2  }
0x98: {  	v44 =	vmpcnt.ones.xlane vm14  }
0x99: {  	v23 =	vmpcnt.ones.xlane vm15  }
0x9a: {  	v45 =	vsub.f32 $0.0e+00, v17;
	(v2sf) =	vpush v44, $0x0;
	vm4 =	vlt.f32 v20, $5.000000000e-01  }
0x9b: {  	(v2sf) =	vpush v23, $0x0;
	v46 =	vnsel vm4, $0xFF800000, v17  }
0x9c: {  	v20 =	vsel vm4, $0xFF800000, v45;
	vm5 =	vgt.f32 v46, v5  }
0x9d: {  	vm6 =	vgt.f32 v20, v6;
	v17 =	vnsel vm5, $0xFF800000, v46  }
0x9e: {  	v20 =	vnsel vm6, $0xFF800000, v20;
	(xrf1) =	vsort.dscd.msk.f32 $0xffff, v17, v17  }
0x9f: {  	(xrf1) =	vsort.dscd.msk.f32 $0xffff, v20, v20;
	_ =	sdelay $0x9  }
0xa0: {  	s31 =	spop (v2sf)  }
0xa1: {  	s0 =	sadd.s32 s0, s31;
	s20 =	spop (v2sf)  }
0xa2: {  	s2 =	sadd.s32 s2, s20;
	p0 =	slt.s32 s0, $0xFF0;
	s15 =	smov.u32 s0  }
0xa3: {  	s15 =	simm.s32 @!p0 $0xFF0;
	p0 =	slt.s32 s2, $0xFF0;
	s31 =	smov.u32 s2;
	v47, _, _ =	vpop (xrf1)  }
0xa4: {  	s31 =	simm.s32 @!p0 $0xFF0;
	v48, _, _ =	vpop (xrf1);
	[tilespmem:s15+$0x8000] =	vst v47  }
0xa5: {  	[tilespmem:s31+$0x9000] =	vst v48  }
0xa6: {  	v22 =	vld.idx.msk [tilespmem:v8+s30+$0xFFFFFFE0 ss:$0x1], $0xffff;
	_ =	sdelay $0x2  }
0xa7: {  	v49 =	vmpcnt.ones.xlane vm5  }
0xa8: {  	v24 =	vmpcnt.ones.xlane vm6  }
0xa9: {  	v50 =	vsub.f32 $0.0e+00, v14;
	(v2sf) =	vpush v49, $0x0;
	vm7 =	vlt.f32 v22, $5.000000000e-01  }
0xaa: {  	(v2sf) =	vpush v24, $0x0;
	v51 =	vnsel vm7, $0xFF800000, v14  }
0xab: {  	v22 =	vsel vm7, $0xFF800000, v50;
	vm8 =	vgt.f32 v51, v5  }
0xac: {  	vm9 =	vgt.f32 v22, v6;
	v14 =	vnsel vm8, $0xFF800000, v51  }
0xad: {  	v22 =	vnsel vm9, $0xFF800000, v22;
	(xrf1) =	vsort.dscd.msk.f32 $0xffff, v14, v14  }
0xae: {  	(xrf1) =	vsort.dscd.msk.f32 $0xffff, v22, v22;
	_ =	sdelay $0x9  }
0xaf: {  	s31 =	spop (v2sf)  }
0xb0: {  	s0 =	sadd.s32 s0, s31;
	s20 =	spop (v2sf)  }
0xb1: {  	s2 =	sadd.s32 s2, s20;
	p0 =	slt.s32 s0, $0xFF0;
	s15 =	smov.u32 s0  }
0xb2: {  	s15 =	simm.s32 @!p0 $0xFF0;
	p0 =	slt.s32 s2, $0xFF0;
	s31 =	smov.u32 s2;
	v52, _, _ =	vpop (xrf1)  }
0xb3: {  	s31 =	simm.s32 @!p0 $0xFF0;
	v53, _, _ =	vpop (xrf1);
	[tilespmem:s15+$0x8000] =	vst v52  }
0xb4: {  	[tilespmem:s31+$0x9000] =	vst v53  }
0xb5: {  	v23 =	vld.idx.msk [tilespmem:v8+s30+$0xFFFFFFF0 ss:$0x1], $0xffff;
	_ =	sdelay $0x2  }
0xb6: {  	v54 =	vmpcnt.ones.xlane vm8  }
0xb7: {  	v25 =	vmpcnt.ones.xlane vm9  }
0xb8: {  	v55 =	vsub.f32 $0.0e+00, v11;
	(v2sf) =	vpush v54, $0x0;
	vm10 =	vlt.f32 v23, $5.000000000e-01  }
0xb9: {  	(v2sf) =	vpush v25, $0x0;
	v11 =	vnsel vm10, $0xFF800000, v11  }
0xba: {  	v23 =	vsel vm10, $0xFF800000, v55;
	vm11 =	vgt.f32 v11, v5  }
0xbb: {  	vm12 =	vgt.f32 v23, v6;
	v11 =	vnsel vm11, $0xFF800000, v11  }
0xbc: {  	v23 =	vnsel vm12, $0xFF800000, v23;
	(xrf1) =	vsort.dscd.msk.f32 $0xffff, v11, v11  }
0xbd: {  	(xrf1) =	vsort.dscd.msk.f32 $0xffff, v23, v23;
	_ =	sdelay $0x9  }
0xbe: {  	s31 =	spop (v2sf)  }
0xbf: {  	s0 =	sadd.s32 s0, s31;
	s20 =	spop (v2sf)  }
0xc0: {  	s2 =	sadd.s32 s2, s20;
	p0 =	slt.s32 s0, $0xFF0;
	s15 =	smov.u32 s0  }
0xc1: {  	s15 =	simm.s32 @!p0 $0xFF0;
	p0 =	slt.s32 s2, $0xFF0;
	s31 =	smov.u32 s2;
	v56, _, _ =	vpop (xrf1)  }
0xc2: {  	s31 =	simm.s32 @!p0 $0xFF0;
	[tilespmem:s15+$0x8000] =	vst v56;
	v57, _, _ =	vpop (xrf1)  }
0xc3: {  	[tilespmem:s31+$0x9000] =	vst v57  }
0xc4: {  	v24 =	vld.idx.msk [tilespmem:v8+s30+$0x0 ss:$0x1], $0xffff;
	_ =	sdelay $0x2  }
0xc5: {  	v58 =	vmpcnt.ones.xlane vm11  }
0xc6: {  	v26 =	vmpcnt.ones.xlane vm12  }
0xc7: {  	v59 =	vsub.f32 $0.0e+00, v9;
	(v2sf) =	vpush v58, $0x0;
	vm13 =	vlt.f32 v24, $5.000000000e-01  }
0xc8: {  	(v2sf) =	vpush v26, $0x0;
	v9 =	vnsel vm13, $0xFF800000, v9  }
0xc9: {  	v24 =	vsel vm13, $0xFF800000, v59;
	vm14 =	vgt.f32 v9, v5  }
0xca: {  	vm15 =	vgt.f32 v24, v6;
	v9 =	vnsel vm14, $0xFF800000, v9  }
0xcb: {  	v12 =	vmax.f32 v12, v62;
	v60 =	vnsel vm15, $0xFF800000, v24;
	(xrf1) =	vsort.dscd.msk.f32 $0xffff, v9, v9  }
0xcc: {  	v12 =	vmax.f32 v12, v33;
	(xrf1) =	vsort.dscd.msk.f32 $0xffff, v60, v60  }
0xcd: {  	v12 =	vmax.f32 v12, v40  }
0xce: {  	v12 =	vmax.f32 v12, v17  }
0xcf: {  	v12 =	vmax.f32 v12, v14  }
0xd0: {  	v11 =	vmax.f32 v12, v11  }
0xd1: {  	v9 =	vmax.f32 v11, v9  }
0xd2: {  	(xrf1) =	vsort.dscd.msk.f32 $0xffff, v9, v9;
	_ =	sdelay $0x3  }
0xd3: {  	s31 =	spop (v2sf)  }
0xd4: {  	s0 =	sadd.s32 s0, s31;
	s20 =	spop (v2sf)  }
0xd5: {  	s2 =	sadd.s32 s2, s20;
	p0 =	slt.s32 s0, $0xFF0;
	s15 =	smov.u32 s0  }
0xd6: {  	s15 =	simm.s32 @!p0 $0xFF0;
	p0 =	slt.s32 s2, $0xFF0;
	s30 =	smov.u32 s2;
	v9, _, _ =	vpop (xrf1)  }
0xd7: {  	v10 =	vmax.f32 v10, v63;
	s30 =	simm.s32 @!p0 $0xFF0;
	v11, _, _ =	vpop (xrf1);
	[tilespmem:s15+$0x8000] =	vst v9  }
0xd8: {  	v9 =	vmax.f32 v10, v34;
	[tilespmem:s30+$0x9000] =	vst v11  }
0xd9: {  	v9 =	vmax.f32 v9, v41;
	v10 =	vld [tilespmem:$0xA000]  }
0xda: {  	v9 =	vmax.f32 v9, v20  }
0xdb: {  	v9 =	vmax.f32 v9, v22  }
0xdc: {  	v9 =	vmax.f32 v9, v23  }
0xdd: {  	v11, _, _ =	vpop (xrf1);
	v9 =	vmax.f32 v9, v60  }
0xde: {  	(xrf1) =	vsort.dscd.msk.f32 $0xffff, v9, v9;
	v9 =	vmax.f32 v10, v11  }
0xdf: {  	v10 =	vmin.f32 v10, v11;
	(xrf1) =	vsort.ascd.msk.f32 $0xffff, v9, v9  }
0xe0: {  	(xrf1) =	vsort.dscd.msk.f32 $0xffff, v10, v10;
	_ =	sdelay $0x9  }
0xe1: {  	v9 =	vld [tilespmem:$0xA010]  }
0xe2: {  	v10 =	vld [tilespmem:$0xA020]  }
0xe3: {  	v11, _, _ =	vpop (xrf1)  }
0xe4: {  	v61, _, _ =	vpop (xrf1)  }
0xe5: {  	v62, _, _ =	vpop (xrf1)  }
0xe6: {  	v9 =	vmax.f32 v9, v62  }
0xe7: {  	(xrf1) =	vsort.ascd.msk.f32 $0xffff, v9, v9;
	v9 =	vmax.f32 v10, v11  }
0xe8: {  	v10 =	vmin.f32 v10, v11;
	(xrf1) =	vsort.ascd.msk.f32 $0xffff, v9, v9  }
0xe9: {  	(xrf1) =	vsort.dscd.msk.f32 $0xffff, v10, v10;
	_ =	sdelay $0x6  }
0xea: {  	v9 =	vmpcnt.ones.xlane vm14  }
0xeb: {  	v10 =	vmpcnt.ones.xlane vm15  }
0xec: {  	(v2sf) =	vpush v9, $0x0  }
0xed: {  	v9 =	vld [tilespmem:$0xA030];
	(v2sf) =	vpush v10, $0x0;
	_ =	sdelay $0x1  }
0xee: {  	v10, _, _ =	vpop (xrf1)  }
0xef: {  	v11, _, _ =	vpop (xrf1)  }
0xf0: {  	v63, _, _ =	vpop (xrf1)  }
0xf1: {  	v9 =	vmax.f32 v9, v63  }
0xf2: {  	(xrf1) =	vsort.ascd.msk.f32 $0xffff, v9, v9;
	_ =	sdelay $0x7  }
0xf3: {  	s30 =	spop (v2sf)  }
0xf4: {  	s0 =	sadd.s32 s0, s30;
	s31 =	spop (v2sf)  }
0xf5: {  	[tilespmem:$0xA000] =	vst v61;
	s2 =	sadd.s32 s2, s31;
	v9 =	vmov s0  }
.Ltmp8:
0xf6: {  	[tilespmem:$0xA080] =	vst v9;
	v9 =	vmov s2;
	(pc) =	sbr.rel .LBB2_8-.Ltmp8, $4  }
0xf7: {  	[tilespmem:$0xA010] =	vst v10  }
0xf8: {  	[tilespmem:$0xA020] =	vst v11  }
0xf9: {  	[tilespmem:$0xA090] =	vst v9;
	v9, _, _ =	vpop (xrf1)  }
0xfa: {  	[tilespmem:$0xA030] =	vst v9  }
.LBB2_10:
0xfb: {  	s25 =	sshll.u32 s24, $0x1;
	p0 =	seq.s32 s24, $0x7  }
0xfc: {  	s0 =	sadd.s32 @!p0 $0x2, s25  }
0xfd: {  	s2 =	sadd.s32 @!p0 s5, s0  }
0xfe: {  	s0 =	sshll.u32 @!p0 s0, $0xD;
	s15 =	sshll.u32 @!p0 s2, $0xA  }
0xff: {  	s0 =	sand.u32 @!p0 $0x4000, s0;
	s2 =	sshll.u32 @!p0 s2, $0x2;
	s15 =	sand.u32 @!p0 $0xFFF8000, s15  }
0x100: {  	s2 =	sand.u32 @!p0 $0x70, s2;
	s0 =	sor.u32 @!p0 s0, s15  }
0x101: {  	s26 =	simm.s32 @!p0 $0x400;
	s0 =	sor.u32 @!p0 s2, s0  }
0x102: {  	s28 =	simm.s32 @!p0 $0x0;
	s15 =	simm.s32 @!p0 $0x80;
	s2 =	sadd.s32 @!p0 s1, s0  }
0x103: {  	[tilespmem:s28], [sflag:$0x1] =	stream.strided.gather @!p0 [hbm4b:s2+s15], $0x2000, s26, s15, $0x38;
	[tilespmem:$0xA200] =	vst v63  }
0x104: {  	s0 =	sadd.s32 @!p0 s3, s0;
	s2 =	simm.s32 @!p0 $0x2000  }
0x105: {  	[tilespmem:s2], [sflag:$0x1] =	stream.strided.gather @!p0 [hbm4b:s0+s15], $0x2000, s26, s15, $0x38;
	[tilespmem:$0xA200] =	vst v63  }
0x106: {  	_ =	swait.ge [sflag:s19], $0x2000  }
.Ltmp9:
0x107: {  	[sflag:s19] =	ssyncset.done $0x0;
	(pc) =	sbr.rel .LBB2_11-.Ltmp9, $4  }
0x108: {  	[sflag:s19] =	ssyncadd.s32 $0xFFFFE000  }
0x109: {  	_ =	swait.ge [sflag:s19], $0x2000  }
0x10a: {  	s29 =	simm.s32 $0x6070;
	[sflag:s19] =	ssyncset.done $0x0  }
0x10b: {  	s28 =	simm.s32 $0x4040;
	s26 =	simm.s32 $0x0;
	[sflag:s19] =	ssyncadd.s32 $0xFFFFE000  }
.LBB2_15:
0x10c: {  	s26 =	sadd.s32 $0x1, s26  }
0x10d: {  	p1 =	sne.s32 s26, $0x10  }
.Ltmp10:
0x10e: {  	_ = 	snop;
	(pc) =	sbr.rel @!p1 .LBB2_16-.Ltmp10, $2  }
0x10f: {  	_ =	sdelay $0x2  }
0x110: {  	s28 =	sadd.s32 $0x200, s28;
	s29 =	sadd.s32 $0x200, s29  }
.LBB2_11:
0x111: {  	v6 =	vld [tilespmem:$0xA030];
	_ =	sdelay $0x4  }
0x112: {  	(v2sf) =	vpush v6, $0x0;
	_ =	sdelay $0xd  }
.Ltmp11:
0x113: {  	_ = 	snop;
	(pc) =	sbr.rel .LBB2_12-.Ltmp11, $4  }
0x114: {  	s0 =	spop (v2sf)  }
0x115: {  	s0 =	ssub.f32 $0.0e+00, s0  }
0x116: {  	v7 =	vmov s28  }
0x117: {  	v5 =	vld.msk [tilespmem:$0xA010 ss:$0x0], $0xffff;
	v8 =	vmov s29;
	s30 =	simm.s32 $0x0;
	v6 =	vbroadcast v6, $0x0;
	v4 =	vmov s0  }
.LBB2_14:
0x118: {  	s30 =	sadd.s32 $0x200, s30  }
0x119: {  	p1 =	sne.s32 s30, $0x800  }
.Ltmp12:
0x11a: {  	_ = 	snop;
	(pc) =	sbr.rel @!p1 .LBB2_15-.Ltmp12, $1  }
0x11b: {  	_ =	sdelay $0x3  }
.LBB2_12:
0x11c: {  	_ =	sdelay $0x2  }
0x11d: {  	s31 =	sshra.s32 s30, $0x2  }
0x11e: {  	v10 =	vld.idx.msk [tilespmem:v7+s31+$0xFFFFFFC0 ss:$0x1], $0xffff  }
0x11f: {  	v13 =	vld.idx.msk [tilespmem:v7+s31+$0xFFFFFFD0 ss:$0x1], $0xffff  }
0x120: {  	v16 =	vld.idx.msk [tilespmem:v7+s31+$0xFFFFFFE0 ss:$0x1], $0xffff  }
0x121: {  	v19 =	vld.idx.msk [tilespmem:v7+s31+$0xFFFFFFF0 ss:$0x1], $0xffff  }
0x122: {  	v17 =	vld.idx.msk [tilespmem:v7+s31+$0x0 ss:$0x1], $0xffff  }
0x123: {  	v11 =	vld.idx.msk [tilespmem:v7+s31+$0x20 ss:$0x1], $0xffff  }
0x124: {  	v9 =	vld.idx.msk [tilespmem:v7+s31+$0x30 ss:$0x1], $0xffff  }
0x125: {  	v14 =	vld.idx.msk [tilespmem:v7+s31+$0x10 ss:$0x1], $0xffff;
	_ =	sdelay $0x3  }
0x126: {  	v12 =	vmax.f32 v10, v13;
	v15 =	vmax.f32 v16, v19;
	v18 =	vmax.f32 v11, v9  }
0x127: {  	v20 =	vmin.f32 v10, v13;
	v21 =	vmin.f32 v16, v19;
	v22 =	vmin.f32 v17, v14  }
0x128: {  	v23 =	vmin.f32 v11, v9;
	v12 =	vmax.f32 v12, v15;
	v15 =	vmax.f32 v17, v14  }
0x129: {  	v15 =	vmax.f32 v15, v18;
	v18 =	vmin.f32 v20, v21;
	v20 =	vmin.f32 v22, v23  }
0x12a: {  	v12 =	vmax.f32 v12, v15;
	v15 =	vmin.f32 v18, v20  }
0x12b: {  	vm0 =	vgt.f32 v12, v5;
	vm1 =	vlt.f32 v15, v4  }
0x12c: {  	vm0 =	vmor vm0, vm1  }
0x12d: {  	v12 =	vmpcnt.ones.xlane vm0;
	_ =	sdelay $0x1  }
0x12e: {  	(v2sf) =	vpush v12, $0x0;
	_ =	sdelay $0xe  }
0x12f: {  	s0 =	spop (v2sf)  }
0x130: {  	p1 =	slt.s32 s0, $0x1  }
.Ltmp13:
0x131: {  	_ = 	snop;
	(pc) =	sbr.rel @p1 .LBB2_14-.Ltmp13, $1  }
0x132: {  	_ =	sdelay $0x3  }
0x133: {  	_ =	sdelay $0x3  }
0x134: {  	v12 =	vld.idx.msk [tilespmem:v8+s31+$0xFFFFFF90 ss:$0x1], $0xffff  }
0x135: {  	v15 =	vld [tilespmem:$0xA080]  }
0x136: {  	v18 =	vld [tilespmem:$0xA090];
	_ =	sdelay $0x2  }
0x137: {  	v54 =	vsub.f32 $0.0e+00, v10;
	vm0 =	vlt.f32 v12, $5.000000000e-01  }
0x138: {  	(v2sf) =	vpush v15, $0x0;
	v10 =	vnsel vm0, $0xFF800000, v10  }
0x139: {  	(v2sf) =	vpush v18, $0x0;
	v55 =	vsel vm0, $0xFF800000, v54;
	vm6 =	vgt.f32 v10, v5  }
0x13a: {  	vm1 =	vgt.f32 v55, v6;
	v12 =	vnsel vm6, $0xFF800000, v10  }
0x13b: {  	v10 =	vnsel vm1, $0xFF800000, v55;
	(xrf1) =	vsort.dscd.msk.f32 $0xffff, v12, v12  }
0x13c: {  	(xrf1) =	vsort.dscd.msk.f32 $0xffff, v10, v10;
	_ =	sdelay $0xa  }
0x13d: {  	s0 =	spop (v2sf)  }
0x13e: {  	s20 =	spop (v2sf);
	p1 =	slt.s32 s0, $0xFF0;
	s15 =	smov.u32 s0  }
0x13f: {  	s15 =	simm.s32 @!p1 $0xFF0;
	p1 =	slt.s32 s20, $0xFF0;
	s2 =	smov.u32 s20;
	v56, _, _ =	vpop (xrf1)  }
0x140: {  	s2 =	simm.s32 @!p1 $0xFF0;
	v57, _, _ =	vpop (xrf1);
	[tilespmem:s15+$0x8000] =	vst v56  }
0x141: {  	[tilespmem:s2+$0x9000] =	vst v57  }
0x142: {  	v15 =	vld.idx.msk [tilespmem:v8+s31+$0xFFFFFFA0 ss:$0x1], $0xffff;
	_ =	sdelay $0x2  }
0x143: {  	v58 =	vmpcnt.ones.xlane vm6  }
0x144: {  	v20 =	vmpcnt.ones.xlane vm1  }
0x145: {  	v59 =	vsub.f32 $0.0e+00, v13;
	(v2sf) =	vpush v58, $0x0;
	vm7 =	vlt.f32 v15, $5.000000000e-01  }
0x146: {  	(v2sf) =	vpush v20, $0x0;
	v60 =	vnsel vm7, $0xFF800000, v13  }
0x147: {  	v61 =	vsel vm7, $0xFF800000, v59;
	vm8 =	vgt.f32 v60, v5  }
0x148: {  	vm9 =	vgt.f32 v61, v6;
	v62 =	vnsel vm8, $0xFF800000, v60  }
0x149: {  	v63 =	vnsel vm9, $0xFF800000, v61;
	(xrf1) =	vsort.dscd.msk.f32 $0xffff, v62, v62  }
0x14a: {  	(xrf1) =	vsort.dscd.msk.f32 $0xffff, v63, v63;
	_ =	sdelay $0x9  }
0x14b: {  	s15 =	spop (v2sf)  }
0x14c: {  	s0 =	sadd.s32 s0, s15;
	s15 =	spop (v2sf)  }
0x14d: {  	s2 =	sadd.s32 s20, s15;
	p1 =	slt.s32 s0, $0xFF0;
	s15 =	smov.u32 s0  }
0x14e: {  	s15 =	simm.s32 @!p1 $0xFF0;
	p1 =	slt.s32 s2, $0xFF0;
	s20 =	smov.u32 s2;
	v27, _, _ =	vpop (xrf1)  }
0x14f: {  	s20 =	simm.s32 @!p1 $0xFF0;
	v28, _, _ =	vpop (xrf1);
	[tilespmem:s15+$0x8000] =	vst v27  }
0x150: {  	[tilespmem:s20+$0x9000] =	vst v28  }
0x151: {  	v18 =	vld.idx.msk [tilespmem:v8+s31+$0xFFFFFFB0 ss:$0x1], $0xffff;
	_ =	sdelay $0x2  }
0x152: {  	v29 =	vmpcnt.ones.xlane vm8  }
0x153: {  	v21 =	vmpcnt.ones.xlane vm9  }
0x154: {  	v30 =	vsub.f32 $0.0e+00, v16;
	(v2sf) =	vpush v29, $0x0;
	vm10 =	vlt.f32 v18, $5.000000000e-01  }
0x155: {  	(v2sf) =	vpush v21, $0x0;
	v31 =	vnsel vm10, $0xFF800000, v16  }
0x156: {  	v32 =	vsel vm10, $0xFF800000, v30;
	vm11 =	vgt.f32 v31, v5  }
0x157: {  	vm12 =	vgt.f32 v32, v6;
	v33 =	vnsel vm11, $0xFF800000, v31  }
0x158: {  	v34 =	vnsel vm12, $0xFF800000, v32;
	(xrf1) =	vsort.dscd.msk.f32 $0xffff, v33, v33  }
0x159: {  	(xrf1) =	vsort.dscd.msk.f32 $0xffff, v34, v34;
	_ =	sdelay $0x9  }
0x15a: {  	s20 =	spop (v2sf)  }
0x15b: {  	s0 =	sadd.s32 s0, s20;
	s20 =	spop (v2sf)  }
0x15c: {  	s2 =	sadd.s32 s2, s20;
	p1 =	slt.s32 s0, $0xFF0;
	s15 =	smov.u32 s0  }
0x15d: {  	s15 =	simm.s32 @!p1 $0xFF0;
	p1 =	slt.s32 s2, $0xFF0;
	s20 =	smov.u32 s2;
	v35, _, _ =	vpop (xrf1)  }
0x15e: {  	s20 =	simm.s32 @!p1 $0xFF0;
	v36, _, _ =	vpop (xrf1);
	[tilespmem:s15+$0x8000] =	vst v35  }
0x15f: {  	[tilespmem:s20+$0x9000] =	vst v36  }
0x160: {  	v20 =	vld.idx.msk [tilespmem:v8+s31+$0xFFFFFFC0 ss:$0x1], $0xffff;
	_ =	sdelay $0x2  }
0x161: {  	v37 =	vmpcnt.ones.xlane vm11  }
0x162: {  	v22 =	vmpcnt.ones.xlane vm12  }
0x163: {  	v38 =	vsub.f32 $0.0e+00, v19;
	(v2sf) =	vpush v37, $0x0;
	vm13 =	vlt.f32 v20, $5.000000000e-01  }
0x164: {  	(v2sf) =	vpush v22, $0x0;
	v39 =	vnsel vm13, $0xFF800000, v19  }
0x165: {  	v20 =	vsel vm13, $0xFF800000, v38;
	vm14 =	vgt.f32 v39, v5  }
0x166: {  	vm15 =	vgt.f32 v20, v6;
	v40 =	vnsel vm14, $0xFF800000, v39  }
0x167: {  	v41 =	vnsel vm15, $0xFF800000, v20;
	(xrf1) =	vsort.dscd.msk.f32 $0xffff, v40, v40  }
0x168: {  	(xrf1) =	vsort.dscd.msk.f32 $0xffff, v41, v41;
	_ =	sdelay $0x9  }
0x169: {  	s20 =	spop (v2sf)  }
0x16a: {  	s0 =	sadd.s32 s0, s20;
	s20 =	spop (v2sf)  }
0x16b: {  	s2 =	sadd.s32 s2, s20;
	p1 =	slt.s32 s0, $0xFF0;
	s15 =	smov.u32 s0  }
0x16c: {  	s15 =	simm.s32 @!p1 $0xFF0;
	p1 =	slt.s32 s2, $0xFF0;
	s20 =	smov.u32 s2;
	v42, _, _ =	vpop (xrf1)  }
0x16d: {  	s20 =	simm.s32 @!p1 $0xFF0;
	v43, _, _ =	vpop (xrf1);
	[tilespmem:s15+$0x8000] =	vst v42  }
0x16e: {  	[tilespmem:s20+$0x9000] =	vst v43  }
0x16f: {  	v20 =	vld.idx.msk [tilespmem:v8+s31+$0xFFFFFFD0 ss:$0x1], $0xffff;
	_ =	sdelay $0x2  }
0x170: {  	v44 =	vmpcnt.ones.xlane vm14  }
0x171: {  	v23 =	vmpcnt.ones.xlane vm15  }
0x172: {  	v45 =	vsub.f32 $0.0e+00, v17;
	(v2sf) =	vpush v44, $0x0;
	vm4 =	vlt.f32 v20, $5.000000000e-01  }
0x173: {  	(v2sf) =	vpush v23, $0x0;
	v46 =	vnsel vm4, $0xFF800000, v17  }
0x174: {  	v20 =	vsel vm4, $0xFF800000, v45;
	vm5 =	vgt.f32 v46, v5  }
0x175: {  	vm6 =	vgt.f32 v20, v6;
	v17 =	vnsel vm5, $0xFF800000, v46  }
0x176: {  	v20 =	vnsel vm6, $0xFF800000, v20;
	(xrf1) =	vsort.dscd.msk.f32 $0xffff, v17, v17  }
0x177: {  	(xrf1) =	vsort.dscd.msk.f32 $0xffff, v20, v20;
	_ =	sdelay $0x9  }
0x178: {  	s20 =	spop (v2sf)  }
0x179: {  	s0 =	sadd.s32 s0, s20;
	s20 =	spop (v2sf)  }
0x17a: {  	s2 =	sadd.s32 s2, s20;
	p1 =	slt.s32 s0, $0xFF0;
	s15 =	smov.u32 s0  }
0x17b: {  	s15 =	simm.s32 @!p1 $0xFF0;
	p1 =	slt.s32 s2, $0xFF0;
	s20 =	smov.u32 s2;
	v47, _, _ =	vpop (xrf1)  }
0x17c: {  	s20 =	simm.s32 @!p1 $0xFF0;
	v48, _, _ =	vpop (xrf1);
	[tilespmem:s15+$0x8000] =	vst v47  }
0x17d: {  	[tilespmem:s20+$0x9000] =	vst v48  }
0x17e: {  	v22 =	vld.idx.msk [tilespmem:v8+s31+$0xFFFFFFE0 ss:$0x1], $0xffff;
	_ =	sdelay $0x2  }
0x17f: {  	v49 =	vmpcnt.ones.xlane vm5  }
0x180: {  	v24 =	vmpcnt.ones.xlane vm6  }
0x181: {  	v50 =	vsub.f32 $0.0e+00, v14;
	(v2sf) =	vpush v49, $0x0;
	vm7 =	vlt.f32 v22, $5.000000000e-01  }
0x182: {  	(v2sf) =	vpush v24, $0x0;
	v51 =	vnsel vm7, $0xFF800000, v14  }
0x183: {  	v22 =	vsel vm7, $0xFF800000, v50;
	vm8 =	vgt.f32 v51, v5  }
0x184: {  	vm9 =	vgt.f32 v22, v6;
	v14 =	vnsel vm8, $0xFF800000, v51  }
0x185: {  	v22 =	vnsel vm9, $0xFF800000, v22;
	(xrf1) =	vsort.dscd.msk.f32 $0xffff, v14, v14  }
0x186: {  	(xrf1) =	vsort.dscd.msk.f32 $0xffff, v22, v22;
	_ =	sdelay $0x9  }
0x187: {  	s20 =	spop (v2sf)  }
0x188: {  	s0 =	sadd.s32 s0, s20;
	s20 =	spop (v2sf)  }
0x189: {  	s2 =	sadd.s32 s2, s20;
	p1 =	slt.s32 s0, $0xFF0;
	s15 =	smov.u32 s0  }
0x18a: {  	s15 =	simm.s32 @!p1 $0xFF0;
	p1 =	slt.s32 s2, $0xFF0;
	s20 =	smov.u32 s2;
	v52, _, _ =	vpop (xrf1)  }
0x18b: {  	s20 =	simm.s32 @!p1 $0xFF0;
	v53, _, _ =	vpop (xrf1);
	[tilespmem:s15+$0x8000] =	vst v52  }
0x18c: {  	[tilespmem:s20+$0x9000] =	vst v53  }
0x18d: {  	v23 =	vld.idx.msk [tilespmem:v8+s31+$0xFFFFFFF0 ss:$0x1], $0xffff;
	_ =	sdelay $0x2  }
0x18e: {  	v54 =	vmpcnt.ones.xlane vm8  }
0x18f: {  	v25 =	vmpcnt.ones.xlane vm9  }
0x190: {  	v55 =	vsub.f32 $0.0e+00, v11;
	(v2sf) =	vpush v54, $0x0;
	vm10 =	vlt.f32 v23, $5.000000000e-01  }
0x191: {  	(v2sf) =	vpush v25, $0x0;
	v11 =	vnsel vm10, $0xFF800000, v11  }
0x192: {  	v23 =	vsel vm10, $0xFF800000, v55;
	vm11 =	vgt.f32 v11, v5  }
0x193: {  	vm12 =	vgt.f32 v23, v6;
	v11 =	vnsel vm11, $0xFF800000, v11  }
0x194: {  	v23 =	vnsel vm12, $0xFF800000, v23;
	(xrf1) =	vsort.dscd.msk.f32 $0xffff, v11, v11  }
0x195: {  	(xrf1) =	vsort.dscd.msk.f32 $0xffff, v23, v23;
	_ =	sdelay $0x9  }
0x196: {  	s20 =	spop (v2sf)  }
0x197: {  	s0 =	sadd.s32 s0, s20;
	s20 =	spop (v2sf)  }
0x198: {  	s2 =	sadd.s32 s2, s20;
	p1 =	slt.s32 s0, $0xFF0;
	s15 =	smov.u32 s0  }
0x199: {  	s15 =	simm.s32 @!p1 $0xFF0;
	p1 =	slt.s32 s2, $0xFF0;
	s20 =	smov.u32 s2;
	v56, _, _ =	vpop (xrf1)  }
0x19a: {  	s20 =	simm.s32 @!p1 $0xFF0;
	[tilespmem:s15+$0x8000] =	vst v56;
	v57, _, _ =	vpop (xrf1)  }
0x19b: {  	[tilespmem:s20+$0x9000] =	vst v57  }
0x19c: {  	v24 =	vld.idx.msk [tilespmem:v8+s31+$0x0 ss:$0x1], $0xffff;
	_ =	sdelay $0x2  }
0x19d: {  	v58 =	vmpcnt.ones.xlane vm11  }
0x19e: {  	v26 =	vmpcnt.ones.xlane vm12  }
0x19f: {  	v59 =	vsub.f32 $0.0e+00, v9;
	(v2sf) =	vpush v58, $0x0;
	vm13 =	vlt.f32 v24, $5.000000000e-01  }
0x1a0: {  	(v2sf) =	vpush v26, $0x0;
	v9 =	vnsel vm13, $0xFF800000, v9  }
0x1a1: {  	v24 =	vsel vm13, $0xFF800000, v59;
	vm14 =	vgt.f32 v9, v5  }
0x1a2: {  	vm15 =	vgt.f32 v24, v6;
	v9 =	vnsel vm14, $0xFF800000, v9  }
0x1a3: {  	v12 =	vmax.f32 v12, v62;
	v60 =	vnsel vm15, $0xFF800000, v24;
	(xrf1) =	vsort.dscd.msk.f32 $0xffff, v9, v9  }
0x1a4: {  	v12 =	vmax.f32 v12, v33;
	(xrf1) =	vsort.dscd.msk.f32 $0xffff, v60, v60  }
0x1a5: {  	v12 =	vmax.f32 v12, v40  }
0x1a6: {  	v12 =	vmax.f32 v12, v17  }
0x1a7: {  	v12 =	vmax.f32 v12, v14  }
0x1a8: {  	v11 =	vmax.f32 v12, v11  }
0x1a9: {  	v9 =	vmax.f32 v11, v9  }
0x1aa: {  	(xrf1) =	vsort.dscd.msk.f32 $0xffff, v9, v9;
	_ =	sdelay $0x3  }
0x1ab: {  	s20 =	spop (v2sf)  }
0x1ac: {  	s0 =	sadd.s32 s0, s20;
	s31 =	spop (v2sf)  }
0x1ad: {  	s2 =	sadd.s32 s2, s31;
	p1 =	slt.s32 s0, $0xFF0;
	s15 =	smov.u32 s0  }
0x1ae: {  	s15 =	simm.s32 @!p1 $0xFF0;
	p1 =	slt.s32 s2, $0xFF0;
	s20 =	smov.u32 s2;
	v9, _, _ =	vpop (xrf1)  }
0x1af: {  	v10 =	vmax.f32 v10, v63;
	s20 =	simm.s32 @!p1 $0xFF0;
	v11, _, _ =	vpop (xrf1);
	[tilespmem:s15+$0x8000] =	vst v9  }
0x1b0: {  	v9 =	vmax.f32 v10, v34;
	[tilespmem:s20+$0x9000] =	vst v11  }
0x1b1: {  	v9 =	vmax.f32 v9, v41;
	v10 =	vld [tilespmem:$0xA000]  }
0x1b2: {  	v9 =	vmax.f32 v9, v20  }
0x1b3: {  	v9 =	vmax.f32 v9, v22  }
0x1b4: {  	v9 =	vmax.f32 v9, v23  }
0x1b5: {  	v11, _, _ =	vpop (xrf1);
	v9 =	vmax.f32 v9, v60  }
0x1b6: {  	(xrf1) =	vsort.dscd.msk.f32 $0xffff, v9, v9;
	v9 =	vmax.f32 v10, v11  }
0x1b7: {  	v10 =	vmin.f32 v10, v11;
	(xrf1) =	vsort.ascd.msk.f32 $0xffff, v9, v9  }
0x1b8: {  	(xrf1) =	vsort.dscd.msk.f32 $0xffff, v10, v10;
	_ =	sdelay $0x9  }
0x1b9: {  	v9 =	vld [tilespmem:$0xA010]  }
0x1ba: {  	v10 =	vld [tilespmem:$0xA020]  }
0x1bb: {  	v11, _, _ =	vpop (xrf1)  }
0x1bc: {  	v61, _, _ =	vpop (xrf1)  }
0x1bd: {  	v62, _, _ =	vpop (xrf1)  }
0x1be: {  	v9 =	vmax.f32 v9, v62  }
0x1bf: {  	(xrf1) =	vsort.ascd.msk.f32 $0xffff, v9, v9;
	v9 =	vmax.f32 v10, v11  }
0x1c0: {  	v10 =	vmin.f32 v10, v11;
	(xrf1) =	vsort.ascd.msk.f32 $0xffff, v9, v9  }
0x1c1: {  	(xrf1) =	vsort.dscd.msk.f32 $0xffff, v10, v10;
	_ =	sdelay $0x6  }
0x1c2: {  	v9 =	vmpcnt.ones.xlane vm14  }
0x1c3: {  	v10 =	vmpcnt.ones.xlane vm15  }
0x1c4: {  	(v2sf) =	vpush v9, $0x0  }
0x1c5: {  	v9 =	vld [tilespmem:$0xA030];
	(v2sf) =	vpush v10, $0x0;
	_ =	sdelay $0x1  }
0x1c6: {  	v10, _, _ =	vpop (xrf1)  }
0x1c7: {  	v11, _, _ =	vpop (xrf1)  }
0x1c8: {  	v63, _, _ =	vpop (xrf1)  }
0x1c9: {  	v9 =	vmax.f32 v9, v63  }
0x1ca: {  	(xrf1) =	vsort.ascd.msk.f32 $0xffff, v9, v9;
	_ =	sdelay $0x7  }
0x1cb: {  	s20 =	spop (v2sf)  }
0x1cc: {  	s0 =	sadd.s32 s0, s20;
	s31 =	spop (v2sf)  }
0x1cd: {  	[tilespmem:$0xA000] =	vst v61;
	s2 =	sadd.s32 s2, s31;
	v9 =	vmov s0  }
.Ltmp14:
0x1ce: {  	[tilespmem:$0xA080] =	vst v9;
	v9 =	vmov s2;
	(pc) =	sbr.rel .LBB2_14-.Ltmp14, $4  }
0x1cf: {  	[tilespmem:$0xA010] =	vst v10  }
0x1d0: {  	[tilespmem:$0xA020] =	vst v11  }
0x1d1: {  	[tilespmem:$0xA090] =	vst v9;
	v9, _, _ =	vpop (xrf1)  }
0x1d2: {  	[tilespmem:$0xA030] =	vst v9  }
.LBB2_16:
.Ltmp15:
0x1d3: {  	(pc) =	sbr.rel @p0 .LBB2_18-.Ltmp15, $1  }
0x1d4: {  	_ =	sdelay $0x3  }
0x1d5: {  	s0 =	sadd.s32 $0x3, s25  }
0x1d6: {  	s2 =	sadd.s32 s5, s0  }
0x1d7: {  	s0 =	sshll.u32 s0, $0xD;
	s15 =	sshll.u32 s2, $0xA  }
0x1d8: {  	s0 =	sand.u32 $0x6000, s0;
	s2 =	sshll.u32 s2, $0x2;
	s15 =	sand.u32 $0xFFF8000, s15  }
0x1d9: {  	s2 =	sand.u32 $0x70, s2;
	s0 =	sor.u32 s0, s15  }
.Ltmp16:
0x1da: {  	s0 =	sor.u32 s2, s0;
	(pc) =	sbr.rel .LBB2_4-.Ltmp16, $4  }
0x1db: {  	s2 =	sadd.s32 s1, s0  }
0x1dc: {  	[tilespmem:s16], [sflag:$0x2] =	stream.strided.gather [hbm4b:s2+s13], $0x2000, s14, s13, $0x38;
	[tilespmem:$0xA200] =	vst v63  }
0x1dd: {  	s24 =	sadd.s32 $0x1, s24;
	s0 =	sadd.s32 s3, s0  }
0x1de: {  	[tilespmem:s17], [sflag:$0x2] =	stream.strided.gather [hbm4b:s0+s13], $0x2000, s14, s13, $0x38;
	[tilespmem:$0xA200] =	vst v63  }
.LBB2_18:
0x1df: {  	v4 =	vld [tilespmem:$0xA080];
	_ =	sdelay $0x4  }
0x1e0: {  	(v2sf) =	vpush v4, $0x0;
	_ =	sdelay $0xe  }
0x1e1: {  	s0 =	spop (v2sf)  }
0x1e2: {  	p0 =	slt.s32 s0, $0x1000  }
0x1e3: {  	p1 =	slt.s32 s0, $0xFFFFFFF2;
	s0 =	simm.s32 @!p0 $0x1000  }
0x1e4: {  	s0 =	sadd.s32 $0xF, s0  }
0x1e5: {  	s2 =	sand.u32 $0xF, s0  }
0x1e6: {  	s15 =	sshra.s32 s0, $0x1F;
	p6 =	sne.s32 s2, $0x0  }
.Ltmp17:
0x1e7: {  	s31 =	sshrl.u32 s15, $0x1C;
	p0 =	por !p1, !p6;
	(pc) =	sbr.rel .LBB2_19-.Ltmp17, $4  }
0x1e8: {  	s2 =	simm.s32 $0x1;
	s0 =	sadd.s32 s31, s0;
	p0 =	por !p0, !p0  }
0x1e9: {  	s0 =	sshra.s32 s0, $0x4;
	s2 =	simm.s32 @!p0 $0x0  }
0x1ea: {  	s24 =	ssub.s32 s0, s2  }
0x1eb: {  	v9 =	vld [tilespmem:$0xA090];
	s26 =	simm.s32 $0x0;
	v7 =	vimm.f32 $-Inf;
	v8 =	vimm.f32 $-Inf;
	s25 =	simm.s32 $0x0;
	p0 =	slt.s32 s24, $0x1  }
.LBB2_20:
0x1ec: {  	_ = 	snop  }
0x1ed: {  	v4 =	vimm.s32 $0x0;
	v10 =	vmov v1  }
.LBB2_29:
0x1ee: {  	(v2sf) =	vpush v4, $0x0;
	_ =	sdelay $0xe  }
0x1ef: {  	s2 =	ssub.s32 $0x19, s26;
	s0 =	spop (v2sf)  }
0x1f0: {  	s25 =	sadd.s32 $0x1, s25;
	p1 =	slt.s32 s0, s2  }
0x1f1: {  	s2 =	smov.u32 @p1 s0;
	p1 =	sne.s32 s25, $0x19  }
.Ltmp18:
0x1f2: {  	v11 =	vmov s26;
	v4 =	vadd.s32 $0x1, v3;
	v5 =	vadd.s32 $0x11, v3;
	s26 =	sadd.s32 s26, s2;
	(pc) =	sbr.rel @!p1 .LBB2_30-.Ltmp18, $4  }
0x1f3: {  	v6 =	vor.u32 $0x10, v3;
	vm0 =	vlt.s32 v11, v4;
	v12 =	vmov s26  }
0x1f4: {  	vm1 =	vlt.s32 v11, v5;
	vm2 =	vgt.s32 v12, v3;
	vm3 =	vgt.s32 v12, v6  }
0x1f5: {  	vm0 =	vmand vm0, vm2;
	vm1 =	vmand vm1, vm3  }
0x1f6: {  	v8 =	vsel vm0, v10, v8;
	v7 =	vsel vm1, v10, v7  }
.LBB2_19:
.Ltmp19:
0x1f7: {  	(pc) =	sbr.rel @p0 .LBB2_20-.Ltmp19, $2  }
0x1f8: {  	_ =	sdelay $0x2  }
0x1f9: {  	s28 =	simm.s32 $0x8000  }
0x1fa: {  	p1 =	sne.s32 s24, $0x1  }
.Ltmp20:
0x1fb: {  	_ = 	snop;
	(pc) =	sbr.rel @!p1 .LBB2_23-.Ltmp20, $2  }
0x1fc: {  	_ =	sdelay $0x2  }
0x1fd: {  	s29 =	sadd.s32 $0xFFFFFFFF, s24;
	v5 =	vld [tilespmem:s28+$0x0];
	v4 =	vimm.f32 $-Inf  }
.LBB2_22:
0x1fe: {  	p1 =	sne.s32 s29, $0x1  }
.Ltmp21:
0x1ff: {  	_ = 	snop;
	(pc) =	sbr.rel @p1 .LBB2_22-.Ltmp21, $3  }
0x200: {  	_ =	sdelay $0x1  }
0x201: {  	s29 =	sadd.s32 $0xFFFFFFFF, s29;
	s28 =	sadd.s32 $0x10, s28;
	v4 =	vmax.f32 v4, v5  }
0x202: {  	v5 =	vld [tilespmem:s28+$0x0]  }
.LBB2_23:
0x203: {  	_ =	sdelay $0x3  }
0x204: {  	v4 =	vmax.f32 v4, v5  }
0x205: {  	(xrf0) =	vmax.scan.msk.f32 $0xffff, v4;
	_ =	sdelay $0x1  }
0x206: {  	p2 =	sne.s32 s24, $0x1  }
.Ltmp22:
0x207: {  	_ = 	snop;
	(pc) =	sbr.rel @!p2 .LBB2_24-.Ltmp22, $3  }
0x208: {  	_ =	sdelay $0x1  }
0x209: {  	v4, _, _ =	vpop (xrf0)  }
0x20a: {  	s28 =	simm.s32 $0x8000;
	s29 =	sadd.s32 $0xFFFFFFFF, s24;
	p1 =	por $0x0, $0x0;
	v10 =	vbroadcast v4, $0xF;
	v4 =	vimm.s32 $0x0  }
0x20b: {  	v5 =	vld [tilespmem:s28+$0x0];
	_ =	sdelay $0x1  }
0x20c: {  	p2 =	sne.s32 s29, $0x1  }
.Ltmp23:
0x20d: {  	_ = 	snop;
	(pc) =	sbr.rel @!p2 .LBB2_26-.Ltmp23, $4  }
0x20e: {  	_ = 	snop  }
0x20f: {  	vm0 =	veq.f32 v5, v10  }
0x210: {  	v5 =	vsel vm0, $0xFF800000, v5;
	v6 =	vmpcnt.ones.xlane vm0  }
0x211: {  	s29 =	sadd.s32 $0xFFFFFFFF, s29;
	p1 =	por $0x1, $0x1;
	[tilespmem:s28+$0x0] =	vst v5;
	s28 =	simm.s32 $0x8010;
	v5 =	vimm.s32 $0x0  }
.LBB2_27:
0x212: {  	p2 =	sne.s32 s29, $0x1;
	v11 =	vld [tilespmem:s28+$0x0];
	v5 =	vadd.s32 v5, v6;
	_ =	sdelay $0x2  }
.Ltmp24:
0x213: {  	(pc) =	sbr.rel @p2 .LBB2_27-.Ltmp24, $4  }
0x214: {  	_ = 	snop  }
0x215: {  	vm0 =	veq.f32 v11, v10  }
0x216: {  	v11 =	vsel vm0, $0xFF800000, v11;
	v6 =	vmpcnt.ones.xlane vm0  }
0x217: {  	s29 =	sadd.s32 $0xFFFFFFFF, s29;
	[tilespmem:s28+$0x0] =	vst v11;
	s28 =	sadd.s32 $0x10, s28  }
.LBB2_28:
0x218: {  	v11 =	vld [tilespmem:s28+$0x0];
	_ =	sdelay $0x3  }
.Ltmp25:
0x219: {  	_ = 	snop;
	(pc) =	sbr.rel .LBB2_29-.Ltmp25, $4  }
0x21a: {  	vm0 =	veq.f32 v11, v10  }
0x21b: {  	v5 =	vadd.s32 @p1 v5, v6;
	v6 =	vmpcnt.ones.xlane vm0  }
0x21c: {  	v4 =	vpsel p1, v5, v4;
	v11 =	vsel vm0, $0xFF800000, v11  }
0x21d: {  	[tilespmem:s28+$0x0] =	vst v11;
	v4 =	vadd.s32 v4, v6  }
.LBB2_24:
.Ltmp26:
0x21e: {  	(pc) =	sbr.rel .LBB2_28-.Ltmp26, $2  }
0x21f: {  	_ =	sdelay $0x2  }
0x220: {  	v5 =	vimm.s32 $0x0  }
.LBB2_26:
.Ltmp27:
0x221: {  	(pc) =	sbr.rel .LBB2_28-.Ltmp27, $2  }
0x222: {  	_ =	sdelay $0x2  }
0x223: {  	v5 =	vimm.s32 $0x0  }
.LBB2_30:
0x224: {  	(v2sf) =	vpush v9, $0x0;
	_ =	sdelay $0xe  }
0x225: {  	s0 =	spop (v2sf)  }
0x226: {  	p0 =	slt.s32 s0, $0x1000  }
0x227: {  	p1 =	slt.s32 s0, $0xFFFFFFF2;
	s0 =	simm.s32 @!p0 $0x1000  }
0x228: {  	s0 =	sadd.s32 $0xF, s0  }
0x229: {  	s2 =	sand.u32 $0xF, s0  }
0x22a: {  	s15 =	sshra.s32 s0, $0x1F;
	p6 =	sne.s32 s2, $0x0  }
.Ltmp28:
0x22b: {  	s31 =	sshrl.u32 s15, $0x1C;
	p0 =	por !p1, !p6;
	(pc) =	sbr.rel .LBB2_31-.Ltmp28, $4  }
0x22c: {  	s2 =	simm.s32 $0x1;
	s0 =	sadd.s32 s31, s0;
	p0 =	por !p0, !p0  }
0x22d: {  	s0 =	sshra.s32 s0, $0x4;
	s2 =	simm.s32 @!p0 $0x0  }
0x22e: {  	[tilespmem:$0xA100] =	vst v8;
	s24 =	ssub.s32 s0, s2  }
0x22f: {  	[tilespmem:$0xA110] =	vst v7;
	s26 =	simm.s32 $0x0;
	v7 =	vimm.f32 $-Inf;
	v8 =	vimm.f32 $-Inf;
	s25 =	simm.s32 $0x0;
	p0 =	slt.s32 s24, $0x1  }
.LBB2_32:
0x230: {  	_ = 	snop  }
0x231: {  	v10 =	vimm.s32 $0x0;
	v9 =	vmov v1  }
.LBB2_41:
0x232: {  	(v2sf) =	vpush v10, $0x0;
	_ =	sdelay $0xe  }
0x233: {  	s2 =	ssub.s32 $0x19, s26;
	s0 =	spop (v2sf)  }
0x234: {  	s25 =	sadd.s32 $0x1, s25;
	p1 =	slt.s32 s0, s2  }
0x235: {  	s2 =	smov.u32 @p1 s0;
	p1 =	sne.s32 s25, $0x19  }
.Ltmp29:
0x236: {  	v10 =	vmov s26;
	s0 =	sadd.s32 s26, s2;
	(pc) =	sbr.rel @!p1 .LBB2_42-.Ltmp29, $4  }
0x237: {  	vm0 =	vlt.s32 v10, v4;
	v11 =	vmov s0  }
0x238: {  	vm2 =	vlt.s32 v10, v5;
	vm1 =	vgt.s32 v11, v3;
	vm3 =	vgt.s32 v11, v6  }
0x239: {  	vm0 =	vmand vm0, vm1;
	vm15 =	vmand vm2, vm3  }
0x23a: {  	s26 =	smov.u32 s0;
	v8 =	vsel vm0, v9, v8;
	v7 =	vsel vm15, v9, v7  }
.LBB2_31:
.Ltmp30:
0x23b: {  	(pc) =	sbr.rel @p0 .LBB2_32-.Ltmp30, $2  }
0x23c: {  	_ =	sdelay $0x2  }
0x23d: {  	s28 =	simm.s32 $0x9000  }
0x23e: {  	p1 =	sne.s32 s24, $0x1  }
.Ltmp31:
0x23f: {  	_ = 	snop;
	(pc) =	sbr.rel @!p1 .LBB2_35-.Ltmp31, $2  }
0x240: {  	_ =	sdelay $0x2  }
0x241: {  	s29 =	sadd.s32 $0xFFFFFFFF, s24;
	v10 =	vld [tilespmem:s28+$0x0];
	v9 =	vimm.f32 $-Inf  }
.LBB2_34:
0x242: {  	p1 =	sne.s32 s29, $0x1  }
.Ltmp32:
0x243: {  	_ = 	snop;
	(pc) =	sbr.rel @p1 .LBB2_34-.Ltmp32, $3  }
0x244: {  	_ =	sdelay $0x1  }
0x245: {  	s29 =	sadd.s32 $0xFFFFFFFF, s29;
	s28 =	sadd.s32 $0x10, s28;
	v9 =	vmax.f32 v9, v10  }
0x246: {  	v10 =	vld [tilespmem:s28+$0x0]  }
.LBB2_35:
0x247: {  	_ =	sdelay $0x3  }
0x248: {  	v9 =	vmax.f32 v9, v10  }
0x249: {  	(xrf0) =	vmax.scan.msk.f32 $0xffff, v9;
	_ =	sdelay $0x1  }
0x24a: {  	p2 =	sne.s32 s24, $0x1  }
.Ltmp33:
0x24b: {  	_ = 	snop;
	(pc) =	sbr.rel @!p2 .LBB2_36-.Ltmp33, $3  }
0x24c: {  	_ =	sdelay $0x1  }
0x24d: {  	v9, _, _ =	vpop (xrf0)  }
0x24e: {  	s28 =	simm.s32 $0x9000;
	s29 =	sadd.s32 $0xFFFFFFFF, s24;
	p1 =	por $0x0, $0x0;
	v10 =	vimm.s32 $0x0;
	v9 =	vbroadcast v9, $0xF  }
0x24f: {  	v11 =	vld [tilespmem:s28+$0x0];
	_ =	sdelay $0x1  }
0x250: {  	p2 =	sne.s32 s29, $0x1  }
.Ltmp34:
0x251: {  	_ = 	snop;
	(pc) =	sbr.rel @!p2 .LBB2_38-.Ltmp34, $4  }
0x252: {  	_ = 	snop  }
0x253: {  	vm0 =	veq.f32 v11, v9  }
0x254: {  	v11 =	vsel vm0, $0xFF800000, v11;
	v12 =	vmpcnt.ones.xlane vm0  }
0x255: {  	s29 =	sadd.s32 $0xFFFFFFFF, s29;
	p1 =	por $0x1, $0x1;
	[tilespmem:s28+$0x0] =	vst v11;
	s28 =	simm.s32 $0x9010;
	v11 =	vimm.s32 $0x0  }
.LBB2_39:
0x256: {  	p2 =	sne.s32 s29, $0x1;
	v13 =	vld [tilespmem:s28+$0x0];
	v11 =	vadd.s32 v11, v12;
	_ =	sdelay $0x2  }
.Ltmp35:
0x257: {  	(pc) =	sbr.rel @p2 .LBB2_39-.Ltmp35, $4  }
0x258: {  	_ = 	snop  }
0x259: {  	vm0 =	veq.f32 v13, v9  }
0x25a: {  	v13 =	vsel vm0, $0xFF800000, v13;
	v12 =	vmpcnt.ones.xlane vm0  }
0x25b: {  	s29 =	sadd.s32 $0xFFFFFFFF, s29;
	[tilespmem:s28+$0x0] =	vst v13;
	s28 =	sadd.s32 $0x10, s28  }
.LBB2_40:
0x25c: {  	v13 =	vld [tilespmem:s28+$0x0];
	_ =	sdelay $0x3  }
.Ltmp36:
0x25d: {  	_ = 	snop;
	(pc) =	sbr.rel .LBB2_41-.Ltmp36, $4  }
0x25e: {  	vm0 =	veq.f32 v13, v9  }
0x25f: {  	v11 =	vadd.s32 @p1 v11, v12;
	v63 =	vmpcnt.ones.xlane vm0  }
0x260: {  	v10 =	vpsel p1, v11, v10;
	v13 =	vsel vm0, $0xFF800000, v13  }
0x261: {  	[tilespmem:s28+$0x0] =	vst v13;
	v10 =	vadd.s32 v10, v63  }
.LBB2_36:
.Ltmp37:
0x262: {  	(pc) =	sbr.rel .LBB2_40-.Ltmp37, $2  }
0x263: {  	_ =	sdelay $0x2  }
0x264: {  	v11 =	vimm.s32 $0x0  }
.LBB2_38:
.Ltmp38:
0x265: {  	(pc) =	sbr.rel .LBB2_40-.Ltmp38, $2  }
0x266: {  	_ =	sdelay $0x2  }
0x267: {  	v11 =	vimm.s32 $0x0  }
.LBB2_43:
0x268: {  	_ =	sfence.sel $0x180000  }
0x269: {  	[bflag:$0x0] =	sbarrier.arrive $0xFFFF  }
0x26a: {  	_ =	strace $0x90000047  }
0x26b: {  	s0 =	stileid.u32;
	[bflag:$0x2] =	sbarrier.arrive $0xFFFF  }
0x26c: {  	p0 =	sne.s32 s0, $0x0;
	s0 =	rddreg [dreg:$0x3]  }
0x26d: {  	s0 =	sadd.s32 @!p0 $0x100000, s0  }
0x26e: {  	[sflag:s0] =	ssyncadd.tile.s32 @!p0 $0x1;
	_ =	shalt  }
.Lfunc_end2:
_tile_overlayer_lowered:
.L_overlay_start_2:
0x26f: {  	(tag) =	ssettag $0x2  }
0x270: {  	s0 =	rddreg [dreg:$0x0];
	s2 =	stileid.u32  }
0x271: {  	s1 =	rddreg [dreg:$0x1];
	p0 =	sne.s32 s2, $0x0  }
0x272: {  	s3 =	rddreg [dreg:$0x2];
	[bflag:$0x3] =	sbarrier.arrive $0xFFFF;
	s2 =	simm.s32 @!p0 $0x1C03  }
0x273: {  	[timem:s3], [sflag:s2] =	dma.local @!p0 [hbm:s0], s1  }
0x274: {  	s0 =	simm.s32 @!p0 $0x3  }
0x275: {  	_ =	swait.ge @!p0 [sflag:s0], s1  }
0x276: {  	s1 =	ssub.s32 @!p0 $0x0, s1;
	[sflag:s0] =	ssyncset.done @!p0 $0x0  }
0x277: {  	[sflag:s0] =	ssyncadd.s32 @!p0 s1  }
0x278: {  	[bflag:$0x3] =	sbarrier.arrive $0xFFFF  }
0x279: {  	_ =	shalt  }

</sc_bundles>
